<compile_context>
chip_gen: v7x
topology: tpu7x:2x2x1
jax: 0.10.2.dev20260603
libtpu: 0.0.44.dev20260713+nightly
codegen_flags: <defaults>
</compile_context>

<pallas_src>
import functools

import jax
import jax.numpy as jnp
from jax import lax
from jax.experimental import pallas as pl
from jax.experimental.pallas import tpu as pltpu
from jax.experimental.pallas import tpu_sc as plsc

_NC = 2
_NS = 16
_CH = 128


def _sc_mesh():
    return plsc.VectorSubcoreMesh(core_axis_name="c", subcore_axis_name="s")


def _init_slices(N):
    rpt = (N // _NS) & ~7
    tail = N - _NS * rpt
    return rpt, tail


def _build_sc_deg(N, NACC, H, KCHD):
    rpt_acc = NACC // _NS
    rpt, tail = _init_slices(N)

    @functools.partial(
        pl.kernel,
        out_type=jax.ShapeDtypeStruct((_NC, N, H), jnp.float32),
        mesh=_sc_mesh(),
        scratch_types=[
            pltpu.VMEM((KCHD, _CH), jnp.int32),
            pltpu.VMEM((_CH, H), jnp.float32),
            pltpu.VMEM_SHARED((NACC, H), jnp.float32),
        ],
    )
    def deg_kernel(dst_hbm, ones_hbm, zeros_hbm, out_hbm, dst_iv, ones_v, acc):
        c = lax.axis_index("c")
        s = lax.axis_index("s")
        tile = c * _NS + s
        pltpu.sync_copy(zeros_hbm.at[pl.ds(s * rpt_acc, rpt_acc)],
                        acc.at[pl.ds(s * rpt_acc, rpt_acc)])
        pltpu.sync_copy(ones_hbm, ones_v)
        pltpu.sync_copy(dst_hbm.at[tile], dst_iv)
        plsc.subcore_barrier()

        def body(k, carry):
            pltpu.sync_copy(ones_v, acc.at[dst_iv.at[k]], add=True)
            return carry

        lax.fori_loop(0, KCHD, body, 0)
        plsc.subcore_barrier()
        pltpu.sync_copy(acc.at[pl.ds(s * rpt, rpt)],
                        out_hbm.at[c].at[pl.ds(s * rpt, rpt)])

        @pl.when(s == _NS - 1)
        def _():
            pltpu.sync_copy(acc.at[pl.ds(_NS * rpt, tail)],
                            out_hbm.at[c].at[pl.ds(_NS * rpt, tail)])

    return deg_kernel


def _build_sc_spmm(N, NACC, H, KCH):
    rpt, tail = _init_slices(N)
    rpt1 = NACC // _NS
    dums = NACC - N

    @functools.partial(
        pl.kernel,
        out_type=jax.ShapeDtypeStruct((_NC, N, H), jnp.float32),
        mesh=_sc_mesh(),
        scratch_types=[
            pltpu.VMEM((KCH, _CH), jnp.int32),
            pltpu.VMEM((KCH, _CH), jnp.int32),
            pltpu.VMEM((_CH, H), jnp.float32),
            pltpu.VMEM_SHARED((NACC, H), jnp.float32),
            pltpu.SemaphoreType.DMA,
        ],
    )
    def spmm_kernel(xw_hbm, zeros_hbm, src_hbm, dst_hbm, out_hbm,
                    src_iv, dst_iv, rows_v, acc, gsem):
        c = lax.axis_index("c")
        s = lax.axis_index("s")
        tile = c * _NS + s

        @pl.when(c == 0)
        def _():
            pltpu.sync_copy(xw_hbm.at[pl.ds(s * rpt, rpt)],
                            acc.at[pl.ds(s * rpt, rpt)])

            @pl.when(s == _NS - 1)
            def _():
                pltpu.sync_copy(xw_hbm.at[pl.ds(_NS * rpt, tail)],
                                acc.at[pl.ds(_NS * rpt, tail)])

            @pl.when(s == 0)
            def _():
                pltpu.sync_copy(zeros_hbm.at[pl.ds(0, dums)],
                                acc.at[pl.ds(N, dums)])

        @pl.when(c == 1)
        def _():
            pltpu.sync_copy(zeros_hbm.at[pl.ds(s * rpt1, rpt1)],
                            acc.at[pl.ds(s * rpt1, rpt1)])

        pltpu.sync_copy(src_hbm.at[tile], src_iv)
        pltpu.sync_copy(dst_hbm.at[tile], dst_iv)
        plsc.subcore_barrier()

        def body(k, carry):
            pltpu.async_copy(xw_hbm.at[src_iv.at[k]], rows_v, gsem).wait()
            pltpu.sync_copy(rows_v, acc.at[dst_iv.at[k]], add=True)
            return carry

        lax.fori_loop(0, KCH, body, 0)
        plsc.subcore_barrier()
        pltpu.sync_copy(acc.at[pl.ds(s * rpt, rpt)],
                        out_hbm.at[c].at[pl.ds(s * rpt, rpt)])

        @pl.when(s == _NS - 1)
        def _():
            pltpu.sync_copy(acc.at[pl.ds(_NS * rpt, tail)],
                            out_hbm.at[c].at[pl.ds(_NS * rpt, tail)])

    return spmm_kernel


def _bn_relu(h, g, b):
    mu = jnp.mean(h, axis=0, keepdims=True)
    d = h - mu
    var = jnp.mean(d * d, axis=0, keepdims=True)
    return jnp.maximum(d * lax.rsqrt(var + 1e-5) * g + b, 0.0)


def _tc_pre_body(x, w_in, b_in, g_in, beta_in, dinv, w0, h_o, xw_o):
    h = jnp.dot(x[...], w_in[...], preferred_element_type=jnp.float32) + b_in[...]
    h = _bn_relu(h, g_in[...], beta_in[...])
    h_o[...] = h
    xw_o[...] = dinv[...] * jnp.dot(h, w0[...], preferred_element_type=jnp.float32)


def _tc_mid_body(sp, dinv, cb, g, b, hres, wn, h_o, xw_o):
    t = dinv[...] * (sp[0] + sp[1]) + cb[...]
    h = _bn_relu(t, g[...], b[...]) + hres[...]
    h_o[...] = h
    xw_o[...] = dinv[...] * jnp.dot(h, wn[...], preferred_element_type=jnp.float32)


def _tc_post_body(sp, dinv, cb, g, b, hres, wh, bh, out_o):
    t = dinv[...] * (sp[0] + sp[1]) + cb[...]
    h = _bn_relu(t, g[...], b[...]) + hres[...]
    heads = jnp.dot(h, wh[...], preferred_element_type=jnp.float32) + bh[...]
    clipped = jnp.clip(heads, -10.0, 10.0)
    col = lax.broadcasted_iota(jnp.int32, heads.shape, 1)
    out_o[...] = jnp.where(col == 1, clipped, heads)


def kernel(x, edge_index, W_in, b_in, g_in, beta_in, conv_W, conv_b,
           bn_g, bn_b, W_mean, b_mean, W_lv, b_lv):
    N, _ = x.shape
    H = W_in.shape[1]
    L = conv_W.shape[0]
    E = edge_index.shape[1]
    TPW = _NC * _NS
    grp = TPW * _CH
    EP = ((E + grp - 1) // grp) * grp
    KCH = EP // grp
    NACC = ((N + 16 * 8) // (16 * 8)) * (16 * 8)

    f32 = jnp.float32
    src = edge_index[0].astype(jnp.int32)
    dst = edge_index[1].astype(jnp.int32)
    pad = EP - E
    src3 = jnp.concatenate(
        [src, jnp.zeros((pad,), jnp.int32)]).reshape(TPW, KCH, _CH)
    dst3 = jnp.concatenate(
        [dst, jnp.full((pad,), N, jnp.int32)]).reshape(TPW, KCH, _CH)

    zeros_h = jnp.zeros((NACC, H), f32)
    ones_h = jnp.zeros((_CH, H), f32).at[:, 0].set(1.0)

    degp = _build_sc_deg(N, NACC, H, KCH)(dst3, ones_h, zeros_h)
    deg = degp[0, :, 0] + degp[1, :, 0] + 1.0
    dinv = lax.rsqrt(deg).reshape(N, 1)

    sds = jax.ShapeDtypeStruct
    b2 = lambda v: v.reshape(1, -1)

    h, xw = pl.pallas_call(
        _tc_pre_body, out_shape=(sds((N, H), f32), sds((N, H), f32)))(
            x, W_in, b2(b_in), b2(g_in), b2(beta_in), dinv, conv_W[0])

    spmm = _build_sc_spmm(N, NACC, H, KCH)
    heads = None
    for i in range(L):
        sp = spmm(xw, zeros_h, src3, dst3)
        if i + 1 < L:
            h, xw = pl.pallas_call(
                _tc_mid_body, out_shape=(sds((N, H), f32), sds((N, H), f32)))(
                    sp, dinv, b2(conv_b[i]), b2(bn_g[i]), b2(bn_b[i]), h,
                    conv_W[i + 1])
        else:
            wh = jnp.concatenate([W_mean, W_lv], axis=1)
            bh = jnp.concatenate([b_mean, b_lv]).reshape(1, 2)
            heads = pl.pallas_call(
                _tc_post_body, out_shape=sds((N, 2), f32))(
                    sp, dinv, b2(conv_b[i]), b2(bn_g[i]), b2(bn_b[i]), h, wh, bh)
    return heads[:, 0], heads[:, 1]

# --- scband reference (transcript-rebuilt; emitter-appended) ---
"""Pipeline reference for scband-gcnwildfire-70772471103954 (READ-ONLY COPY).

The authoritative reference and input builder live on the scoring server;
editing this copy changes nothing except your own understanding.
"""

import jax, jax.numpy as jnp
import numpy as np

N = 10000
E = 320000
D = 128
H = 128
L = 4

def setup_inputs(seed: int = 0):
    key = jax.random.key(seed)
    ks = jax.random.split(key, 16)
    x = jax.random.normal(ks[0], (N, D), dtype=jnp.float32)
    edge_index = jax.random.randint(ks[1], (2, E), 0, N)
    W_in = jax.random.normal(ks[2], (D, H), dtype=jnp.float32) * 0.05
    b_in = jnp.zeros((H,), dtype=jnp.float32)
    g_in = jnp.ones((H,), dtype=jnp.float32)
    beta_in = jnp.zeros((H,), dtype=jnp.float32)
    conv_W = jax.random.normal(ks[3], (L, H, H), dtype=jnp.float32) * 0.05
    conv_b = jnp.zeros((L, H), dtype=jnp.float32)
    bn_g = jnp.ones((L, H), dtype=jnp.float32)
    bn_b = jnp.zeros((L, H), dtype=jnp.float32)
    W_mean = jax.random.normal(ks[4], (H, 1), dtype=jnp.float32) * 0.05
    b_mean = jnp.zeros((1,), dtype=jnp.float32)
    W_lv = jax.random.normal(ks[5], (H, 1), dtype=jnp.float32) * 0.05
    b_lv = jnp.zeros((1,), dtype=jnp.float32)
    return {"x": x, "edge_index": edge_index, "W_in": W_in, "b_in": b_in, "g_in": g_in, "beta_in": beta_in, "conv_W": conv_W, "conv_b": conv_b, "bn_g": bn_g, "bn_b": bn_b, "W_mean": W_mean, "b_mean": b_mean, "W_lv": W_lv, "b_lv": b_lv}

def _batchnorm(h, g, b):
    mu = jnp.mean(h, axis=0)
    var = jnp.var(h, axis=0)
    return (h - mu) / jnp.sqrt(var + 1e-5) * g + b

def _gcn_conv(h, src, dst, W, b):
    xw = h @ W
    deg = jnp.zeros((N,), dtype=h.dtype).at[dst].add(1.0)
    dinv = jnp.where(deg > 0, 1.0 / jnp.sqrt(deg), 0.0)
    norm = dinv[src] * dinv[dst]
    msg = xw[src] * norm[:, None]
    out = jnp.zeros((N, xw.shape[1]), dtype=h.dtype).at[dst].add(msg)
    return out + b

def reference(x, edge_index, W_in, b_in, g_in, beta_in, conv_W, conv_b, bn_g, bn_b, W_mean, b_mean, W_lv, b_lv):
    loop = jnp.arange(N)
    src = jnp.concatenate([edge_index[0], loop])
    dst = jnp.concatenate([edge_index[1], loop])
    h = x @ W_in + b_in
    h = _batchnorm(h, g_in, beta_in)
    h = jax.nn.relu(h)
    for i in range(L):
        residual = h
        h = _gcn_conv(h, src, dst, conv_W[i], conv_b[i])
        h = _batchnorm(h, bn_g[i], bn_b[i])
        h = jax.nn.relu(h)
        h = h + residual
    mean = (h @ W_mean + b_mean)[:, 0]
    log_var = jnp.clip((h @ W_lv + b_lv)[:, 0], -10.0, 10.0)
    return (mean, log_var)

if __name__ == "__main__":
    import jax
    _d = setup_inputs()
    print(jax.jit(kernel)(*tuple(_d.values())))

</pallas_src>

<mosaic_0001>
#map = affine_map<(d0, d1) -> (0, 0, 0)>
#map1 = affine_map<(d0, d1) -> (0, 0)>
module attributes {stable_mosaic.version = 14 : i64} {
  func.func @deg_kernel(%arg0: i32, %arg1: i32, %arg2: memref<32x79x128xi32, #tpu.memory_space<hbm>>, %arg3: memref<128x128xf32, #tpu.memory_space<hbm>>, %arg4: memref<10112x128xf32, #tpu.memory_space<hbm>>, %arg5: memref<2x10000x128xf32, #tpu.memory_space<hbm>>, %arg6: memref<79x128xi32, #tpu.memory_space<vmem>>, %arg7: memref<128x128xf32, #tpu.memory_space<vmem>>, %arg8: memref<10112x128xf32, #tpu.memory_space<vmem_shared>>) attributes {dimension_semantics = [#tpu.dimension_semantics<core_parallel>, #tpu.dimension_semantics<subcore_parallel>], iteration_bounds = array<i64: 2, 16>, scalar_prefetch = 0 : i64, scratch_operands = 3 : i64, tpu.core_type = #tpu.core_type<sc_vector_subcore>, window_params = [{transform_indices = #map}, {transform_indices = #map1}, {transform_indices = #map1}, {transform_indices = #map}]} {
    %mul3A = arith.constant 16 : i32
    %mul3A_0 = arith.muli %arg0, %mul3A : i32
    %add3A = arith.addi %mul3A_0, %arg1 : i32
    %mul3A_1 = arith.constant 632 : i32
    %mul3A_2 = arith.muli %arg1, %mul3A_1 : i32
    %mul3A_3 = arith.constant 632 : i32
    %mul3A_4 = arith.muli %arg1, %mul3A_3 : i32
    "tpu.region"() ({
      %run_scoped3A = tpu.sem_alloc : memref<!tpu.dma_semaphore, #tpu.memory_space<semaphore_mem>>
      %dma_start3A = arith.constant 0 : i32
      %dma_start3A_17 = tpu.memref_slice %arg8[%mul3A_4, %dma_start3A] : memref<10112x128xf32, #tpu.memory_space<vmem_shared>> -> memref<632x128xf32, #tpu.memory_space<vmem_shared>>
      %dma_start3A_18 = arith.constant 0 : i32
      %dma_start3A_19 = tpu.memref_slice %arg4[%mul3A_2, %dma_start3A_18] : memref<10112x128xf32, #tpu.memory_space<hbm>> -> memref<632x128xf32, #tpu.memory_space<hbm>>
      tpu.enqueue_dma source(%dma_start3A_19 : memref<632x128xf32, #tpu.memory_space<hbm>>) target(%dma_start3A_17 : memref<632x128xf32, #tpu.memory_space<vmem_shared>>) target_semaphore(%run_scoped3A : memref<!tpu.dma_semaphore, #tpu.memory_space<semaphore_mem>>)
      %dma_wait3A = arith.constant 0 : i32
      %dma_wait3A_20 = tpu.memref_slice %arg8[%mul3A_4, %dma_wait3A] : memref<10112x128xf32, #tpu.memory_space<vmem_shared>> -> memref<632x128xf32, #tpu.memory_space<vmem_shared>>
      %dma_wait3A_21 = arith.constant 0 : i32
      %dma_wait3A_22 = tpu.memref_slice %arg4[%mul3A_2, %dma_wait3A_21] : memref<10112x128xf32, #tpu.memory_space<hbm>> -> memref<632x128xf32, #tpu.memory_space<hbm>>
      tpu.wait_dma2 semaphore(%run_scoped3A : memref<!tpu.dma_semaphore, #tpu.memory_space<semaphore_mem>>) src(%dma_wait3A_22 : memref<632x128xf32, #tpu.memory_space<hbm>>) dst(%dma_wait3A_20 : memref<632x128xf32, #tpu.memory_space<vmem_shared>>)
      tpu.yield
    }) : () -> ()
    "tpu.region"() ({
      %run_scoped3A = tpu.sem_alloc : memref<!tpu.dma_semaphore, #tpu.memory_space<semaphore_mem>>
      tpu.enqueue_dma source(%arg3 : memref<128x128xf32, #tpu.memory_space<hbm>>) target(%arg7 : memref<128x128xf32, #tpu.memory_space<vmem>>) target_semaphore(%run_scoped3A : memref<!tpu.dma_semaphore, #tpu.memory_space<semaphore_mem>>)
      tpu.wait_dma2 semaphore(%run_scoped3A : memref<!tpu.dma_semaphore, #tpu.memory_space<semaphore_mem>>) src(%arg3 : memref<128x128xf32, #tpu.memory_space<hbm>>) dst(%arg7 : memref<128x128xf32, #tpu.memory_space<vmem>>)
      tpu.yield
    }) : () -> ()
    "tpu.region"() ({
      %run_scoped3A = tpu.sem_alloc : memref<!tpu.dma_semaphore, #tpu.memory_space<semaphore_mem>>
      %dma_start3A = arith.constant 0 : i32
      %dma_start3A_17 = arith.constant 0 : i32
      %dma_start3A_18 = tpu.memref_slice %arg2[%add3A, %dma_start3A, %dma_start3A_17] : memref<32x79x128xi32, #tpu.memory_space<hbm>> -> memref<1x79x128xi32, #tpu.memory_space<hbm>>
      %dma_start3A_19 = tpu.memref_squeeze %dma_start3A_18 : memref<1x79x128xi32, #tpu.memory_space<hbm>> -> memref<79x128xi32, #tpu.memory_space<hbm>>
      %dma_start3A_20 = arith.constant 0 : i32
      %dma_start3A_21 = arith.constant 0 : i32
      %dma_start3A_22 = tpu.memref_slice %arg2[%add3A, %dma_start3A_20, %dma_start3A_21] : memref<32x79x128xi32, #tpu.memory_space<hbm>> -> memref<1x79x128xi32, #tpu.memory_space<hbm>>
      %dma_start3A_23 = tpu.memref_squeeze %dma_start3A_22 : memref<1x79x128xi32, #tpu.memory_space<hbm>> -> memref<79x128xi32, #tpu.memory_space<hbm>>
      tpu.enqueue_dma source(%dma_start3A_23 : memref<79x128xi32, #tpu.memory_space<hbm>>) target(%arg6 : memref<79x128xi32, #tpu.memory_space<vmem>>) target_semaphore(%run_scoped3A : memref<!tpu.dma_semaphore, #tpu.memory_space<semaphore_mem>>)
      %dma_wait3A = arith.constant 0 : i32
      %dma_wait3A_24 = arith.constant 0 : i32
      %dma_wait3A_25 = tpu.memref_slice %arg2[%add3A, %dma_wait3A, %dma_wait3A_24] : memref<32x79x128xi32, #tpu.memory_space<hbm>> -> memref<1x79x128xi32, #tpu.memory_space<hbm>>
      %dma_wait3A_26 = tpu.memref_squeeze %dma_wait3A_25 : memref<1x79x128xi32, #tpu.memory_space<hbm>> -> memref<79x128xi32, #tpu.memory_space<hbm>>
      %dma_wait3A_27 = arith.constant 0 : i32
      %dma_wait3A_28 = arith.constant 0 : i32
      %dma_wait3A_29 = tpu.memref_slice %arg2[%add3A, %dma_wait3A_27, %dma_wait3A_28] : memref<32x79x128xi32, #tpu.memory_space<hbm>> -> memref<1x79x128xi32, #tpu.memory_space<hbm>>
      %dma_wait3A_30 = tpu.memref_squeeze %dma_wait3A_29 : memref<1x79x128xi32, #tpu.memory_space<hbm>> -> memref<79x128xi32, #tpu.memory_space<hbm>>
      tpu.wait_dma2 semaphore(%run_scoped3A : memref<!tpu.dma_semaphore, #tpu.memory_space<semaphore_mem>>) src(%dma_wait3A_30 : memref<79x128xi32, #tpu.memory_space<hbm>>) dst(%arg6 : memref<79x128xi32, #tpu.memory_space<vmem>>)
      tpu.yield
    }) : () -> ()
    %barrier3A = arith.constant 0 : index
    tpu.barrier barrier_id(%barrier3A)
    %scan3A = arith.constant 0 : i32
    %scan3A_5 = arith.constant 0 : i32
    %scan3A_6 = arith.constant 79 : i32
    %scan3A_7 = arith.addi %scan3A_5, %scan3A_6 : i32
    %scan3A_8 = arith.constant 1 : i32
    scf.for %scan3A_17 = %scan3A_5 to %scan3A_7 step %scan3A_8  : i32 {
      "tpu.region"() ({
        %run_scoped3A = tpu.sem_alloc : memref<!tpu.dma_semaphore, #tpu.memory_space<semaphore_mem>>
        %dma_start3A = arith.constant 0 : i32
        %dma_start3A_18 = tpu.memref_slice %arg6[%scan3A_17, %dma_start3A] : memref<79x128xi32, #tpu.memory_space<vmem>> -> memref<1x128xi32, #tpu.memory_space<vmem>>
        %dma_start3A_19 = tpu.memref_squeeze %dma_start3A_18 : memref<1x128xi32, #tpu.memory_space<vmem>> -> memref<128xi32, #tpu.memory_space<vmem>>
        %dma_start3A_20 = arith.constant 0 : i32
        %dma_start3A_21 = arith.constant 0 : i32
        %dma_start3A_22 = tpu.memref_slice %arg8[%dma_start3A_20, %dma_start3A_21] : memref<10112x128xf32, #tpu.memory_space<vmem_shared>> -> memref<10112x128xf32, #tpu.memory_space<vmem_shared>>
        tpu.enqueue_indirect_dma source(%arg7 : memref<128x128xf32, #tpu.memory_space<vmem>>) target(%dma_start3A_22 : memref<10112x128xf32, #tpu.memory_space<vmem_shared>>) offsets(%dma_start3A_19 : memref<128xi32, #tpu.memory_space<vmem>>) semaphore(%run_scoped3A : memref<!tpu.dma_semaphore, #tpu.memory_space<semaphore_mem>>) {add = true}
        %dma_wait3A = arith.constant 0 : i32
        %dma_wait3A_23 = tpu.memref_slice %arg6[%scan3A_17, %dma_wait3A] : memref<79x128xi32, #tpu.memory_space<vmem>> -> memref<1x128xi32, #tpu.memory_space<vmem>>
        %dma_wait3A_24 = tpu.memref_squeeze %dma_wait3A_23 : memref<1x128xi32, #tpu.memory_space<vmem>> -> memref<128xi32, #tpu.memory_space<vmem>>
        %dma_wait3A_25 = arith.constant 0 : i32
        %dma_wait3A_26 = arith.constant 0 : i32
        %dma_wait3A_27 = tpu.memref_slice %arg8[%dma_wait3A_25, %dma_wait3A_26] : memref<10112x128xf32, #tpu.memory_space<vmem_shared>> -> memref<10112x128xf32, #tpu.memory_space<vmem_shared>>
        tpu.wait_indirect_dma semaphore(%run_scoped3A : memref<!tpu.dma_semaphore, #tpu.memory_space<semaphore_mem>>) src(%arg7 : memref<128x128xf32, #tpu.memory_space<vmem>>) dst(%dma_wait3A_27 : memref<10112x128xf32, #tpu.memory_space<vmem_shared>>)
        tpu.yield
      }) : () -> ()
    }
    %scan3A_9 = arith.constant 79 : i32
    %barrier3A_10 = arith.constant 0 : index
    tpu.barrier barrier_id(%barrier3A_10)
    %mul3A_11 = arith.constant 624 : i32
    %mul3A_12 = arith.muli %arg1, %mul3A_11 : i32
    %mul3A_13 = arith.constant 624 : i32
    %mul3A_14 = arith.muli %arg1, %mul3A_13 : i32
    "tpu.region"() ({
      %run_scoped3A = tpu.sem_alloc : memref<!tpu.dma_semaphore, #tpu.memory_space<semaphore_mem>>
      %dma_start3A = arith.constant 0 : i32
      %dma_start3A_17 = arith.constant 0 : i32
      %dma_start3A_18 = tpu.memref_slice %arg5[%arg0, %dma_start3A, %dma_start3A_17] : memref<2x10000x128xf32, #tpu.memory_space<hbm>> -> memref<1x10000x128xf32, #tpu.memory_space<hbm>>
      %dma_start3A_19 = tpu.memref_squeeze %dma_start3A_18 : memref<1x10000x128xf32, #tpu.memory_space<hbm>> -> memref<10000x128xf32, #tpu.memory_space<hbm>>
      %dma_start3A_20 = arith.constant 0 : i32
      %dma_start3A_21 = tpu.memref_slice %dma_start3A_19[%mul3A_14, %dma_start3A_20] : memref<10000x128xf32, #tpu.memory_space<hbm>> -> memref<624x128xf32, #tpu.memory_space<hbm>>
      %dma_start3A_22 = arith.constant 0 : i32
      %dma_start3A_23 = tpu.memref_slice %arg8[%mul3A_12, %dma_start3A_22] : memref<10112x128xf32, #tpu.memory_space<vmem_shared>> -> memref<624x128xf32, #tpu.memory_space<vmem_shared>>
      tpu.enqueue_dma source(%dma_start3A_23 : memref<624x128xf32, #tpu.memory_space<vmem_shared>>) target(%dma_start3A_21 : memref<624x128xf32, #tpu.memory_space<hbm>>) target_semaphore(%run_scoped3A : memref<!tpu.dma_semaphore, #tpu.memory_space<semaphore_mem>>)
      %dma_wait3A = arith.constant 0 : i32
      %dma_wait3A_24 = arith.constant 0 : i32
      %dma_wait3A_25 = tpu.memref_slice %arg5[%arg0, %dma_wait3A, %dma_wait3A_24] : memref<2x10000x128xf32, #tpu.memory_space<hbm>> -> memref<1x10000x128xf32, #tpu.memory_space<hbm>>
      %dma_wait3A_26 = tpu.memref_squeeze %dma_wait3A_25 : memref<1x10000x128xf32, #tpu.memory_space<hbm>> -> memref<10000x128xf32, #tpu.memory_space<hbm>>
      %dma_wait3A_27 = arith.constant 0 : i32
      %dma_wait3A_28 = tpu.memref_slice %dma_wait3A_26[%mul3A_14, %dma_wait3A_27] : memref<10000x128xf32, #tpu.memory_space<hbm>> -> memref<624x128xf32, #tpu.memory_space<hbm>>
      %dma_wait3A_29 = arith.constant 0 : i32
      %dma_wait3A_30 = tpu.memref_slice %arg8[%mul3A_12, %dma_wait3A_29] : memref<10112x128xf32, #tpu.memory_space<vmem_shared>> -> memref<624x128xf32, #tpu.memory_space<vmem_shared>>
      tpu.wait_dma2 semaphore(%run_scoped3A : memref<!tpu.dma_semaphore, #tpu.memory_space<semaphore_mem>>) src(%dma_wait3A_30 : memref<624x128xf32, #tpu.memory_space<vmem_shared>>) dst(%dma_wait3A_28 : memref<624x128xf32, #tpu.memory_space<hbm>>)
      tpu.yield
    }) : () -> ()
    %eq3A = arith.constant 15 : i32
    %eq3A_15 = arith.cmpi eq, %arg1, %eq3A : i32
    %convert_element_type3A = arith.extui %eq3A_15 : i1 to i32
    %cond3A = arith.constant 0 : i32
    %cond3A_16 = arith.cmpi ne, %convert_element_type3A, %cond3A : i32
    scf.if %cond3A_16 {
      "tpu.region"() ({
        %run_scoped3A = tpu.sem_alloc : memref<!tpu.dma_semaphore, #tpu.memory_space<semaphore_mem>>
        %dma_start3A = arith.constant 0 : i32
        %dma_start3A_17 = arith.constant 0 : i32
        %dma_start3A_18 = tpu.memref_slice %arg5[%arg0, %dma_start3A, %dma_start3A_17] : memref<2x10000x128xf32, #tpu.memory_space<hbm>> -> memref<1x10000x128xf32, #tpu.memory_space<hbm>>
        %dma_start3A_19 = tpu.memref_squeeze %dma_start3A_18 : memref<1x10000x128xf32, #tpu.memory_space<hbm>> -> memref<10000x128xf32, #tpu.memory_space<hbm>>
        %dma_start3A_20 = arith.constant 9984 : i32
        %dma_start3A_21 = arith.constant 0 : i32
        %dma_start3A_22 = tpu.memref_slice %dma_start3A_19[%dma_start3A_20, %dma_start3A_21] : memref<10000x128xf32, #tpu.memory_space<hbm>> -> memref<16x128xf32, #tpu.memory_space<hbm>>
        %dma_start3A_23 = arith.constant 9984 : i32
        %dma_start3A_24 = arith.constant 0 : i32
        %dma_start3A_25 = tpu.memref_slice %arg8[%dma_start3A_23, %dma_start3A_24] : memref<10112x128xf32, #tpu.memory_space<vmem_shared>> -> memref<16x128xf32, #tpu.memory_space<vmem_shared>>
        tpu.enqueue_dma source(%dma_start3A_25 : memref<16x128xf32, #tpu.memory_space<vmem_shared>>) target(%dma_start3A_22 : memref<16x128xf32, #tpu.memory_space<hbm>>) target_semaphore(%run_scoped3A : memref<!tpu.dma_semaphore, #tpu.memory_space<semaphore_mem>>)
        %dma_wait3A = arith.constant 0 : i32
        %dma_wait3A_26 = arith.constant 0 : i32
        %dma_wait3A_27 = tpu.memref_slice %arg5[%arg0, %dma_wait3A, %dma_wait3A_26] : memref<2x10000x128xf32, #tpu.memory_space<hbm>> -> memref<1x10000x128xf32, #tpu.memory_space<hbm>>
        %dma_wait3A_28 = tpu.memref_squeeze %dma_wait3A_27 : memref<1x10000x128xf32, #tpu.memory_space<hbm>> -> memref<10000x128xf32, #tpu.memory_space<hbm>>
        %dma_wait3A_29 = arith.constant 9984 : i32
        %dma_wait3A_30 = arith.constant 0 : i32
        %dma_wait3A_31 = tpu.memref_slice %dma_wait3A_28[%dma_wait3A_29, %dma_wait3A_30] : memref<10000x128xf32, #tpu.memory_space<hbm>> -> memref<16x128xf32, #tpu.memory_space<hbm>>
        %dma_wait3A_32 = arith.constant 9984 : i32
        %dma_wait3A_33 = arith.constant 0 : i32
        %dma_wait3A_34 = tpu.memref_slice %arg8[%dma_wait3A_32, %dma_wait3A_33] : memref<10112x128xf32, #tpu.memory_space<vmem_shared>> -> memref<16x128xf32, #tpu.memory_space<vmem_shared>>
        tpu.wait_dma2 semaphore(%run_scoped3A : memref<!tpu.dma_semaphore, #tpu.memory_space<semaphore_mem>>) src(%dma_wait3A_34 : memref<16x128xf32, #tpu.memory_space<vmem_shared>>) dst(%dma_wait3A_31 : memref<16x128xf32, #tpu.memory_space<hbm>>)
        tpu.yield
      }) : () -> ()
    } else {
    }
    return
  }
}

#map = affine_map<(d0, d1) -> (0, 0)>
#map1 = affine_map<(d0, d1) -> (0, 0, 0)>
module attributes {stable_mosaic.version = 14 : i64} {
  func.func @spmm_kernel(%arg0: i32, %arg1: i32, %arg2: memref<10000x128xf32, #tpu.memory_space<hbm>>, %arg3: memref<10112x128xf32, #tpu.memory_space<hbm>>, %arg4: memref<32x79x128xi32, #tpu.memory_space<hbm>>, %arg5: memref<32x79x128xi32, #tpu.memory_space<hbm>>, %arg6: memref<2x10000x128xf32, #tpu.memory_space<hbm>>, %arg7: memref<79x128xi32, #tpu.memory_space<vmem>>, %arg8: memref<79x128xi32, #tpu.memory_space<vmem>>, %arg9: memref<128x128xf32, #tpu.memory_space<vmem>>, %arg10: memref<10112x128xf32, #tpu.memory_space<vmem_shared>>, %arg11: memref<!tpu.dma_semaphore, #tpu.memory_space<semaphore_mem>>) attributes {dimension_semantics = [#tpu.dimension_semantics<core_parallel>, #tpu.dimension_semantics<subcore_parallel>], iteration_bounds = array<i64: 2, 16>, scalar_prefetch = 0 : i64, scratch_operands = 5 : i64, tpu.core_type = #tpu.core_type<sc_vector_subcore>, window_params = [{transform_indices = #map}, {transform_indices = #map}, {transform_indices = #map1}, {transform_indices = #map1}, {transform_indices = #map1}]} {
    %mul3A = arith.constant 16 : i32
    %mul3A_0 = arith.muli %arg0, %mul3A : i32
    %add3A = arith.addi %mul3A_0, %arg1 : i32
    %eq3A = arith.constant 0 : i32
    %eq3A_1 = arith.cmpi eq, %arg0, %eq3A : i32
    %convert_element_type3A = arith.extui %eq3A_1 : i1 to i32
    %cond3A = arith.constant 0 : i32
    %cond3A_2 = arith.cmpi ne, %convert_element_type3A, %cond3A : i32
    scf.if %cond3A_2 {
      %mul3A_23 = arith.constant 624 : i32
      %mul3A_24 = arith.muli %arg1, %mul3A_23 : i32
      %mul3A_25 = arith.constant 624 : i32
      %mul3A_26 = arith.muli %arg1, %mul3A_25 : i32
      "tpu.region"() ({
        %run_scoped3A = tpu.sem_alloc : memref<!tpu.dma_semaphore, #tpu.memory_space<semaphore_mem>>
        %dma_start3A = arith.constant 0 : i32
        %dma_start3A_37 = tpu.memref_slice %arg10[%mul3A_26, %dma_start3A] : memref<10112x128xf32, #tpu.memory_space<vmem_shared>> -> memref<624x128xf32, #tpu.memory_space<vmem_shared>>
        %dma_start3A_38 = arith.constant 0 : i32
        %dma_start3A_39 = tpu.memref_slice %arg2[%mul3A_24, %dma_start3A_38] : memref<10000x128xf32, #tpu.memory_space<hbm>> -> memref<624x128xf32, #tpu.memory_space<hbm>>
        tpu.enqueue_dma source(%dma_start3A_39 : memref<624x128xf32, #tpu.memory_space<hbm>>) target(%dma_start3A_37 : memref<624x128xf32, #tpu.memory_space<vmem_shared>>) target_semaphore(%run_scoped3A : memref<!tpu.dma_semaphore, #tpu.memory_space<semaphore_mem>>)
        %dma_wait3A = arith.constant 0 : i32
        %dma_wait3A_40 = tpu.memref_slice %arg10[%mul3A_26, %dma_wait3A] : memref<10112x128xf32, #tpu.memory_space<vmem_shared>> -> memref<624x128xf32, #tpu.memory_space<vmem_shared>>
        %dma_wait3A_41 = arith.constant 0 : i32
        %dma_wait3A_42 = tpu.memref_slice %arg2[%mul3A_24, %dma_wait3A_41] : memref<10000x128xf32, #tpu.memory_space<hbm>> -> memref<624x128xf32, #tpu.memory_space<hbm>>
        tpu.wait_dma2 semaphore(%run_scoped3A : memref<!tpu.dma_semaphore, #tpu.memory_space<semaphore_mem>>) src(%dma_wait3A_42 : memref<624x128xf32, #tpu.memory_space<hbm>>) dst(%dma_wait3A_40 : memref<624x128xf32, #tpu.memory_space<vmem_shared>>)
        tpu.yield
      }) : () -> ()
      %eq3A_27 = arith.constant 15 : i32
      %eq3A_28 = arith.cmpi eq, %arg1, %eq3A_27 : i32
      %convert_element_type3A_29 = arith.extui %eq3A_28 : i1 to i32
      %cond3A_30 = arith.constant 0 : i32
      %cond3A_31 = arith.cmpi ne, %convert_element_type3A_29, %cond3A_30 : i32
      scf.if %cond3A_31 {
        "tpu.region"() ({
          %run_scoped3A = tpu.sem_alloc : memref<!tpu.dma_semaphore, #tpu.memory_space<semaphore_mem>>
          %dma_start3A = arith.constant 9984 : i32
          %dma_start3A_37 = arith.constant 0 : i32
          %dma_start3A_38 = tpu.memref_slice %arg10[%dma_start3A, %dma_start3A_37] : memref<10112x128xf32, #tpu.memory_space<vmem_shared>> -> memref<16x128xf32, #tpu.memory_space<vmem_shared>>
          %dma_start3A_39 = arith.constant 9984 : i32
          %dma_start3A_40 = arith.constant 0 : i32
          %dma_start3A_41 = tpu.memref_slice %arg2[%dma_start3A_39, %dma_start3A_40] : memref<10000x128xf32, #tpu.memory_space<hbm>> -> memref<16x128xf32, #tpu.memory_space<hbm>>
          tpu.enqueue_dma source(%dma_start3A_41 : memref<16x128xf32, #tpu.memory_space<hbm>>) target(%dma_start3A_38 : memref<16x128xf32, #tpu.memory_space<vmem_shared>>) target_semaphore(%run_scoped3A : memref<!tpu.dma_semaphore, #tpu.memory_space<semaphore_mem>>)
          %dma_wait3A = arith.constant 9984 : i32
          %dma_wait3A_42 = arith.constant 0 : i32
          %dma_wait3A_43 = tpu.memref_slice %arg10[%dma_wait3A, %dma_wait3A_42] : memref<10112x128xf32, #tpu.memory_space<vmem_shared>> -> memref<16x128xf32, #tpu.memory_space<vmem_shared>>
          %dma_wait3A_44 = arith.constant 9984 : i32
          %dma_wait3A_45 = arith.constant 0 : i32
          %dma_wait3A_46 = tpu.memref_slice %arg2[%dma_wait3A_44, %dma_wait3A_45] : memref<10000x128xf32, #tpu.memory_space<hbm>> -> memref<16x128xf32, #tpu.memory_space<hbm>>
          tpu.wait_dma2 semaphore(%run_scoped3A : memref<!tpu.dma_semaphore, #tpu.memory_space<semaphore_mem>>) src(%dma_wait3A_46 : memref<16x128xf32, #tpu.memory_space<hbm>>) dst(%dma_wait3A_43 : memref<16x128xf32, #tpu.memory_space<vmem_shared>>)
          tpu.yield
        }) : () -> ()
      } else {
      }
      %eq3A_32 = arith.constant 0 : i32
      %eq3A_33 = arith.cmpi eq, %arg1, %eq3A_32 : i32
      %convert_element_type3A_34 = arith.extui %eq3A_33 : i1 to i32
      %cond3A_35 = arith.constant 0 : i32
      %cond3A_36 = arith.cmpi ne, %convert_element_type3A_34, %cond3A_35 : i32
      scf.if %cond3A_36 {
        "tpu.region"() ({
          %run_scoped3A = tpu.sem_alloc : memref<!tpu.dma_semaphore, #tpu.memory_space<semaphore_mem>>
          %dma_start3A = arith.constant 10000 : i32
          %dma_start3A_37 = arith.constant 0 : i32
          %dma_start3A_38 = tpu.memref_slice %arg10[%dma_start3A, %dma_start3A_37] : memref<10112x128xf32, #tpu.memory_space<vmem_shared>> -> memref<112x128xf32, #tpu.memory_space<vmem_shared>>
          %dma_start3A_39 = arith.constant 0 : i32
          %dma_start3A_40 = arith.constant 0 : i32
          %dma_start3A_41 = tpu.memref_slice %arg3[%dma_start3A_39, %dma_start3A_40] : memref<10112x128xf32, #tpu.memory_space<hbm>> -> memref<112x128xf32, #tpu.memory_space<hbm>>
          tpu.enqueue_dma source(%dma_start3A_41 : memref<112x128xf32, #tpu.memory_space<hbm>>) target(%dma_start3A_38 : memref<112x128xf32, #tpu.memory_space<vmem_shared>>) target_semaphore(%run_scoped3A : memref<!tpu.dma_semaphore, #tpu.memory_space<semaphore_mem>>)
          %dma_wait3A = arith.constant 10000 : i32
          %dma_wait3A_42 = arith.constant 0 : i32
          %dma_wait3A_43 = tpu.memref_slice %arg10[%dma_wait3A, %dma_wait3A_42] : memref<10112x128xf32, #tpu.memory_space<vmem_shared>> -> memref<112x128xf32, #tpu.memory_space<vmem_shared>>
          %dma_wait3A_44 = arith.constant 0 : i32
          %dma_wait3A_45 = arith.constant 0 : i32
          %dma_wait3A_46 = tpu.memref_slice %arg3[%dma_wait3A_44, %dma_wait3A_45] : memref<10112x128xf32, #tpu.memory_space<hbm>> -> memref<112x128xf32, #tpu.memory_space<hbm>>
          tpu.wait_dma2 semaphore(%run_scoped3A : memref<!tpu.dma_semaphore, #tpu.memory_space<semaphore_mem>>) src(%dma_wait3A_46 : memref<112x128xf32, #tpu.memory_space<hbm>>) dst(%dma_wait3A_43 : memref<112x128xf32, #tpu.memory_space<vmem_shared>>)
          tpu.yield
        }) : () -> ()
      } else {
      }
    } else {
    }
    %eq3A_3 = arith.constant 1 : i32
    %eq3A_4 = arith.cmpi eq, %arg0, %eq3A_3 : i32
    %convert_element_type3A_5 = arith.extui %eq3A_4 : i1 to i32
    %cond3A_6 = arith.constant 0 : i32
    %cond3A_7 = arith.cmpi ne, %convert_element_type3A_5, %cond3A_6 : i32
    scf.if %cond3A_7 {
      %mul3A_23 = arith.constant 632 : i32
      %mul3A_24 = arith.muli %arg1, %mul3A_23 : i32
      %mul3A_25 = arith.constant 632 : i32
      %mul3A_26 = arith.muli %arg1, %mul3A_25 : i32
      "tpu.region"() ({
        %run_scoped3A = tpu.sem_alloc : memref<!tpu.dma_semaphore, #tpu.memory_space<semaphore_mem>>
        %dma_start3A = arith.constant 0 : i32
        %dma_start3A_27 = tpu.memref_slice %arg10[%mul3A_26, %dma_start3A] : memref<10112x128xf32, #tpu.memory_space<vmem_shared>> -> memref<632x128xf32, #tpu.memory_space<vmem_shared>>
        %dma_start3A_28 = arith.constant 0 : i32
        %dma_start3A_29 = tpu.memref_slice %arg3[%mul3A_24, %dma_start3A_28] : memref<10112x128xf32, #tpu.memory_space<hbm>> -> memref<632x128xf32, #tpu.memory_space<hbm>>
        tpu.enqueue_dma source(%dma_start3A_29 : memref<632x128xf32, #tpu.memory_space<hbm>>) target(%dma_start3A_27 : memref<632x128xf32, #tpu.memory_space<vmem_shared>>) target_semaphore(%run_scoped3A : memref<!tpu.dma_semaphore, #tpu.memory_space<semaphore_mem>>)
        %dma_wait3A = arith.constant 0 : i32
        %dma_wait3A_30 = tpu.memref_slice %arg10[%mul3A_26, %dma_wait3A] : memref<10112x128xf32, #tpu.memory_space<vmem_shared>> -> memref<632x128xf32, #tpu.memory_space<vmem_shared>>
        %dma_wait3A_31 = arith.constant 0 : i32
        %dma_wait3A_32 = tpu.memref_slice %arg3[%mul3A_24, %dma_wait3A_31] : memref<10112x128xf32, #tpu.memory_space<hbm>> -> memref<632x128xf32, #tpu.memory_space<hbm>>
        tpu.wait_dma2 semaphore(%run_scoped3A : memref<!tpu.dma_semaphore, #tpu.memory_space<semaphore_mem>>) src(%dma_wait3A_32 : memref<632x128xf32, #tpu.memory_space<hbm>>) dst(%dma_wait3A_30 : memref<632x128xf32, #tpu.memory_space<vmem_shared>>)
        tpu.yield
      }) : () -> ()
    } else {
    }
    "tpu.region"() ({
      %run_scoped3A = tpu.sem_alloc : memref<!tpu.dma_semaphore, #tpu.memory_space<semaphore_mem>>
      %dma_start3A = arith.constant 0 : i32
      %dma_start3A_23 = arith.constant 0 : i32
      %dma_start3A_24 = tpu.memref_slice %arg4[%add3A, %dma_start3A, %dma_start3A_23] : memref<32x79x128xi32, #tpu.memory_space<hbm>> -> memref<1x79x128xi32, #tpu.memory_space<hbm>>
      %dma_start3A_25 = tpu.memref_squeeze %dma_start3A_24 : memref<1x79x128xi32, #tpu.memory_space<hbm>> -> memref<79x128xi32, #tpu.memory_space<hbm>>
      %dma_start3A_26 = arith.constant 0 : i32
      %dma_start3A_27 = arith.constant 0 : i32
      %dma_start3A_28 = tpu.memref_slice %arg4[%add3A, %dma_start3A_26, %dma_start3A_27] : memref<32x79x128xi32, #tpu.memory_space<hbm>> -> memref<1x79x128xi32, #tpu.memory_space<hbm>>
      %dma_start3A_29 = tpu.memref_squeeze %dma_start3A_28 : memref<1x79x128xi32, #tpu.memory_space<hbm>> -> memref<79x128xi32, #tpu.memory_space<hbm>>
      tpu.enqueue_dma source(%dma_start3A_29 : memref<79x128xi32, #tpu.memory_space<hbm>>) target(%arg7 : memref<79x128xi32, #tpu.memory_space<vmem>>) target_semaphore(%run_scoped3A : memref<!tpu.dma_semaphore, #tpu.memory_space<semaphore_mem>>)
      %dma_wait3A = arith.constant 0 : i32
      %dma_wait3A_30 = arith.constant 0 : i32
      %dma_wait3A_31 = tpu.memref_slice %arg4[%add3A, %dma_wait3A, %dma_wait3A_30] : memref<32x79x128xi32, #tpu.memory_space<hbm>> -> memref<1x79x128xi32, #tpu.memory_space<hbm>>
      %dma_wait3A_32 = tpu.memref_squeeze %dma_wait3A_31 : memref<1x79x128xi32, #tpu.memory_space<hbm>> -> memref<79x128xi32, #tpu.memory_space<hbm>>
      %dma_wait3A_33 = arith.constant 0 : i32
      %dma_wait3A_34 = arith.constant 0 : i32
      %dma_wait3A_35 = tpu.memref_slice %arg4[%add3A, %dma_wait3A_33, %dma_wait3A_34] : memref<32x79x128xi32, #tpu.memory_space<hbm>> -> memref<1x79x128xi32, #tpu.memory_space<hbm>>
      %dma_wait3A_36 = tpu.memref_squeeze %dma_wait3A_35 : memref<1x79x128xi32, #tpu.memory_space<hbm>> -> memref<79x128xi32, #tpu.memory_space<hbm>>
      tpu.wait_dma2 semaphore(%run_scoped3A : memref<!tpu.dma_semaphore, #tpu.memory_space<semaphore_mem>>) src(%dma_wait3A_36 : memref<79x128xi32, #tpu.memory_space<hbm>>) dst(%arg7 : memref<79x128xi32, #tpu.memory_space<vmem>>)
      tpu.yield
    }) : () -> ()
    "tpu.region"() ({
      %run_scoped3A = tpu.sem_alloc : memref<!tpu.dma_semaphore, #tpu.memory_space<semaphore_mem>>
      %dma_start3A = arith.constant 0 : i32
      %dma_start3A_23 = arith.constant 0 : i32
      %dma_start3A_24 = tpu.memref_slice %arg5[%add3A, %dma_start3A, %dma_start3A_23] : memref<32x79x128xi32, #tpu.memory_space<hbm>> -> memref<1x79x128xi32, #tpu.memory_space<hbm>>
      %dma_start3A_25 = tpu.memref_squeeze %dma_start3A_24 : memref<1x79x128xi32, #tpu.memory_space<hbm>> -> memref<79x128xi32, #tpu.memory_space<hbm>>
      %dma_start3A_26 = arith.constant 0 : i32
      %dma_start3A_27 = arith.constant 0 : i32
      %dma_start3A_28 = tpu.memref_slice %arg5[%add3A, %dma_start3A_26, %dma_start3A_27] : memref<32x79x128xi32, #tpu.memory_space<hbm>> -> memref<1x79x128xi32, #tpu.memory_space<hbm>>
      %dma_start3A_29 = tpu.memref_squeeze %dma_start3A_28 : memref<1x79x128xi32, #tpu.memory_space<hbm>> -> memref<79x128xi32, #tpu.memory_space<hbm>>
      tpu.enqueue_dma source(%dma_start3A_29 : memref<79x128xi32, #tpu.memory_space<hbm>>) target(%arg8 : memref<79x128xi32, #tpu.memory_space<vmem>>) target_semaphore(%run_scoped3A : memref<!tpu.dma_semaphore, #tpu.memory_space<semaphore_mem>>)
      %dma_wait3A = arith.constant 0 : i32
      %dma_wait3A_30 = arith.constant 0 : i32
      %dma_wait3A_31 = tpu.memref_slice %arg5[%add3A, %dma_wait3A, %dma_wait3A_30] : memref<32x79x128xi32, #tpu.memory_space<hbm>> -> memref<1x79x128xi32, #tpu.memory_space<hbm>>
      %dma_wait3A_32 = tpu.memref_squeeze %dma_wait3A_31 : memref<1x79x128xi32, #tpu.memory_space<hbm>> -> memref<79x128xi32, #tpu.memory_space<hbm>>
      %dma_wait3A_33 = arith.constant 0 : i32
      %dma_wait3A_34 = arith.constant 0 : i32
      %dma_wait3A_35 = tpu.memref_slice %arg5[%add3A, %dma_wait3A_33, %dma_wait3A_34] : memref<32x79x128xi32, #tpu.memory_space<hbm>> -> memref<1x79x128xi32, #tpu.memory_space<hbm>>
      %dma_wait3A_36 = tpu.memref_squeeze %dma_wait3A_35 : memref<1x79x128xi32, #tpu.memory_space<hbm>> -> memref<79x128xi32, #tpu.memory_space<hbm>>
      tpu.wait_dma2 semaphore(%run_scoped3A : memref<!tpu.dma_semaphore, #tpu.memory_space<semaphore_mem>>) src(%dma_wait3A_36 : memref<79x128xi32, #tpu.memory_space<hbm>>) dst(%arg8 : memref<79x128xi32, #tpu.memory_space<vmem>>)
      tpu.yield
    }) : () -> ()
    %barrier3A = arith.constant 0 : index
    tpu.barrier barrier_id(%barrier3A)
    %scan3A = arith.constant 0 : i32
    %scan3A_8 = arith.constant 0 : i32
    %scan3A_9 = arith.constant 79 : i32
    %scan3A_10 = arith.addi %scan3A_8, %scan3A_9 : i32
    %scan3A_11 = arith.constant 1 : i32
    scf.for %scan3A_23 = %scan3A_8 to %scan3A_10 step %scan3A_11  : i32 {
      %dma_start3A = arith.constant 0 : i32
      %dma_start3A_24 = tpu.memref_slice %arg7[%scan3A_23, %dma_start3A] : memref<79x128xi32, #tpu.memory_space<vmem>> -> memref<1x128xi32, #tpu.memory_space<vmem>>
      %dma_start3A_25 = tpu.memref_squeeze %dma_start3A_24 : memref<1x128xi32, #tpu.memory_space<vmem>> -> memref<128xi32, #tpu.memory_space<vmem>>
      %dma_start3A_26 = arith.constant 0 : i32
      %dma_start3A_27 = arith.constant 0 : i32
      %dma_start3A_28 = tpu.memref_slice %arg2[%dma_start3A_26, %dma_start3A_27] : memref<10000x128xf32, #tpu.memory_space<hbm>> -> memref<10000x128xf32, #tpu.memory_space<hbm>>
      tpu.enqueue_indirect_dma source(%dma_start3A_28 : memref<10000x128xf32, #tpu.memory_space<hbm>>) target(%arg9 : memref<128x128xf32, #tpu.memory_space<vmem>>) offsets(%dma_start3A_25 : memref<128xi32, #tpu.memory_space<vmem>>) semaphore(%arg11 : memref<!tpu.dma_semaphore, #tpu.memory_space<semaphore_mem>>)
      %dma_wait3A = arith.constant 0 : i32
      %dma_wait3A_29 = tpu.memref_slice %arg7[%scan3A_23, %dma_wait3A] : memref<79x128xi32, #tpu.memory_space<vmem>> -> memref<1x128xi32, #tpu.memory_space<vmem>>
      %dma_wait3A_30 = tpu.memref_squeeze %dma_wait3A_29 : memref<1x128xi32, #tpu.memory_space<vmem>> -> memref<128xi32, #tpu.memory_space<vmem>>
      %dma_wait3A_31 = arith.constant 0 : i32
      %dma_wait3A_32 = arith.constant 0 : i32
      %dma_wait3A_33 = tpu.memref_slice %arg2[%dma_wait3A_31, %dma_wait3A_32] : memref<10000x128xf32, #tpu.memory_space<hbm>> -> memref<10000x128xf32, #tpu.memory_space<hbm>>
      tpu.wait_indirect_dma semaphore(%arg11 : memref<!tpu.dma_semaphore, #tpu.memory_space<semaphore_mem>>) src(%dma_wait3A_33 : memref<10000x128xf32, #tpu.memory_space<hbm>>) dst(%arg9 : memref<128x128xf32, #tpu.memory_space<vmem>>)
      "tpu.region"() ({
        %run_scoped3A = tpu.sem_alloc : memref<!tpu.dma_semaphore, #tpu.memory_space<semaphore_mem>>
        %dma_start3A_34 = arith.constant 0 : i32
        %dma_start3A_35 = tpu.memref_slice %arg8[%scan3A_23, %dma_start3A_34] : memref<79x128xi32, #tpu.memory_space<vmem>> -> memref<1x128xi32, #tpu.memory_space<vmem>>
        %dma_start3A_36 = tpu.memref_squeeze %dma_start3A_35 : memref<1x128xi32, #tpu.memory_space<vmem>> -> memref<128xi32, #tpu.memory_space<vmem>>
        %dma_start3A_37 = arith.constant 0 : i32
        %dma_start3A_38 = arith.constant 0 : i32
        %dma_start3A_39 = tpu.memref_slice %arg10[%dma_start3A_37, %dma_start3A_38] : memref<10112x128xf32, #tpu.memory_space<vmem_shared>> -> memref<10112x128xf32, #tpu.memory_space<vmem_shared>>
        tpu.enqueue_indirect_dma source(%arg9 : memref<128x128xf32, #tpu.memory_space<vmem>>) target(%dma_start3A_39 : memref<10112x128xf32, #tpu.memory_space<vmem_shared>>) offsets(%dma_start3A_36 : memref<128xi32, #tpu.memory_space<vmem>>) semaphore(%run_scoped3A : memref<!tpu.dma_semaphore, #tpu.memory_space<semaphore_mem>>) {add = true}
        %dma_wait3A_40 = arith.constant 0 : i32
        %dma_wait3A_41 = tpu.memref_slice %arg8[%scan3A_23, %dma_wait3A_40] : memref<79x128xi32, #tpu.memory_space<vmem>> -> memref<1x128xi32, #tpu.memory_space<vmem>>
        %dma_wait3A_42 = tpu.memref_squeeze %dma_wait3A_41 : memref<1x128xi32, #tpu.memory_space<vmem>> -> memref<128xi32, #tpu.memory_space<vmem>>
        %dma_wait3A_43 = arith.constant 0 : i32
        %dma_wait3A_44 = arith.constant 0 : i32
        %dma_wait3A_45 = tpu.memref_slice %arg10[%dma_wait3A_43, %dma_wait3A_44] : memref<10112x128xf32, #tpu.memory_space<vmem_shared>> -> memref<10112x128xf32, #tpu.memory_space<vmem_shared>>
        tpu.wait_indirect_dma semaphore(%run_scoped3A : memref<!tpu.dma_semaphore, #tpu.memory_space<semaphore_mem>>) src(%arg9 : memref<128x128xf32, #tpu.memory_space<vmem>>) dst(%dma_wait3A_45 : memref<10112x128xf32, #tpu.memory_space<vmem_shared>>)
        tpu.yield
      }) : () -> ()
    }
    %scan3A_12 = arith.constant 79 : i32
    %barrier3A_13 = arith.constant 0 : index
    tpu.barrier barrier_id(%barrier3A_13)
    %mul3A_14 = arith.constant 624 : i32
    %mul3A_15 = arith.muli %arg1, %mul3A_14 : i32
    %mul3A_16 = arith.constant 624 : i32
    %mul3A_17 = arith.muli %arg1, %mul3A_16 : i32
    "tpu.region"() ({
      %run_scoped3A = tpu.sem_alloc : memref<!tpu.dma_semaphore, #tpu.memory_space<semaphore_mem>>
      %dma_start3A = arith.constant 0 : i32
      %dma_start3A_23 = arith.constant 0 : i32
      %dma_start3A_24 = tpu.memref_slice %arg6[%arg0, %dma_start3A, %dma_start3A_23] : memref<2x10000x128xf32, #tpu.memory_space<hbm>> -> memref<1x10000x128xf32, #tpu.memory_space<hbm>>
      %dma_start3A_25 = tpu.memref_squeeze %dma_start3A_24 : memref<1x10000x128xf32, #tpu.memory_space<hbm>> -> memref<10000x128xf32, #tpu.memory_space<hbm>>
      %dma_start3A_26 = arith.constant 0 : i32
      %dma_start3A_27 = tpu.memref_slice %dma_start3A_25[%mul3A_17, %dma_start3A_26] : memref<10000x128xf32, #tpu.memory_space<hbm>> -> memref<624x128xf32, #tpu.memory_space<hbm>>
      %dma_start3A_28 = arith.constant 0 : i32
      %dma_start3A_29 = tpu.memref_slice %arg10[%mul3A_15, %dma_start3A_28] : memref<10112x128xf32, #tpu.memory_space<vmem_shared>> -> memref<624x128xf32, #tpu.memory_space<vmem_shared>>
      tpu.enqueue_dma source(%dma_start3A_29 : memref<624x128xf32, #tpu.memory_space<vmem_shared>>) target(%dma_start3A_27 : memref<624x128xf32, #tpu.memory_space<hbm>>) target_semaphore(%run_scoped3A : memref<!tpu.dma_semaphore, #tpu.memory_space<semaphore_mem>>)
      %dma_wait3A = arith.constant 0 : i32
      %dma_wait3A_30 = arith.constant 0 : i32
      %dma_wait3A_31 = tpu.memref_slice %arg6[%arg0, %dma_wait3A, %dma_wait3A_30] : memref<2x10000x128xf32, #tpu.memory_space<hbm>> -> memref<1x10000x128xf32, #tpu.memory_space<hbm>>
      %dma_wait3A_32 = tpu.memref_squeeze %dma_wait3A_31 : memref<1x10000x128xf32, #tpu.memory_space<hbm>> -> memref<10000x128xf32, #tpu.memory_space<hbm>>
      %dma_wait3A_33 = arith.constant 0 : i32
      %dma_wait3A_34 = tpu.memref_slice %dma_wait3A_32[%mul3A_17, %dma_wait3A_33] : memref<10000x128xf32, #tpu.memory_space<hbm>> -> memref<624x128xf32, #tpu.memory_space<hbm>>
      %dma_wait3A_35 = arith.constant 0 : i32
      %dma_wait3A_36 = tpu.memref_slice %arg10[%mul3A_15, %dma_wait3A_35] : memref<10112x128xf32, #tpu.memory_space<vmem_shared>> -> memref<624x128xf32, #tpu.memory_space<vmem_shared>>
      tpu.wait_dma2 semaphore(%run_scoped3A : memref<!tpu.dma_semaphore, #tpu.memory_space<semaphore_mem>>) src(%dma_wait3A_36 : memref<624x128xf32, #tpu.memory_space<vmem_shared>>) dst(%dma_wait3A_34 : memref<624x128xf32, #tpu.memory_space<hbm>>)
      tpu.yield
    }) : () -> ()
    %eq3A_18 = arith.constant 15 : i32
    %eq3A_19 = arith.cmpi eq, %arg1, %eq3A_18 : i32
    %convert_element_type3A_20 = arith.extui %eq3A_19 : i1 to i32
    %cond3A_21 = arith.constant 0 : i32
    %cond3A_22 = arith.cmpi ne, %convert_element_type3A_20, %cond3A_21 : i32
    scf.if %cond3A_22 {
      "tpu.region"() ({
        %run_scoped3A = tpu.sem_alloc : memref<!tpu.dma_semaphore, #tpu.memory_space<semaphore_mem>>
        %dma_start3A = arith.constant 0 : i32
        %dma_start3A_23 = arith.constant 0 : i32
        %dma_start3A_24 = tpu.memref_slice %arg6[%arg0, %dma_start3A, %dma_start3A_23] : memref<2x10000x128xf32, #tpu.memory_space<hbm>> -> memref<1x10000x128xf32, #tpu.memory_space<hbm>>
        %dma_start3A_25 = tpu.memref_squeeze %dma_start3A_24 : memref<1x10000x128xf32, #tpu.memory_space<hbm>> -> memref<10000x128xf32, #tpu.memory_space<hbm>>
        %dma_start3A_26 = arith.constant 9984 : i32
        %dma_start3A_27 = arith.constant 0 : i32
        %dma_start3A_28 = tpu.memref_slice %dma_start3A_25[%dma_start3A_26, %dma_start3A_27] : memref<10000x128xf32, #tpu.memory_space<hbm>> -> memref<16x128xf32, #tpu.memory_space<hbm>>
        %dma_start3A_29 = arith.constant 9984 : i32
        %dma_start3A_30 = arith.constant 0 : i32
        %dma_start3A_31 = tpu.memref_slice %arg10[%dma_start3A_29, %dma_start3A_30] : memref<10112x128xf32, #tpu.memory_space<vmem_shared>> -> memref<16x128xf32, #tpu.memory_space<vmem_shared>>
        tpu.enqueue_dma source(%dma_start3A_31 : memref<16x128xf32, #tpu.memory_space<vmem_shared>>) target(%dma_start3A_28 : memref<16x128xf32, #tpu.memory_space<hbm>>) target_semaphore(%run_scoped3A : memref<!tpu.dma_semaphore, #tpu.memory_space<semaphore_mem>>)
        %dma_wait3A = arith.constant 0 : i32
        %dma_wait3A_32 = arith.constant 0 : i32
        %dma_wait3A_33 = tpu.memref_slice %arg6[%arg0, %dma_wait3A, %dma_wait3A_32] : memref<2x10000x128xf32, #tpu.memory_space<hbm>> -> memref<1x10000x128xf32, #tpu.memory_space<hbm>>
        %dma_wait3A_34 = tpu.memref_squeeze %dma_wait3A_33 : memref<1x10000x128xf32, #tpu.memory_space<hbm>> -> memref<10000x128xf32, #tpu.memory_space<hbm>>
        %dma_wait3A_35 = arith.constant 9984 : i32
        %dma_wait3A_36 = arith.constant 0 : i32
        %dma_wait3A_37 = tpu.memref_slice %dma_wait3A_34[%dma_wait3A_35, %dma_wait3A_36] : memref<10000x128xf32, #tpu.memory_space<hbm>> -> memref<16x128xf32, #tpu.memory_space<hbm>>
        %dma_wait3A_38 = arith.constant 9984 : i32
        %dma_wait3A_39 = arith.constant 0 : i32
        %dma_wait3A_40 = tpu.memref_slice %arg10[%dma_wait3A_38, %dma_wait3A_39] : memref<10112x128xf32, #tpu.memory_space<vmem_shared>> -> memref<16x128xf32, #tpu.memory_space<vmem_shared>>
        tpu.wait_dma2 semaphore(%run_scoped3A : memref<!tpu.dma_semaphore, #tpu.memory_space<semaphore_mem>>) src(%dma_wait3A_40 : memref<16x128xf32, #tpu.memory_space<vmem_shared>>) dst(%dma_wait3A_37 : memref<16x128xf32, #tpu.memory_space<hbm>>)
        tpu.yield
      }) : () -> ()
    } else {
    }
    return
  }
}

#map = affine_map<(d0, d1) -> (0, 0)>
#map1 = affine_map<(d0, d1) -> (0, 0, 0)>
module attributes {stable_mosaic.version = 14 : i64} {
  func.func @spmm_kernel(%arg0: i32, %arg1: i32, %arg2: memref<10000x128xf32, #tpu.memory_space<hbm>>, %arg3: memref<10112x128xf32, #tpu.memory_space<hbm>>, %arg4: memref<32x79x128xi32, #tpu.memory_space<hbm>>, %arg5: memref<32x79x128xi32, #tpu.memory_space<hbm>>, %arg6: memref<2x10000x128xf32, #tpu.memory_space<hbm>>, %arg7: memref<79x128xi32, #tpu.memory_space<vmem>>, %arg8: memref<79x128xi32, #tpu.memory_space<vmem>>, %arg9: memref<128x128xf32, #tpu.memory_space<vmem>>, %arg10: memref<10112x128xf32, #tpu.memory_space<vmem_shared>>, %arg11: memref<!tpu.dma_semaphore, #tpu.memory_space<semaphore_mem>>) attributes {dimension_semantics = [#tpu.dimension_semantics<core_parallel>, #tpu.dimension_semantics<subcore_parallel>], iteration_bounds = array<i64: 2, 16>, scalar_prefetch = 0 : i64, scratch_operands = 5 : i64, tpu.core_type = #tpu.core_type<sc_vector_subcore>, window_params = [{transform_indices = #map}, {transform_indices = #map}, {transform_indices = #map1}, {transform_indices = #map1}, {transform_indices = #map1}]} {
    %mul3A = arith.constant 16 : i32
    %mul3A_0 = arith.muli %arg0, %mul3A : i32
    %add3A = arith.addi %mul3A_0, %arg1 : i32
    %eq3A = arith.constant 0 : i32
    %eq3A_1 = arith.cmpi eq, %arg0, %eq3A : i32
    %convert_element_type3A = arith.extui %eq3A_1 : i1 to i32
    %cond3A = arith.constant 0 : i32
    %cond3A_2 = arith.cmpi ne, %convert_element_type3A, %cond3A : i32
    scf.if %cond3A_2 {
      %mul3A_23 = arith.constant 624 : i32
      %mul3A_24 = arith.muli %arg1, %mul3A_23 : i32
      %mul3A_25 = arith.constant 624 : i32
      %mul3A_26 = arith.muli %arg1, %mul3A_25 : i32
      "tpu.region"() ({
        %run_scoped3A = tpu.sem_alloc : memref<!tpu.dma_semaphore, #tpu.memory_space<semaphore_mem>>
        %dma_start3A = arith.constant 0 : i32
        %dma_start3A_37 = tpu.memref_slice %arg10[%mul3A_26, %dma_start3A] : memref<10112x128xf32, #tpu.memory_space<vmem_shared>> -> memref<624x128xf32, #tpu.memory_space<vmem_shared>>
        %dma_start3A_38 = arith.constant 0 : i32
        %dma_start3A_39 = tpu.memref_slice %arg2[%mul3A_24, %dma_start3A_38] : memref<10000x128xf32, #tpu.memory_space<hbm>> -> memref<624x128xf32, #tpu.memory_space<hbm>>
        tpu.enqueue_dma source(%dma_start3A_39 : memref<624x128xf32, #tpu.memory_space<hbm>>) target(%dma_start3A_37 : memref<624x128xf32, #tpu.memory_space<vmem_shared>>) target_semaphore(%run_scoped3A : memref<!tpu.dma_semaphore, #tpu.memory_space<semaphore_mem>>)
        %dma_wait3A = arith.constant 0 : i32
        %dma_wait3A_40 = tpu.memref_slice %arg10[%mul3A_26, %dma_wait3A] : memref<10112x128xf32, #tpu.memory_space<vmem_shared>> -> memref<624x128xf32, #tpu.memory_space<vmem_shared>>
        %dma_wait3A_41 = arith.constant 0 : i32
        %dma_wait3A_42 = tpu.memref_slice %arg2[%mul3A_24, %dma_wait3A_41] : memref<10000x128xf32, #tpu.memory_space<hbm>> -> memref<624x128xf32, #tpu.memory_space<hbm>>
        tpu.wait_dma2 semaphore(%run_scoped3A : memref<!tpu.dma_semaphore, #tpu.memory_space<semaphore_mem>>) src(%dma_wait3A_42 : memref<624x128xf32, #tpu.memory_space<hbm>>) dst(%dma_wait3A_40 : memref<624x128xf32, #tpu.memory_space<vmem_shared>>)
        tpu.yield
      }) : () -> ()
      %eq3A_27 = arith.constant 15 : i32
      %eq3A_28 = arith.cmpi eq, %arg1, %eq3A_27 : i32
      %convert_element_type3A_29 = arith.extui %eq3A_28 : i1 to i32
      %cond3A_30 = arith.constant 0 : i32
      %cond3A_31 = arith.cmpi ne, %convert_element_type3A_29, %cond3A_30 : i32
      scf.if %cond3A_31 {
        "tpu.region"() ({
          %run_scoped3A = tpu.sem_alloc : memref<!tpu.dma_semaphore, #tpu.memory_space<semaphore_mem>>
          %dma_start3A = arith.constant 9984 : i32
          %dma_start3A_37 = arith.constant 0 : i32
          %dma_start3A_38 = tpu.memref_slice %arg10[%dma_start3A, %dma_start3A_37] : memref<10112x128xf32, #tpu.memory_space<vmem_shared>> -> memref<16x128xf32, #tpu.memory_space<vmem_shared>>
          %dma_start3A_39 = arith.constant 9984 : i32
          %dma_start3A_40 = arith.constant 0 : i32
          %dma_start3A_41 = tpu.memref_slice %arg2[%dma_start3A_39, %dma_start3A_40] : memref<10000x128xf32, #tpu.memory_space<hbm>> -> memref<16x128xf32, #tpu.memory_space<hbm>>
          tpu.enqueue_dma source(%dma_start3A_41 : memref<16x128xf32, #tpu.memory_space<hbm>>) target(%dma_start3A_38 : memref<16x128xf32, #tpu.memory_space<vmem_shared>>) target_semaphore(%run_scoped3A : memref<!tpu.dma_semaphore, #tpu.memory_space<semaphore_mem>>)
          %dma_wait3A = arith.constant 9984 : i32
          %dma_wait3A_42 = arith.constant 0 : i32
          %dma_wait3A_43 = tpu.memref_slice %arg10[%dma_wait3A, %dma_wait3A_42] : memref<10112x128xf32, #tpu.memory_space<vmem_shared>> -> memref<16x128xf32, #tpu.memory_space<vmem_shared>>
          %dma_wait3A_44 = arith.constant 9984 : i32
          %dma_wait3A_45 = arith.constant 0 : i32
          %dma_wait3A_46 = tpu.memref_slice %arg2[%dma_wait3A_44, %dma_wait3A_45] : memref<10000x128xf32, #tpu.memory_space<hbm>> -> memref<16x128xf32, #tpu.memory_space<hbm>>
          tpu.wait_dma2 semaphore(%run_scoped3A : memref<!tpu.dma_semaphore, #tpu.memory_space<semaphore_mem>>) src(%dma_wait3A_46 : memref<16x128xf32, #tpu.memory_space<hbm>>) dst(%dma_wait3A_43 : memref<16x128xf32, #tpu.memory_space<vmem_shared>>)
          tpu.yield
        }) : () -> ()
      } else {
      }
      %eq3A_32 = arith.constant 0 : i32
      %eq3A_33 = arith.cmpi eq, %arg1, %eq3A_32 : i32
      %convert_element_type3A_34 = arith.extui %eq3A_33 : i1 to i32
      %cond3A_35 = arith.constant 0 : i32
      %cond3A_36 = arith.cmpi ne, %convert_element_type3A_34, %cond3A_35 : i32
      scf.if %cond3A_36 {
        "tpu.region"() ({
          %run_scoped3A = tpu.sem_alloc : memref<!tpu.dma_semaphore, #tpu.memory_space<semaphore_mem>>
          %dma_start3A = arith.constant 10000 : i32
          %dma_start3A_37 = arith.constant 0 : i32
          %dma_start3A_38 = tpu.memref_slice %arg10[%dma_start3A, %dma_start3A_37] : memref<10112x128xf32, #tpu.memory_space<vmem_shared>> -> memref<112x128xf32, #tpu.memory_space<vmem_shared>>
          %dma_start3A_39 = arith.constant 0 : i32
          %dma_start3A_40 = arith.constant 0 : i32
          %dma_start3A_41 = tpu.memref_slice %arg3[%dma_start3A_39, %dma_start3A_40] : memref<10112x128xf32, #tpu.memory_space<hbm>> -> memref<112x128xf32, #tpu.memory_space<hbm>>
          tpu.enqueue_dma source(%dma_start3A_41 : memref<112x128xf32, #tpu.memory_space<hbm>>) target(%dma_start3A_38 : memref<112x128xf32, #tpu.memory_space<vmem_shared>>) target_semaphore(%run_scoped3A : memref<!tpu.dma_semaphore, #tpu.memory_space<semaphore_mem>>)
          %dma_wait3A = arith.constant 10000 : i32
          %dma_wait3A_42 = arith.constant 0 : i32
          %dma_wait3A_43 = tpu.memref_slice %arg10[%dma_wait3A, %dma_wait3A_42] : memref<10112x128xf32, #tpu.memory_space<vmem_shared>> -> memref<112x128xf32, #tpu.memory_space<vmem_shared>>
          %dma_wait3A_44 = arith.constant 0 : i32
          %dma_wait3A_45 = arith.constant 0 : i32
          %dma_wait3A_46 = tpu.memref_slice %arg3[%dma_wait3A_44, %dma_wait3A_45] : memref<10112x128xf32, #tpu.memory_space<hbm>> -> memref<112x128xf32, #tpu.memory_space<hbm>>
          tpu.wait_dma2 semaphore(%run_scoped3A : memref<!tpu.dma_semaphore, #tpu.memory_space<semaphore_mem>>) src(%dma_wait3A_46 : memref<112x128xf32, #tpu.memory_space<hbm>>) dst(%dma_wait3A_43 : memref<112x128xf32, #tpu.memory_space<vmem_shared>>)
          tpu.yield
        }) : () -> ()
      } else {
      }
    } else {
    }
    %eq3A_3 = arith.constant 1 : i32
    %eq3A_4 = arith.cmpi eq, %arg0, %eq3A_3 : i32
    %convert_element_type3A_5 = arith.extui %eq3A_4 : i1 to i32
    %cond3A_6 = arith.constant 0 : i32
    %cond3A_7 = arith.cmpi ne, %convert_element_type3A_5, %cond3A_6 : i32
    scf.if %cond3A_7 {
      %mul3A_23 = arith.constant 632 : i32
      %mul3A_24 = arith.muli %arg1, %mul3A_23 : i32
      %mul3A_25 = arith.constant 632 : i32
      %mul3A_26 = arith.muli %arg1, %mul3A_25 : i32
      "tpu.region"() ({
        %run_scoped3A = tpu.sem_alloc : memref<!tpu.dma_semaphore, #tpu.memory_space<semaphore_mem>>
        %dma_start3A = arith.constant 0 : i32
        %dma_start3A_27 = tpu.memref_slice %arg10[%mul3A_26, %dma_start3A] : memref<10112x128xf32, #tpu.memory_space<vmem_shared>> -> memref<632x128xf32, #tpu.memory_space<vmem_shared>>
        %dma_start3A_28 = arith.constant 0 : i32
        %dma_start3A_29 = tpu.memref_slice %arg3[%mul3A_24, %dma_start3A_28] : memref<10112x128xf32, #tpu.memory_space<hbm>> -> memref<632x128xf32, #tpu.memory_space<hbm>>
        tpu.enqueue_dma source(%dma_start3A_29 : memref<632x128xf32, #tpu.memory_space<hbm>>) target(%dma_start3A_27 : memref<632x128xf32, #tpu.memory_space<vmem_shared>>) target_semaphore(%run_scoped3A : memref<!tpu.dma_semaphore, #tpu.memory_space<semaphore_mem>>)
        %dma_wait3A = arith.constant 0 : i32
        %dma_wait3A_30 = tpu.memref_slice %arg10[%mul3A_26, %dma_wait3A] : memref<10112x128xf32, #tpu.memory_space<vmem_shared>> -> memref<632x128xf32, #tpu.memory_space<vmem_shared>>
        %dma_wait3A_31 = arith.constant 0 : i32
        %dma_wait3A_32 = tpu.memref_slice %arg3[%mul3A_24, %dma_wait3A_31] : memref<10112x128xf32, #tpu.memory_space<hbm>> -> memref<632x128xf32, #tpu.memory_space<hbm>>
        tpu.wait_dma2 semaphore(%run_scoped3A : memref<!tpu.dma_semaphore, #tpu.memory_space<semaphore_mem>>) src(%dma_wait3A_32 : memref<632x128xf32, #tpu.memory_space<hbm>>) dst(%dma_wait3A_30 : memref<632x128xf32, #tpu.memory_space<vmem_shared>>)
        tpu.yield
      }) : () -> ()
    } else {
    }
    "tpu.region"() ({
      %run_scoped3A = tpu.sem_alloc : memref<!tpu.dma_semaphore, #tpu.memory_space<semaphore_mem>>
      %dma_start3A = arith.constant 0 : i32
      %dma_start3A_23 = arith.constant 0 : i32
      %dma_start3A_24 = tpu.memref_slice %arg4[%add3A, %dma_start3A, %dma_start3A_23] : memref<32x79x128xi32, #tpu.memory_space<hbm>> -> memref<1x79x128xi32, #tpu.memory_space<hbm>>
      %dma_start3A_25 = tpu.memref_squeeze %dma_start3A_24 : memref<1x79x128xi32, #tpu.memory_space<hbm>> -> memref<79x128xi32, #tpu.memory_space<hbm>>
      %dma_start3A_26 = arith.constant 0 : i32
      %dma_start3A_27 = arith.constant 0 : i32
      %dma_start3A_28 = tpu.memref_slice %arg4[%add3A, %dma_start3A_26, %dma_start3A_27] : memref<32x79x128xi32, #tpu.memory_space<hbm>> -> memref<1x79x128xi32, #tpu.memory_space<hbm>>
      %dma_start3A_29 = tpu.memref_squeeze %dma_start3A_28 : memref<1x79x128xi32, #tpu.memory_space<hbm>> -> memref<79x128xi32, #tpu.memory_space<hbm>>
      tpu.enqueue_dma source(%dma_start3A_29 : memref<79x128xi32, #tpu.memory_space<hbm>>) target(%arg7 : memref<79x128xi32, #tpu.memory_space<vmem>>) target_semaphore(%run_scoped3A : memref<!tpu.dma_semaphore, #tpu.memory_space<semaphore_mem>>)
      %dma_wait3A = arith.constant 0 : i32
      %dma_wait3A_30 = arith.constant 0 : i32
      %dma_wait3A_31 = tpu.memref_slice %arg4[%add3A, %dma_wait3A, %dma_wait3A_30] : memref<32x79x128xi32, #tpu.memory_space<hbm>> -> memref<1x79x128xi32, #tpu.memory_space<hbm>>
      %dma_wait3A_32 = tpu.memref_squeeze %dma_wait3A_31 : memref<1x79x128xi32, #tpu.memory_space<hbm>> -> memref<79x128xi32, #tpu.memory_space<hbm>>
      %dma_wait3A_33 = arith.constant 0 : i32
      %dma_wait3A_34 = arith.constant 0 : i32
      %dma_wait3A_35 = tpu.memref_slice %arg4[%add3A, %dma_wait3A_33, %dma_wait3A_34] : memref<32x79x128xi32, #tpu.memory_space<hbm>> -> memref<1x79x128xi32, #tpu.memory_space<hbm>>
      %dma_wait3A_36 = tpu.memref_squeeze %dma_wait3A_35 : memref<1x79x128xi32, #tpu.memory_space<hbm>> -> memref<79x128xi32, #tpu.memory_space<hbm>>
      tpu.wait_dma2 semaphore(%run_scoped3A : memref<!tpu.dma_semaphore, #tpu.memory_space<semaphore_mem>>) src(%dma_wait3A_36 : memref<79x128xi32, #tpu.memory_space<hbm>>) dst(%arg7 : memref<79x128xi32, #tpu.memory_space<vmem>>)
      tpu.yield
    }) : () -> ()
    "tpu.region"() ({
      %run_scoped3A = tpu.sem_alloc : memref<!tpu.dma_semaphore, #tpu.memory_space<semaphore_mem>>
      %dma_start3A = arith.constant 0 : i32
      %dma_start3A_23 = arith.constant 0 : i32
      %dma_start3A_24 = tpu.memref_slice %arg5[%add3A, %dma_start3A, %dma_start3A_23] : memref<32x79x128xi32, #tpu.memory_space<hbm>> -> memref<1x79x128xi32, #tpu.memory_space<hbm>>
      %dma_start3A_25 = tpu.memref_squeeze %dma_start3A_24 : memref<1x79x128xi32, #tpu.memory_space<hbm>> -> memref<79x128xi32, #tpu.memory_space<hbm>>
      %dma_start3A_26 = arith.constant 0 : i32
      %dma_start3A_27 = arith.constant 0 : i32
      %dma_start3A_28 = tpu.memref_slice %arg5[%add3A, %dma_start3A_26, %dma_start3A_27] : memref<32x79x128xi32, #tpu.memory_space<hbm>> -> memref<1x79x128xi32, #tpu.memory_space<hbm>>
      %dma_start3A_29 = tpu.memref_squeeze %dma_start3A_28 : memref<1x79x128xi32, #tpu.memory_space<hbm>> -> memref<79x128xi32, #tpu.memory_space<hbm>>
      tpu.enqueue_dma source(%dma_start3A_29 : memref<79x128xi32, #tpu.memory_space<hbm>>) target(%arg8 : memref<79x128xi32, #tpu.memory_space<vmem>>) target_semaphore(%run_scoped3A : memref<!tpu.dma_semaphore, #tpu.memory_space<semaphore_mem>>)
      %dma_wait3A = arith.constant 0 : i32
      %dma_wait3A_30 = arith.constant 0 : i32
      %dma_wait3A_31 = tpu.memref_slice %arg5[%add3A, %dma_wait3A, %dma_wait3A_30] : memref<32x79x128xi32, #tpu.memory_space<hbm>> -> memref<1x79x128xi32, #tpu.memory_space<hbm>>
      %dma_wait3A_32 = tpu.memref_squeeze %dma_wait3A_31 : memref<1x79x128xi32, #tpu.memory_space<hbm>> -> memref<79x128xi32, #tpu.memory_space<hbm>>
      %dma_wait3A_33 = arith.constant 0 : i32
      %dma_wait3A_34 = arith.constant 0 : i32
      %dma_wait3A_35 = tpu.memref_slice %arg5[%add3A, %dma_wait3A_33, %dma_wait3A_34] : memref<32x79x128xi32, #tpu.memory_space<hbm>> -> memref<1x79x128xi32, #tpu.memory_space<hbm>>
      %dma_wait3A_36 = tpu.memref_squeeze %dma_wait3A_35 : memref<1x79x128xi32, #tpu.memory_space<hbm>> -> memref<79x128xi32, #tpu.memory_space<hbm>>
      tpu.wait_dma2 semaphore(%run_scoped3A : memref<!tpu.dma_semaphore, #tpu.memory_space<semaphore_mem>>) src(%dma_wait3A_36 : memref<79x128xi32, #tpu.memory_space<hbm>>) dst(%arg8 : memref<79x128xi32, #tpu.memory_space<vmem>>)
      tpu.yield
    }) : () -> ()
    %barrier3A = arith.constant 0 : index
    tpu.barrier barrier_id(%barrier3A)
    %scan3A = arith.constant 0 : i32
    %scan3A_8 = arith.constant 0 : i32
    %scan3A_9 = arith.constant 79 : i32
    %scan3A_10 = arith.addi %scan3A_8, %scan3A_9 : i32
    %scan3A_11 = arith.constant 1 : i32
    scf.for %scan3A_23 = %scan3A_8 to %scan3A_10 step %scan3A_11  : i32 {
      %dma_start3A = arith.constant 0 : i32
      %dma_start3A_24 = tpu.memref_slice %arg7[%scan3A_23, %dma_start3A] : memref<79x128xi32, #tpu.memory_space<vmem>> -> memref<1x128xi32, #tpu.memory_space<vmem>>
      %dma_start3A_25 = tpu.memref_squeeze %dma_start3A_24 : memref<1x128xi32, #tpu.memory_space<vmem>> -> memref<128xi32, #tpu.memory_space<vmem>>
      %dma_start3A_26 = arith.constant 0 : i32
      %dma_start3A_27 = arith.constant 0 : i32
      %dma_start3A_28 = tpu.memref_slice %arg2[%dma_start3A_26, %dma_start3A_27] : memref<10000x128xf32, #tpu.memory_space<hbm>> -> memref<10000x128xf32, #tpu.memory_space<hbm>>
      tpu.enqueue_indirect_dma source(%dma_start3A_28 : memref<10000x128xf32, #tpu.memory_space<hbm>>) target(%arg9 : memref<128x128xf32, #tpu.memory_space<vmem>>) offsets(%dma_start3A_25 : memref<128xi32, #tpu.memory_space<vmem>>) semaphore(%arg11 : memref<!tpu.dma_semaphore, #tpu.memory_space<semaphore_mem>>)
      %dma_wait3A = arith.constant 0 : i32
      %dma_wait3A_29 = tpu.memref_slice %arg7[%scan3A_23, %dma_wait3A] : memref<79x128xi32, #tpu.memory_space<vmem>> -> memref<1x128xi32, #tpu.memory_space<vmem>>
      %dma_wait3A_30 = tpu.memref_squeeze %dma_wait3A_29 : memref<1x128xi32, #tpu.memory_space<vmem>> -> memref<128xi32, #tpu.memory_space<vmem>>
      %dma_wait3A_31 = arith.constant 0 : i32
      %dma_wait3A_32 = arith.constant 0 : i32
      %dma_wait3A_33 = tpu.memref_slice %arg2[%dma_wait3A_31, %dma_wait3A_32] : memref<10000x128xf32, #tpu.memory_space<hbm>> -> memref<10000x128xf32, #tpu.memory_space<hbm>>
      tpu.wait_indirect_dma semaphore(%arg11 : memref<!tpu.dma_semaphore, #tpu.memory_space<semaphore_mem>>) src(%dma_wait3A_33 : memref<10000x128xf32, #tpu.memory_space<hbm>>) dst(%arg9 : memref<128x128xf32, #tpu.memory_space<vmem>>)
      "tpu.region"() ({
        %run_scoped3A = tpu.sem_alloc : memref<!tpu.dma_semaphore, #tpu.memory_space<semaphore_mem>>
        %dma_start3A_34 = arith.constant 0 : i32
        %dma_start3A_35 = tpu.memref_slice %arg8[%scan3A_23, %dma_start3A_34] : memref<79x128xi32, #tpu.memory_space<vmem>> -> memref<1x128xi32, #tpu.memory_space<vmem>>
        %dma_start3A_36 = tpu.memref_squeeze %dma_start3A_35 : memref<1x128xi32, #tpu.memory_space<vmem>> -> memref<128xi32, #tpu.memory_space<vmem>>
        %dma_start3A_37 = arith.constant 0 : i32
        %dma_start3A_38 = arith.constant 0 : i32
        %dma_start3A_39 = tpu.memref_slice %arg10[%dma_start3A_37, %dma_start3A_38] : memref<10112x128xf32, #tpu.memory_space<vmem_shared>> -> memref<10112x128xf32, #tpu.memory_space<vmem_shared>>
        tpu.enqueue_indirect_dma source(%arg9 : memref<128x128xf32, #tpu.memory_space<vmem>>) target(%dma_start3A_39 : memref<10112x128xf32, #tpu.memory_space<vmem_shared>>) offsets(%dma_start3A_36 : memref<128xi32, #tpu.memory_space<vmem>>) semaphore(%run_scoped3A : memref<!tpu.dma_semaphore, #tpu.memory_space<semaphore_mem>>) {add = true}
        %dma_wait3A_40 = arith.constant 0 : i32
        %dma_wait3A_41 = tpu.memref_slice %arg8[%scan3A_23, %dma_wait3A_40] : memref<79x128xi32, #tpu.memory_space<vmem>> -> memref<1x128xi32, #tpu.memory_space<vmem>>
        %dma_wait3A_42 = tpu.memref_squeeze %dma_wait3A_41 : memref<1x128xi32, #tpu.memory_space<vmem>> -> memref<128xi32, #tpu.memory_space<vmem>>
        %dma_wait3A_43 = arith.constant 0 : i32
        %dma_wait3A_44 = arith.constant 0 : i32
        %dma_wait3A_45 = tpu.memref_slice %arg10[%dma_wait3A_43, %dma_wait3A_44] : memref<10112x128xf32, #tpu.memory_space<vmem_shared>> -> memref<10112x128xf32, #tpu.memory_space<vmem_shared>>
        tpu.wait_indirect_dma semaphore(%run_scoped3A : memref<!tpu.dma_semaphore, #tpu.memory_space<semaphore_mem>>) src(%arg9 : memref<128x128xf32, #tpu.memory_space<vmem>>) dst(%dma_wait3A_45 : memref<10112x128xf32, #tpu.memory_space<vmem_shared>>)
        tpu.yield
      }) : () -> ()
    }
    %scan3A_12 = arith.constant 79 : i32
    %barrier3A_13 = arith.constant 0 : index
    tpu.barrier barrier_id(%barrier3A_13)
    %mul3A_14 = arith.constant 624 : i32
    %mul3A_15 = arith.muli %arg1, %mul3A_14 : i32
    %mul3A_16 = arith.constant 624 : i32
    %mul3A_17 = arith.muli %arg1, %mul3A_16 : i32
    "tpu.region"() ({
      %run_scoped3A = tpu.sem_alloc : memref<!tpu.dma_semaphore, #tpu.memory_space<semaphore_mem>>
      %dma_start3A = arith.constant 0 : i32
      %dma_start3A_23 = arith.constant 0 : i32
      %dma_start3A_24 = tpu.memref_slice %arg6[%arg0, %dma_start3A, %dma_start3A_23] : memref<2x10000x128xf32, #tpu.memory_space<hbm>> -> memref<1x10000x128xf32, #tpu.memory_space<hbm>>
      %dma_start3A_25 = tpu.memref_squeeze %dma_start3A_24 : memref<1x10000x128xf32, #tpu.memory_space<hbm>> -> memref<10000x128xf32, #tpu.memory_space<hbm>>
      %dma_start3A_26 = arith.constant 0 : i32
      %dma_start3A_27 = tpu.memref_slice %dma_start3A_25[%mul3A_17, %dma_start3A_26] : memref<10000x128xf32, #tpu.memory_space<hbm>> -> memref<624x128xf32, #tpu.memory_space<hbm>>
      %dma_start3A_28 = arith.constant 0 : i32
      %dma_start3A_29 = tpu.memref_slice %arg10[%mul3A_15, %dma_start3A_28] : memref<10112x128xf32, #tpu.memory_space<vmem_shared>> -> memref<624x128xf32, #tpu.memory_space<vmem_shared>>
      tpu.enqueue_dma source(%dma_start3A_29 : memref<624x128xf32, #tpu.memory_space<vmem_shared>>) target(%dma_start3A_27 : memref<624x128xf32, #tpu.memory_space<hbm>>) target_semaphore(%run_scoped3A : memref<!tpu.dma_semaphore, #tpu.memory_space<semaphore_mem>>)
      %dma_wait3A = arith.constant 0 : i32
      %dma_wait3A_30 = arith.constant 0 : i32
      %dma_wait3A_31 = tpu.memref_slice %arg6[%arg0, %dma_wait3A, %dma_wait3A_30] : memref<2x10000x128xf32, #tpu.memory_space<hbm>> -> memref<1x10000x128xf32, #tpu.memory_space<hbm>>
      %dma_wait3A_32 = tpu.memref_squeeze %dma_wait3A_31 : memref<1x10000x128xf32, #tpu.memory_space<hbm>> -> memref<10000x128xf32, #tpu.memory_space<hbm>>
      %dma_wait3A_33 = arith.constant 0 : i32
      %dma_wait3A_34 = tpu.memref_slice %dma_wait3A_32[%mul3A_17, %dma_wait3A_33] : memref<10000x128xf32, #tpu.memory_space<hbm>> -> memref<624x128xf32, #tpu.memory_space<hbm>>
      %dma_wait3A_35 = arith.constant 0 : i32
      %dma_wait3A_36 = tpu.memref_slice %arg10[%mul3A_15, %dma_wait3A_35] : memref<10112x128xf32, #tpu.memory_space<vmem_shared>> -> memref<624x128xf32, #tpu.memory_space<vmem_shared>>
      tpu.wait_dma2 semaphore(%run_scoped3A : memref<!tpu.dma_semaphore, #tpu.memory_space<semaphore_mem>>) src(%dma_wait3A_36 : memref<624x128xf32, #tpu.memory_space<vmem_shared>>) dst(%dma_wait3A_34 : memref<624x128xf32, #tpu.memory_space<hbm>>)
      tpu.yield
    }) : () -> ()
    %eq3A_18 = arith.constant 15 : i32
    %eq3A_19 = arith.cmpi eq, %arg1, %eq3A_18 : i32
    %convert_element_type3A_20 = arith.extui %eq3A_19 : i1 to i32
    %cond3A_21 = arith.constant 0 : i32
    %cond3A_22 = arith.cmpi ne, %convert_element_type3A_20, %cond3A_21 : i32
    scf.if %cond3A_22 {
      "tpu.region"() ({
        %run_scoped3A = tpu.sem_alloc : memref<!tpu.dma_semaphore, #tpu.memory_space<semaphore_mem>>
        %dma_start3A = arith.constant 0 : i32
        %dma_start3A_23 = arith.constant 0 : i32
        %dma_start3A_24 = tpu.memref_slice %arg6[%arg0, %dma_start3A, %dma_start3A_23] : memref<2x10000x128xf32, #tpu.memory_space<hbm>> -> memref<1x10000x128xf32, #tpu.memory_space<hbm>>
        %dma_start3A_25 = tpu.memref_squeeze %dma_start3A_24 : memref<1x10000x128xf32, #tpu.memory_space<hbm>> -> memref<10000x128xf32, #tpu.memory_space<hbm>>
        %dma_start3A_26 = arith.constant 9984 : i32
        %dma_start3A_27 = arith.constant 0 : i32
        %dma_start3A_28 = tpu.memref_slice %dma_start3A_25[%dma_start3A_26, %dma_start3A_27] : memref<10000x128xf32, #tpu.memory_space<hbm>> -> memref<16x128xf32, #tpu.memory_space<hbm>>
        %dma_start3A_29 = arith.constant 9984 : i32
        %dma_start3A_30 = arith.constant 0 : i32
        %dma_start3A_31 = tpu.memref_slice %arg10[%dma_start3A_29, %dma_start3A_30] : memref<10112x128xf32, #tpu.memory_space<vmem_shared>> -> memref<16x128xf32, #tpu.memory_space<vmem_shared>>
        tpu.enqueue_dma source(%dma_start3A_31 : memref<16x128xf32, #tpu.memory_space<vmem_shared>>) target(%dma_start3A_28 : memref<16x128xf32, #tpu.memory_space<hbm>>) target_semaphore(%run_scoped3A : memref<!tpu.dma_semaphore, #tpu.memory_space<semaphore_mem>>)
        %dma_wait3A = arith.constant 0 : i32
        %dma_wait3A_32 = arith.constant 0 : i32
        %dma_wait3A_33 = tpu.memref_slice %arg6[%arg0, %dma_wait3A, %dma_wait3A_32] : memref<2x10000x128xf32, #tpu.memory_space<hbm>> -> memref<1x10000x128xf32, #tpu.memory_space<hbm>>
        %dma_wait3A_34 = tpu.memref_squeeze %dma_wait3A_33 : memref<1x10000x128xf32, #tpu.memory_space<hbm>> -> memref<10000x128xf32, #tpu.memory_space<hbm>>
        %dma_wait3A_35 = arith.constant 9984 : i32
        %dma_wait3A_36 = arith.constant 0 : i32
        %dma_wait3A_37 = tpu.memref_slice %dma_wait3A_34[%dma_wait3A_35, %dma_wait3A_36] : memref<10000x128xf32, #tpu.memory_space<hbm>> -> memref<16x128xf32, #tpu.memory_space<hbm>>
        %dma_wait3A_38 = arith.constant 9984 : i32
        %dma_wait3A_39 = arith.constant 0 : i32
        %dma_wait3A_40 = tpu.memref_slice %arg10[%dma_wait3A_38, %dma_wait3A_39] : memref<10112x128xf32, #tpu.memory_space<vmem_shared>> -> memref<16x128xf32, #tpu.memory_space<vmem_shared>>
        tpu.wait_dma2 semaphore(%run_scoped3A : memref<!tpu.dma_semaphore, #tpu.memory_space<semaphore_mem>>) src(%dma_wait3A_40 : memref<16x128xf32, #tpu.memory_space<vmem_shared>>) dst(%dma_wait3A_37 : memref<16x128xf32, #tpu.memory_space<hbm>>)
        tpu.yield
      }) : () -> ()
    } else {
    }
    return
  }
}

#map = affine_map<(d0, d1) -> (0, 0)>
#map1 = affine_map<(d0, d1) -> (0, 0, 0)>
module attributes {stable_mosaic.version = 14 : i64} {
  func.func @spmm_kernel(%arg0: i32, %arg1: i32, %arg2: memref<10000x128xf32, #tpu.memory_space<hbm>>, %arg3: memref<10112x128xf32, #tpu.memory_space<hbm>>, %arg4: memref<32x79x128xi32, #tpu.memory_space<hbm>>, %arg5: memref<32x79x128xi32, #tpu.memory_space<hbm>>, %arg6: memref<2x10000x128xf32, #tpu.memory_space<hbm>>, %arg7: memref<79x128xi32, #tpu.memory_space<vmem>>, %arg8: memref<79x128xi32, #tpu.memory_space<vmem>>, %arg9: memref<128x128xf32, #tpu.memory_space<vmem>>, %arg10: memref<10112x128xf32, #tpu.memory_space<vmem_shared>>, %arg11: memref<!tpu.dma_semaphore, #tpu.memory_space<semaphore_mem>>) attributes {dimension_semantics = [#tpu.dimension_semantics<core_parallel>, #tpu.dimension_semantics<subcore_parallel>], iteration_bounds = array<i64: 2, 16>, scalar_prefetch = 0 : i64, scratch_operands = 5 : i64, tpu.core_type = #tpu.core_type<sc_vector_subcore>, window_params = [{transform_indices = #map}, {transform_indices = #map}, {transform_indices = #map1}, {transform_indices = #map1}, {transform_indices = #map1}]} {
    %mul3A = arith.constant 16 : i32
    %mul3A_0 = arith.muli %arg0, %mul3A : i32
    %add3A = arith.addi %mul3A_0, %arg1 : i32
    %eq3A = arith.constant 0 : i32
    %eq3A_1 = arith.cmpi eq, %arg0, %eq3A : i32
    %convert_element_type3A = arith.extui %eq3A_1 : i1 to i32
    %cond3A = arith.constant 0 : i32
    %cond3A_2 = arith.cmpi ne, %convert_element_type3A, %cond3A : i32
    scf.if %cond3A_2 {
      %mul3A_23 = arith.constant 624 : i32
      %mul3A_24 = arith.muli %arg1, %mul3A_23 : i32
      %mul3A_25 = arith.constant 624 : i32
      %mul3A_26 = arith.muli %arg1, %mul3A_25 : i32
      "tpu.region"() ({
        %run_scoped3A = tpu.sem_alloc : memref<!tpu.dma_semaphore, #tpu.memory_space<semaphore_mem>>
        %dma_start3A = arith.constant 0 : i32
        %dma_start3A_37 = tpu.memref_slice %arg10[%mul3A_26, %dma_start3A] : memref<10112x128xf32, #tpu.memory_space<vmem_shared>> -> memref<624x128xf32, #tpu.memory_space<vmem_shared>>
        %dma_start3A_38 = arith.constant 0 : i32
        %dma_start3A_39 = tpu.memref_slice %arg2[%mul3A_24, %dma_start3A_38] : memref<10000x128xf32, #tpu.memory_space<hbm>> -> memref<624x128xf32, #tpu.memory_space<hbm>>
        tpu.enqueue_dma source(%dma_start3A_39 : memref<624x128xf32, #tpu.memory_space<hbm>>) target(%dma_start3A_37 : memref<624x128xf32, #tpu.memory_space<vmem_shared>>) target_semaphore(%run_scoped3A : memref<!tpu.dma_semaphore, #tpu.memory_space<semaphore_mem>>)
        %dma_wait3A = arith.constant 0 : i32
        %dma_wait3A_40 = tpu.memref_slice %arg10[%mul3A_26, %dma_wait3A] : memref<10112x128xf32, #tpu.memory_space<vmem_shared>> -> memref<624x128xf32, #tpu.memory_space<vmem_shared>>
        %dma_wait3A_41 = arith.constant 0 : i32
        %dma_wait3A_42 = tpu.memref_slice %arg2[%mul3A_24, %dma_wait3A_41] : memref<10000x128xf32, #tpu.memory_space<hbm>> -> memref<624x128xf32, #tpu.memory_space<hbm>>
        tpu.wait_dma2 semaphore(%run_scoped3A : memref<!tpu.dma_semaphore, #tpu.memory_space<semaphore_mem>>) src(%dma_wait3A_42 : memref<624x128xf32, #tpu.memory_space<hbm>>) dst(%dma_wait3A_40 : memref<624x128xf32, #tpu.memory_space<vmem_shared>>)
        tpu.yield
      }) : () -> ()
      %eq3A_27 = arith.constant 15 : i32
      %eq3A_28 = arith.cmpi eq, %arg1, %eq3A_27 : i32
      %convert_element_type3A_29 = arith.extui %eq3A_28 : i1 to i32
      %cond3A_30 = arith.constant 0 : i32
      %cond3A_31 = arith.cmpi ne, %convert_element_type3A_29, %cond3A_30 : i32
      scf.if %cond3A_31 {
        "tpu.region"() ({
          %run_scoped3A = tpu.sem_alloc : memref<!tpu.dma_semaphore, #tpu.memory_space<semaphore_mem>>
          %dma_start3A = arith.constant 9984 : i32
          %dma_start3A_37 = arith.constant 0 : i32
          %dma_start3A_38 = tpu.memref_slice %arg10[%dma_start3A, %dma_start3A_37] : memref<10112x128xf32, #tpu.memory_space<vmem_shared>> -> memref<16x128xf32, #tpu.memory_space<vmem_shared>>
          %dma_start3A_39 = arith.constant 9984 : i32
          %dma_start3A_40 = arith.constant 0 : i32
          %dma_start3A_41 = tpu.memref_slice %arg2[%dma_start3A_39, %dma_start3A_40] : memref<10000x128xf32, #tpu.memory_space<hbm>> -> memref<16x128xf32, #tpu.memory_space<hbm>>
          tpu.enqueue_dma source(%dma_start3A_41 : memref<16x128xf32, #tpu.memory_space<hbm>>) target(%dma_start3A_38 : memref<16x128xf32, #tpu.memory_space<vmem_shared>>) target_semaphore(%run_scoped3A : memref<!tpu.dma_semaphore, #tpu.memory_space<semaphore_mem>>)
          %dma_wait3A = arith.constant 9984 : i32
          %dma_wait3A_42 = arith.constant 0 : i32
          %dma_wait3A_43 = tpu.memref_slice %arg10[%dma_wait3A, %dma_wait3A_42] : memref<10112x128xf32, #tpu.memory_space<vmem_shared>> -> memref<16x128xf32, #tpu.memory_space<vmem_shared>>
          %dma_wait3A_44 = arith.constant 9984 : i32
          %dma_wait3A_45 = arith.constant 0 : i32
          %dma_wait3A_46 = tpu.memref_slice %arg2[%dma_wait3A_44, %dma_wait3A_45] : memref<10000x128xf32, #tpu.memory_space<hbm>> -> memref<16x128xf32, #tpu.memory_space<hbm>>
          tpu.wait_dma2 semaphore(%run_scoped3A : memref<!tpu.dma_semaphore, #tpu.memory_space<semaphore_mem>>) src(%dma_wait3A_46 : memref<16x128xf32, #tpu.memory_space<hbm>>) dst(%dma_wait3A_43 : memref<16x128xf32, #tpu.memory_space<vmem_shared>>)
          tpu.yield
        }) : () -> ()
      } else {
      }
      %eq3A_32 = arith.constant 0 : i32
      %eq3A_33 = arith.cmpi eq, %arg1, %eq3A_32 : i32
      %convert_element_type3A_34 = arith.extui %eq3A_33 : i1 to i32
      %cond3A_35 = arith.constant 0 : i32
      %cond3A_36 = arith.cmpi ne, %convert_element_type3A_34, %cond3A_35 : i32
      scf.if %cond3A_36 {
        "tpu.region"() ({
          %run_scoped3A = tpu.sem_alloc : memref<!tpu.dma_semaphore, #tpu.memory_space<semaphore_mem>>
          %dma_start3A = arith.constant 10000 : i32
          %dma_start3A_37 = arith.constant 0 : i32
          %dma_start3A_38 = tpu.memref_slice %arg10[%dma_start3A, %dma_start3A_37] : memref<10112x128xf32, #tpu.memory_space<vmem_shared>> -> memref<112x128xf32, #tpu.memory_space<vmem_shared>>
          %dma_start3A_39 = arith.constant 0 : i32
          %dma_start3A_40 = arith.constant 0 : i32
          %dma_start3A_41 = tpu.memref_slice %arg3[%dma_start3A_39, %dma_start3A_40] : memref<10112x128xf32, #tpu.memory_space<hbm>> -> memref<112x128xf32, #tpu.memory_space<hbm>>
          tpu.enqueue_dma source(%dma_start3A_41 : memref<112x128xf32, #tpu.memory_space<hbm>>) target(%dma_start3A_38 : memref<112x128xf32, #tpu.memory_space<vmem_shared>>) target_semaphore(%run_scoped3A : memref<!tpu.dma_semaphore, #tpu.memory_space<semaphore_mem>>)
          %dma_wait3A = arith.constant 10000 : i32
          %dma_wait3A_42 = arith.constant 0 : i32
          %dma_wait3A_43 = tpu.memref_slice %arg10[%dma_wait3A, %dma_wait3A_42] : memref<10112x128xf32, #tpu.memory_space<vmem_shared>> -> memref<112x128xf32, #tpu.memory_space<vmem_shared>>
          %dma_wait3A_44 = arith.constant 0 : i32
          %dma_wait3A_45 = arith.constant 0 : i32
          %dma_wait3A_46 = tpu.memref_slice %arg3[%dma_wait3A_44, %dma_wait3A_45] : memref<10112x128xf32, #tpu.memory_space<hbm>> -> memref<112x128xf32, #tpu.memory_space<hbm>>
          tpu.wait_dma2 semaphore(%run_scoped3A : memref<!tpu.dma_semaphore, #tpu.memory_space<semaphore_mem>>) src(%dma_wait3A_46 : memref<112x128xf32, #tpu.memory_space<hbm>>) dst(%dma_wait3A_43 : memref<112x128xf32, #tpu.memory_space<vmem_shared>>)
          tpu.yield
        }) : () -> ()
      } else {
      }
    } else {
    }
    %eq3A_3 = arith.constant 1 : i32
    %eq3A_4 = arith.cmpi eq, %arg0, %eq3A_3 : i32
    %convert_element_type3A_5 = arith.extui %eq3A_4 : i1 to i32
    %cond3A_6 = arith.constant 0 : i32
    %cond3A_7 = arith.cmpi ne, %convert_element_type3A_5, %cond3A_6 : i32
    scf.if %cond3A_7 {
      %mul3A_23 = arith.constant 632 : i32
      %mul3A_24 = arith.muli %arg1, %mul3A_23 : i32
      %mul3A_25 = arith.constant 632 : i32
      %mul3A_26 = arith.muli %arg1, %mul3A_25 : i32
      "tpu.region"() ({
        %run_scoped3A = tpu.sem_alloc : memref<!tpu.dma_semaphore, #tpu.memory_space<semaphore_mem>>
        %dma_start3A = arith.constant 0 : i32
        %dma_start3A_27 = tpu.memref_slice %arg10[%mul3A_26, %dma_start3A] : memref<10112x128xf32, #tpu.memory_space<vmem_shared>> -> memref<632x128xf32, #tpu.memory_space<vmem_shared>>
        %dma_start3A_28 = arith.constant 0 : i32
        %dma_start3A_29 = tpu.memref_slice %arg3[%mul3A_24, %dma_start3A_28] : memref<10112x128xf32, #tpu.memory_space<hbm>> -> memref<632x128xf32, #tpu.memory_space<hbm>>
        tpu.enqueue_dma source(%dma_start3A_29 : memref<632x128xf32, #tpu.memory_space<hbm>>) target(%dma_start3A_27 : memref<632x128xf32, #tpu.memory_space<vmem_shared>>) target_semaphore(%run_scoped3A : memref<!tpu.dma_semaphore, #tpu.memory_space<semaphore_mem>>)
        %dma_wait3A = arith.constant 0 : i32
        %dma_wait3A_30 = tpu.memref_slice %arg10[%mul3A_26, %dma_wait3A] : memref<10112x128xf32, #tpu.memory_space<vmem_shared>> -> memref<632x128xf32, #tpu.memory_space<vmem_shared>>
        %dma_wait3A_31 = arith.constant 0 : i32
        %dma_wait3A_32 = tpu.memref_slice %arg3[%mul3A_24, %dma_wait3A_31] : memref<10112x128xf32, #tpu.memory_space<hbm>> -> memref<632x128xf32, #tpu.memory_space<hbm>>
        tpu.wait_dma2 semaphore(%run_scoped3A : memref<!tpu.dma_semaphore, #tpu.memory_space<semaphore_mem>>) src(%dma_wait3A_32 : memref<632x128xf32, #tpu.memory_space<hbm>>) dst(%dma_wait3A_30 : memref<632x128xf32, #tpu.memory_space<vmem_shared>>)
        tpu.yield
      }) : () -> ()
    } else {
    }
    "tpu.region"() ({
      %run_scoped3A = tpu.sem_alloc : memref<!tpu.dma_semaphore, #tpu.memory_space<semaphore_mem>>
      %dma_start3A = arith.constant 0 : i32
      %dma_start3A_23 = arith.constant 0 : i32
      %dma_start3A_24 = tpu.memref_slice %arg4[%add3A, %dma_start3A, %dma_start3A_23] : memref<32x79x128xi32, #tpu.memory_space<hbm>> -> memref<1x79x128xi32, #tpu.memory_space<hbm>>
      %dma_start3A_25 = tpu.memref_squeeze %dma_start3A_24 : memref<1x79x128xi32, #tpu.memory_space<hbm>> -> memref<79x128xi32, #tpu.memory_space<hbm>>
      %dma_start3A_26 = arith.constant 0 : i32
      %dma_start3A_27 = arith.constant 0 : i32
      %dma_start3A_28 = tpu.memref_slice %arg4[%add3A, %dma_start3A_26, %dma_start3A_27] : memref<32x79x128xi32, #tpu.memory_space<hbm>> -> memref<1x79x128xi32, #tpu.memory_space<hbm>>
      %dma_start3A_29 = tpu.memref_squeeze %dma_start3A_28 : memref<1x79x128xi32, #tpu.memory_space<hbm>> -> memref<79x128xi32, #tpu.memory_space<hbm>>
      tpu.enqueue_dma source(%dma_start3A_29 : memref<79x128xi32, #tpu.memory_space<hbm>>) target(%arg7 : memref<79x128xi32, #tpu.memory_space<vmem>>) target_semaphore(%run_scoped3A : memref<!tpu.dma_semaphore, #tpu.memory_space<semaphore_mem>>)
      %dma_wait3A = arith.constant 0 : i32
      %dma_wait3A_30 = arith.constant 0 : i32
      %dma_wait3A_31 = tpu.memref_slice %arg4[%add3A, %dma_wait3A, %dma_wait3A_30] : memref<32x79x128xi32, #tpu.memory_space<hbm>> -> memref<1x79x128xi32, #tpu.memory_space<hbm>>
      %dma_wait3A_32 = tpu.memref_squeeze %dma_wait3A_31 : memref<1x79x128xi32, #tpu.memory_space<hbm>> -> memref<79x128xi32, #tpu.memory_space<hbm>>
      %dma_wait3A_33 = arith.constant 0 : i32
      %dma_wait3A_34 = arith.constant 0 : i32
      %dma_wait3A_35 = tpu.memref_slice %arg4[%add3A, %dma_wait3A_33, %dma_wait3A_34] : memref<32x79x128xi32, #tpu.memory_space<hbm>> -> memref<1x79x128xi32, #tpu.memory_space<hbm>>
      %dma_wait3A_36 = tpu.memref_squeeze %dma_wait3A_35 : memref<1x79x128xi32, #tpu.memory_space<hbm>> -> memref<79x128xi32, #tpu.memory_space<hbm>>
      tpu.wait_dma2 semaphore(%run_scoped3A : memref<!tpu.dma_semaphore, #tpu.memory_space<semaphore_mem>>) src(%dma_wait3A_36 : memref<79x128xi32, #tpu.memory_space<hbm>>) dst(%arg7 : memref<79x128xi32, #tpu.memory_space<vmem>>)
      tpu.yield
    }) : () -> ()
    "tpu.region"() ({
      %run_scoped3A = tpu.sem_alloc : memref<!tpu.dma_semaphore, #tpu.memory_space<semaphore_mem>>
      %dma_start3A = arith.constant 0 : i32
      %dma_start3A_23 = arith.constant 0 : i32
      %dma_start3A_24 = tpu.memref_slice %arg5[%add3A, %dma_start3A, %dma_start3A_23] : memref<32x79x128xi32, #tpu.memory_space<hbm>> -> memref<1x79x128xi32, #tpu.memory_space<hbm>>
      %dma_start3A_25 = tpu.memref_squeeze %dma_start3A_24 : memref<1x79x128xi32, #tpu.memory_space<hbm>> -> memref<79x128xi32, #tpu.memory_space<hbm>>
      %dma_start3A_26 = arith.constant 0 : i32
      %dma_start3A_27 = arith.constant 0 : i32
      %dma_start3A_28 = tpu.memref_slice %arg5[%add3A, %dma_start3A_26, %dma_start3A_27] : memref<32x79x128xi32, #tpu.memory_space<hbm>> -> memref<1x79x128xi32, #tpu.memory_space<hbm>>
      %dma_start3A_29 = tpu.memref_squeeze %dma_start3A_28 : memref<1x79x128xi32, #tpu.memory_space<hbm>> -> memref<79x128xi32, #tpu.memory_space<hbm>>
      tpu.enqueue_dma source(%dma_start3A_29 : memref<79x128xi32, #tpu.memory_space<hbm>>) target(%arg8 : memref<79x128xi32, #tpu.memory_space<vmem>>) target_semaphore(%run_scoped3A : memref<!tpu.dma_semaphore, #tpu.memory_space<semaphore_mem>>)
      %dma_wait3A = arith.constant 0 : i32
      %dma_wait3A_30 = arith.constant 0 : i32
      %dma_wait3A_31 = tpu.memref_slice %arg5[%add3A, %dma_wait3A, %dma_wait3A_30] : memref<32x79x128xi32, #tpu.memory_space<hbm>> -> memref<1x79x128xi32, #tpu.memory_space<hbm>>
      %dma_wait3A_32 = tpu.memref_squeeze %dma_wait3A_31 : memref<1x79x128xi32, #tpu.memory_space<hbm>> -> memref<79x128xi32, #tpu.memory_space<hbm>>
      %dma_wait3A_33 = arith.constant 0 : i32
      %dma_wait3A_34 = arith.constant 0 : i32
      %dma_wait3A_35 = tpu.memref_slice %arg5[%add3A, %dma_wait3A_33, %dma_wait3A_34] : memref<32x79x128xi32, #tpu.memory_space<hbm>> -> memref<1x79x128xi32, #tpu.memory_space<hbm>>
      %dma_wait3A_36 = tpu.memref_squeeze %dma_wait3A_35 : memref<1x79x128xi32, #tpu.memory_space<hbm>> -> memref<79x128xi32, #tpu.memory_space<hbm>>
      tpu.wait_dma2 semaphore(%run_scoped3A : memref<!tpu.dma_semaphore, #tpu.memory_space<semaphore_mem>>) src(%dma_wait3A_36 : memref<79x128xi32, #tpu.memory_space<hbm>>) dst(%arg8 : memref<79x128xi32, #tpu.memory_space<vmem>>)
      tpu.yield
    }) : () -> ()
    %barrier3A = arith.constant 0 : index
    tpu.barrier barrier_id(%barrier3A)
    %scan3A = arith.constant 0 : i32
    %scan3A_8 = arith.constant 0 : i32
    %scan3A_9 = arith.constant 79 : i32
    %scan3A_10 = arith.addi %scan3A_8, %scan3A_9 : i32
    %scan3A_11 = arith.constant 1 : i32
    scf.for %scan3A_23 = %scan3A_8 to %scan3A_10 step %scan3A_11  : i32 {
      %dma_start3A = arith.constant 0 : i32
      %dma_start3A_24 = tpu.memref_slice %arg7[%scan3A_23, %dma_start3A] : memref<79x128xi32, #tpu.memory_space<vmem>> -> memref<1x128xi32, #tpu.memory_space<vmem>>
      %dma_start3A_25 = tpu.memref_squeeze %dma_start3A_24 : memref<1x128xi32, #tpu.memory_space<vmem>> -> memref<128xi32, #tpu.memory_space<vmem>>
      %dma_start3A_26 = arith.constant 0 : i32
      %dma_start3A_27 = arith.constant 0 : i32
      %dma_start3A_28 = tpu.memref_slice %arg2[%dma_start3A_26, %dma_start3A_27] : memref<10000x128xf32, #tpu.memory_space<hbm>> -> memref<10000x128xf32, #tpu.memory_space<hbm>>
      tpu.enqueue_indirect_dma source(%dma_start3A_28 : memref<10000x128xf32, #tpu.memory_space<hbm>>) target(%arg9 : memref<128x128xf32, #tpu.memory_space<vmem>>) offsets(%dma_start3A_25 : memref<128xi32, #tpu.memory_space<vmem>>) semaphore(%arg11 : memref<!tpu.dma_semaphore, #tpu.memory_space<semaphore_mem>>)
      %dma_wait3A = arith.constant 0 : i32
      %dma_wait3A_29 = tpu.memref_slice %arg7[%scan3A_23, %dma_wait3A] : memref<79x128xi32, #tpu.memory_space<vmem>> -> memref<1x128xi32, #tpu.memory_space<vmem>>
      %dma_wait3A_30 = tpu.memref_squeeze %dma_wait3A_29 : memref<1x128xi32, #tpu.memory_space<vmem>> -> memref<128xi32, #tpu.memory_space<vmem>>
      %dma_wait3A_31 = arith.constant 0 : i32
      %dma_wait3A_32 = arith.constant 0 : i32
      %dma_wait3A_33 = tpu.memref_slice %arg2[%dma_wait3A_31, %dma_wait3A_32] : memref<10000x128xf32, #tpu.memory_space<hbm>> -> memref<10000x128xf32, #tpu.memory_space<hbm>>
      tpu.wait_indirect_dma semaphore(%arg11 : memref<!tpu.dma_semaphore, #tpu.memory_space<semaphore_mem>>) src(%dma_wait3A_33 : memref<10000x128xf32, #tpu.memory_space<hbm>>) dst(%arg9 : memref<128x128xf32, #tpu.memory_space<vmem>>)
      "tpu.region"() ({
        %run_scoped3A = tpu.sem_alloc : memref<!tpu.dma_semaphore, #tpu.memory_space<semaphore_mem>>
        %dma_start3A_34 = arith.constant 0 : i32
        %dma_start3A_35 = tpu.memref_slice %arg8[%scan3A_23, %dma_start3A_34] : memref<79x128xi32, #tpu.memory_space<vmem>> -> memref<1x128xi32, #tpu.memory_space<vmem>>
        %dma_start3A_36 = tpu.memref_squeeze %dma_start3A_35 : memref<1x128xi32, #tpu.memory_space<vmem>> -> memref<128xi32, #tpu.memory_space<vmem>>
        %dma_start3A_37 = arith.constant 0 : i32
        %dma_start3A_38 = arith.constant 0 : i32
        %dma_start3A_39 = tpu.memref_slice %arg10[%dma_start3A_37, %dma_start3A_38] : memref<10112x128xf32, #tpu.memory_space<vmem_shared>> -> memref<10112x128xf32, #tpu.memory_space<vmem_shared>>
        tpu.enqueue_indirect_dma source(%arg9 : memref<128x128xf32, #tpu.memory_space<vmem>>) target(%dma_start3A_39 : memref<10112x128xf32, #tpu.memory_space<vmem_shared>>) offsets(%dma_start3A_36 : memref<128xi32, #tpu.memory_space<vmem>>) semaphore(%run_scoped3A : memref<!tpu.dma_semaphore, #tpu.memory_space<semaphore_mem>>) {add = true}
        %dma_wait3A_40 = arith.constant 0 : i32
        %dma_wait3A_41 = tpu.memref_slice %arg8[%scan3A_23, %dma_wait3A_40] : memref<79x128xi32, #tpu.memory_space<vmem>> -> memref<1x128xi32, #tpu.memory_space<vmem>>
        %dma_wait3A_42 = tpu.memref_squeeze %dma_wait3A_41 : memref<1x128xi32, #tpu.memory_space<vmem>> -> memref<128xi32, #tpu.memory_space<vmem>>
        %dma_wait3A_43 = arith.constant 0 : i32
        %dma_wait3A_44 = arith.constant 0 : i32
        %dma_wait3A_45 = tpu.memref_slice %arg10[%dma_wait3A_43, %dma_wait3A_44] : memref<10112x128xf32, #tpu.memory_space<vmem_shared>> -> memref<10112x128xf32, #tpu.memory_space<vmem_shared>>
        tpu.wait_indirect_dma semaphore(%run_scoped3A : memref<!tpu.dma_semaphore, #tpu.memory_space<semaphore_mem>>) src(%arg9 : memref<128x128xf32, #tpu.memory_space<vmem>>) dst(%dma_wait3A_45 : memref<10112x128xf32, #tpu.memory_space<vmem_shared>>)
        tpu.yield
      }) : () -> ()
    }
    %scan3A_12 = arith.constant 79 : i32
    %barrier3A_13 = arith.constant 0 : index
    tpu.barrier barrier_id(%barrier3A_13)
    %mul3A_14 = arith.constant 624 : i32
    %mul3A_15 = arith.muli %arg1, %mul3A_14 : i32
    %mul3A_16 = arith.constant 624 : i32
    %mul3A_17 = arith.muli %arg1, %mul3A_16 : i32
    "tpu.region"() ({
      %run_scoped3A = tpu.sem_alloc : memref<!tpu.dma_semaphore, #tpu.memory_space<semaphore_mem>>
      %dma_start3A = arith.constant 0 : i32
      %dma_start3A_23 = arith.constant 0 : i32
      %dma_start3A_24 = tpu.memref_slice %arg6[%arg0, %dma_start3A, %dma_start3A_23] : memref<2x10000x128xf32, #tpu.memory_space<hbm>> -> memref<1x10000x128xf32, #tpu.memory_space<hbm>>
      %dma_start3A_25 = tpu.memref_squeeze %dma_start3A_24 : memref<1x10000x128xf32, #tpu.memory_space<hbm>> -> memref<10000x128xf32, #tpu.memory_space<hbm>>
      %dma_start3A_26 = arith.constant 0 : i32
      %dma_start3A_27 = tpu.memref_slice %dma_start3A_25[%mul3A_17, %dma_start3A_26] : memref<10000x128xf32, #tpu.memory_space<hbm>> -> memref<624x128xf32, #tpu.memory_space<hbm>>
      %dma_start3A_28 = arith.constant 0 : i32
      %dma_start3A_29 = tpu.memref_slice %arg10[%mul3A_15, %dma_start3A_28] : memref<10112x128xf32, #tpu.memory_space<vmem_shared>> -> memref<624x128xf32, #tpu.memory_space<vmem_shared>>
      tpu.enqueue_dma source(%dma_start3A_29 : memref<624x128xf32, #tpu.memory_space<vmem_shared>>) target(%dma_start3A_27 : memref<624x128xf32, #tpu.memory_space<hbm>>) target_semaphore(%run_scoped3A : memref<!tpu.dma_semaphore, #tpu.memory_space<semaphore_mem>>)
      %dma_wait3A = arith.constant 0 : i32
      %dma_wait3A_30 = arith.constant 0 : i32
      %dma_wait3A_31 = tpu.memref_slice %arg6[%arg0, %dma_wait3A, %dma_wait3A_30] : memref<2x10000x128xf32, #tpu.memory_space<hbm>> -> memref<1x10000x128xf32, #tpu.memory_space<hbm>>
      %dma_wait3A_32 = tpu.memref_squeeze %dma_wait3A_31 : memref<1x10000x128xf32, #tpu.memory_space<hbm>> -> memref<10000x128xf32, #tpu.memory_space<hbm>>
      %dma_wait3A_33 = arith.constant 0 : i32
      %dma_wait3A_34 = tpu.memref_slice %dma_wait3A_32[%mul3A_17, %dma_wait3A_33] : memref<10000x128xf32, #tpu.memory_space<hbm>> -> memref<624x128xf32, #tpu.memory_space<hbm>>
      %dma_wait3A_35 = arith.constant 0 : i32
      %dma_wait3A_36 = tpu.memref_slice %arg10[%mul3A_15, %dma_wait3A_35] : memref<10112x128xf32, #tpu.memory_space<vmem_shared>> -> memref<624x128xf32, #tpu.memory_space<vmem_shared>>
      tpu.wait_dma2 semaphore(%run_scoped3A : memref<!tpu.dma_semaphore, #tpu.memory_space<semaphore_mem>>) src(%dma_wait3A_36 : memref<624x128xf32, #tpu.memory_space<vmem_shared>>) dst(%dma_wait3A_34 : memref<624x128xf32, #tpu.memory_space<hbm>>)
      tpu.yield
    }) : () -> ()
    %eq3A_18 = arith.constant 15 : i32
    %eq3A_19 = arith.cmpi eq, %arg1, %eq3A_18 : i32
    %convert_element_type3A_20 = arith.extui %eq3A_19 : i1 to i32
    %cond3A_21 = arith.constant 0 : i32
    %cond3A_22 = arith.cmpi ne, %convert_element_type3A_20, %cond3A_21 : i32
    scf.if %cond3A_22 {
      "tpu.region"() ({
        %run_scoped3A = tpu.sem_alloc : memref<!tpu.dma_semaphore, #tpu.memory_space<semaphore_mem>>
        %dma_start3A = arith.constant 0 : i32
        %dma_start3A_23 = arith.constant 0 : i32
        %dma_start3A_24 = tpu.memref_slice %arg6[%arg0, %dma_start3A, %dma_start3A_23] : memref<2x10000x128xf32, #tpu.memory_space<hbm>> -> memref<1x10000x128xf32, #tpu.memory_space<hbm>>
        %dma_start3A_25 = tpu.memref_squeeze %dma_start3A_24 : memref<1x10000x128xf32, #tpu.memory_space<hbm>> -> memref<10000x128xf32, #tpu.memory_space<hbm>>
        %dma_start3A_26 = arith.constant 9984 : i32
        %dma_start3A_27 = arith.constant 0 : i32
        %dma_start3A_28 = tpu.memref_slice %dma_start3A_25[%dma_start3A_26, %dma_start3A_27] : memref<10000x128xf32, #tpu.memory_space<hbm>> -> memref<16x128xf32, #tpu.memory_space<hbm>>
        %dma_start3A_29 = arith.constant 9984 : i32
        %dma_start3A_30 = arith.constant 0 : i32
        %dma_start3A_31 = tpu.memref_slice %arg10[%dma_start3A_29, %dma_start3A_30] : memref<10112x128xf32, #tpu.memory_space<vmem_shared>> -> memref<16x128xf32, #tpu.memory_space<vmem_shared>>
        tpu.enqueue_dma source(%dma_start3A_31 : memref<16x128xf32, #tpu.memory_space<vmem_shared>>) target(%dma_start3A_28 : memref<16x128xf32, #tpu.memory_space<hbm>>) target_semaphore(%run_scoped3A : memref<!tpu.dma_semaphore, #tpu.memory_space<semaphore_mem>>)
        %dma_wait3A = arith.constant 0 : i32
        %dma_wait3A_32 = arith.constant 0 : i32
        %dma_wait3A_33 = tpu.memref_slice %arg6[%arg0, %dma_wait3A, %dma_wait3A_32] : memref<2x10000x128xf32, #tpu.memory_space<hbm>> -> memref<1x10000x128xf32, #tpu.memory_space<hbm>>
        %dma_wait3A_34 = tpu.memref_squeeze %dma_wait3A_33 : memref<1x10000x128xf32, #tpu.memory_space<hbm>> -> memref<10000x128xf32, #tpu.memory_space<hbm>>
        %dma_wait3A_35 = arith.constant 9984 : i32
        %dma_wait3A_36 = arith.constant 0 : i32
        %dma_wait3A_37 = tpu.memref_slice %dma_wait3A_34[%dma_wait3A_35, %dma_wait3A_36] : memref<10000x128xf32, #tpu.memory_space<hbm>> -> memref<16x128xf32, #tpu.memory_space<hbm>>
        %dma_wait3A_38 = arith.constant 9984 : i32
        %dma_wait3A_39 = arith.constant 0 : i32
        %dma_wait3A_40 = tpu.memref_slice %arg10[%dma_wait3A_38, %dma_wait3A_39] : memref<10112x128xf32, #tpu.memory_space<vmem_shared>> -> memref<16x128xf32, #tpu.memory_space<vmem_shared>>
        tpu.wait_dma2 semaphore(%run_scoped3A : memref<!tpu.dma_semaphore, #tpu.memory_space<semaphore_mem>>) src(%dma_wait3A_40 : memref<16x128xf32, #tpu.memory_space<vmem_shared>>) dst(%dma_wait3A_37 : memref<16x128xf32, #tpu.memory_space<hbm>>)
        tpu.yield
      }) : () -> ()
    } else {
    }
    return
  }
}

#map = affine_map<(d0, d1) -> (0, 0)>
#map1 = affine_map<(d0, d1) -> (0, 0, 0)>
module attributes {stable_mosaic.version = 14 : i64} {
  func.func @spmm_kernel(%arg0: i32, %arg1: i32, %arg2: memref<10000x128xf32, #tpu.memory_space<hbm>>, %arg3: memref<10112x128xf32, #tpu.memory_space<hbm>>, %arg4: memref<32x79x128xi32, #tpu.memory_space<hbm>>, %arg5: memref<32x79x128xi32, #tpu.memory_space<hbm>>, %arg6: memref<2x10000x128xf32, #tpu.memory_space<hbm>>, %arg7: memref<79x128xi32, #tpu.memory_space<vmem>>, %arg8: memref<79x128xi32, #tpu.memory_space<vmem>>, %arg9: memref<128x128xf32, #tpu.memory_space<vmem>>, %arg10: memref<10112x128xf32, #tpu.memory_space<vmem_shared>>, %arg11: memref<!tpu.dma_semaphore, #tpu.memory_space<semaphore_mem>>) attributes {dimension_semantics = [#tpu.dimension_semantics<core_parallel>, #tpu.dimension_semantics<subcore_parallel>], iteration_bounds = array<i64: 2, 16>, scalar_prefetch = 0 : i64, scratch_operands = 5 : i64, tpu.core_type = #tpu.core_type<sc_vector_subcore>, window_params = [{transform_indices = #map}, {transform_indices = #map}, {transform_indices = #map1}, {transform_indices = #map1}, {transform_indices = #map1}]} {
    %mul3A = arith.constant 16 : i32
    %mul3A_0 = arith.muli %arg0, %mul3A : i32
    %add3A = arith.addi %mul3A_0, %arg1 : i32
    %eq3A = arith.constant 0 : i32
    %eq3A_1 = arith.cmpi eq, %arg0, %eq3A : i32
    %convert_element_type3A = arith.extui %eq3A_1 : i1 to i32
    %cond3A = arith.constant 0 : i32
    %cond3A_2 = arith.cmpi ne, %convert_element_type3A, %cond3A : i32
    scf.if %cond3A_2 {
      %mul3A_23 = arith.constant 624 : i32
      %mul3A_24 = arith.muli %arg1, %mul3A_23 : i32
      %mul3A_25 = arith.constant 624 : i32
      %mul3A_26 = arith.muli %arg1, %mul3A_25 : i32
      "tpu.region"() ({
        %run_scoped3A = tpu.sem_alloc : memref<!tpu.dma_semaphore, #tpu.memory_space<semaphore_mem>>
        %dma_start3A = arith.constant 0 : i32
        %dma_start3A_37 = tpu.memref_slice %arg10[%mul3A_26, %dma_start3A] : memref<10112x128xf32, #tpu.memory_space<vmem_shared>> -> memref<624x128xf32, #tpu.memory_space<vmem_shared>>
        %dma_start3A_38 = arith.constant 0 : i32
        %dma_start3A_39 = tpu.memref_slice %arg2[%mul3A_24, %dma_start3A_38] : memref<10000x128xf32, #tpu.memory_space<hbm>> -> memref<624x128xf32, #tpu.memory_space<hbm>>
        tpu.enqueue_dma source(%dma_start3A_39 : memref<624x128xf32, #tpu.memory_space<hbm>>) target(%dma_start3A_37 : memref<624x128xf32, #tpu.memory_space<vmem_shared>>) target_semaphore(%run_scoped3A : memref<!tpu.dma_semaphore, #tpu.memory_space<semaphore_mem>>)
        %dma_wait3A = arith.constant 0 : i32
        %dma_wait3A_40 = tpu.memref_slice %arg10[%mul3A_26, %dma_wait3A] : memref<10112x128xf32, #tpu.memory_space<vmem_shared>> -> memref<624x128xf32, #tpu.memory_space<vmem_shared>>
        %dma_wait3A_41 = arith.constant 0 : i32
        %dma_wait3A_42 = tpu.memref_slice %arg2[%mul3A_24, %dma_wait3A_41] : memref<10000x128xf32, #tpu.memory_space<hbm>> -> memref<624x128xf32, #tpu.memory_space<hbm>>
        tpu.wait_dma2 semaphore(%run_scoped3A : memref<!tpu.dma_semaphore, #tpu.memory_space<semaphore_mem>>) src(%dma_wait3A_42 : memref<624x128xf32, #tpu.memory_space<hbm>>) dst(%dma_wait3A_40 : memref<624x128xf32, #tpu.memory_space<vmem_shared>>)
        tpu.yield
      }) : () -> ()
      %eq3A_27 = arith.constant 15 : i32
      %eq3A_28 = arith.cmpi eq, %arg1, %eq3A_27 : i32
      %convert_element_type3A_29 = arith.extui %eq3A_28 : i1 to i32
      %cond3A_30 = arith.constant 0 : i32
      %cond3A_31 = arith.cmpi ne, %convert_element_type3A_29, %cond3A_30 : i32
      scf.if %cond3A_31 {
        "tpu.region"() ({
          %run_scoped3A = tpu.sem_alloc : memref<!tpu.dma_semaphore, #tpu.memory_space<semaphore_mem>>
          %dma_start3A = arith.constant 9984 : i32
          %dma_start3A_37 = arith.constant 0 : i32
          %dma_start3A_38 = tpu.memref_slice %arg10[%dma_start3A, %dma_start3A_37] : memref<10112x128xf32, #tpu.memory_space<vmem_shared>> -> memref<16x128xf32, #tpu.memory_space<vmem_shared>>
          %dma_start3A_39 = arith.constant 9984 : i32
          %dma_start3A_40 = arith.constant 0 : i32
          %dma_start3A_41 = tpu.memref_slice %arg2[%dma_start3A_39, %dma_start3A_40] : memref<10000x128xf32, #tpu.memory_space<hbm>> -> memref<16x128xf32, #tpu.memory_space<hbm>>
          tpu.enqueue_dma source(%dma_start3A_41 : memref<16x128xf32, #tpu.memory_space<hbm>>) target(%dma_start3A_38 : memref<16x128xf32, #tpu.memory_space<vmem_shared>>) target_semaphore(%run_scoped3A : memref<!tpu.dma_semaphore, #tpu.memory_space<semaphore_mem>>)
          %dma_wait3A = arith.constant 9984 : i32
          %dma_wait3A_42 = arith.constant 0 : i32
          %dma_wait3A_43 = tpu.memref_slice %arg10[%dma_wait3A, %dma_wait3A_42] : memref<10112x128xf32, #tpu.memory_space<vmem_shared>> -> memref<16x128xf32, #tpu.memory_space<vmem_shared>>
          %dma_wait3A_44 = arith.constant 9984 : i32
          %dma_wait3A_45 = arith.constant 0 : i32
          %dma_wait3A_46 = tpu.memref_slice %arg2[%dma_wait3A_44, %dma_wait3A_45] : memref<10000x128xf32, #tpu.memory_space<hbm>> -> memref<16x128xf32, #tpu.memory_space<hbm>>
          tpu.wait_dma2 semaphore(%run_scoped3A : memref<!tpu.dma_semaphore, #tpu.memory_space<semaphore_mem>>) src(%dma_wait3A_46 : memref<16x128xf32, #tpu.memory_space<hbm>>) dst(%dma_wait3A_43 : memref<16x128xf32, #tpu.memory_space<vmem_shared>>)
          tpu.yield
        }) : () -> ()
      } else {
      }
      %eq3A_32 = arith.constant 0 : i32
      %eq3A_33 = arith.cmpi eq, %arg1, %eq3A_32 : i32
      %convert_element_type3A_34 = arith.extui %eq3A_33 : i1 to i32
      %cond3A_35 = arith.constant 0 : i32
      %cond3A_36 = arith.cmpi ne, %convert_element_type3A_34, %cond3A_35 : i32
      scf.if %cond3A_36 {
        "tpu.region"() ({
          %run_scoped3A = tpu.sem_alloc : memref<!tpu.dma_semaphore, #tpu.memory_space<semaphore_mem>>
          %dma_start3A = arith.constant 10000 : i32
          %dma_start3A_37 = arith.constant 0 : i32
          %dma_start3A_38 = tpu.memref_slice %arg10[%dma_start3A, %dma_start3A_37] : memref<10112x128xf32, #tpu.memory_space<vmem_shared>> -> memref<112x128xf32, #tpu.memory_space<vmem_shared>>
          %dma_start3A_39 = arith.constant 0 : i32
          %dma_start3A_40 = arith.constant 0 : i32
          %dma_start3A_41 = tpu.memref_slice %arg3[%dma_start3A_39, %dma_start3A_40] : memref<10112x128xf32, #tpu.memory_space<hbm>> -> memref<112x128xf32, #tpu.memory_space<hbm>>
          tpu.enqueue_dma source(%dma_start3A_41 : memref<112x128xf32, #tpu.memory_space<hbm>>) target(%dma_start3A_38 : memref<112x128xf32, #tpu.memory_space<vmem_shared>>) target_semaphore(%run_scoped3A : memref<!tpu.dma_semaphore, #tpu.memory_space<semaphore_mem>>)
          %dma_wait3A = arith.constant 10000 : i32
          %dma_wait3A_42 = arith.constant 0 : i32
          %dma_wait3A_43 = tpu.memref_slice %arg10[%dma_wait3A, %dma_wait3A_42] : memref<10112x128xf32, #tpu.memory_space<vmem_shared>> -> memref<112x128xf32, #tpu.memory_space<vmem_shared>>
          %dma_wait3A_44 = arith.constant 0 : i32
          %dma_wait3A_45 = arith.constant 0 : i32
          %dma_wait3A_46 = tpu.memref_slice %arg3[%dma_wait3A_44, %dma_wait3A_45] : memref<10112x128xf32, #tpu.memory_space<hbm>> -> memref<112x128xf32, #tpu.memory_space<hbm>>
          tpu.wait_dma2 semaphore(%run_scoped3A : memref<!tpu.dma_semaphore, #tpu.memory_space<semaphore_mem>>) src(%dma_wait3A_46 : memref<112x128xf32, #tpu.memory_space<hbm>>) dst(%dma_wait3A_43 : memref<112x128xf32, #tpu.memory_space<vmem_shared>>)
          tpu.yield
        }) : () -> ()
      } else {
      }
    } else {
    }
    %eq3A_3 = arith.constant 1 : i32
    %eq3A_4 = arith.cmpi eq, %arg0, %eq3A_3 : i32
    %convert_element_type3A_5 = arith.extui %eq3A_4 : i1 to i32
    %cond3A_6 = arith.constant 0 : i32
    %cond3A_7 = arith.cmpi ne, %convert_element_type3A_5, %cond3A_6 : i32
    scf.if %cond3A_7 {
      %mul3A_23 = arith.constant 632 : i32
      %mul3A_24 = arith.muli %arg1, %mul3A_23 : i32
      %mul3A_25 = arith.constant 632 : i32
      %mul3A_26 = arith.muli %arg1, %mul3A_25 : i32
      "tpu.region"() ({
        %run_scoped3A = tpu.sem_alloc : memref<!tpu.dma_semaphore, #tpu.memory_space<semaphore_mem>>
        %dma_start3A = arith.constant 0 : i32
        %dma_start3A_27 = tpu.memref_slice %arg10[%mul3A_26, %dma_start3A] : memref<10112x128xf32, #tpu.memory_space<vmem_shared>> -> memref<632x128xf32, #tpu.memory_space<vmem_shared>>
        %dma_start3A_28 = arith.constant 0 : i32
        %dma_start3A_29 = tpu.memref_slice %arg3[%mul3A_24, %dma_start3A_28] : memref<10112x128xf32, #tpu.memory_space<hbm>> -> memref<632x128xf32, #tpu.memory_space<hbm>>
        tpu.enqueue_dma source(%dma_start3A_29 : memref<632x128xf32, #tpu.memory_space<hbm>>) target(%dma_start3A_27 : memref<632x128xf32, #tpu.memory_space<vmem_shared>>) target_semaphore(%run_scoped3A : memref<!tpu.dma_semaphore, #tpu.memory_space<semaphore_mem>>)
        %dma_wait3A = arith.constant 0 : i32
        %dma_wait3A_30 = tpu.memref_slice %arg10[%mul3A_26, %dma_wait3A] : memref<10112x128xf32, #tpu.memory_space<vmem_shared>> -> memref<632x128xf32, #tpu.memory_space<vmem_shared>>
        %dma_wait3A_31 = arith.constant 0 : i32
        %dma_wait3A_32 = tpu.memref_slice %arg3[%mul3A_24, %dma_wait3A_31] : memref<10112x128xf32, #tpu.memory_space<hbm>> -> memref<632x128xf32, #tpu.memory_space<hbm>>
        tpu.wait_dma2 semaphore(%run_scoped3A : memref<!tpu.dma_semaphore, #tpu.memory_space<semaphore_mem>>) src(%dma_wait3A_32 : memref<632x128xf32, #tpu.memory_space<hbm>>) dst(%dma_wait3A_30 : memref<632x128xf32, #tpu.memory_space<vmem_shared>>)
        tpu.yield
      }) : () -> ()
    } else {
    }
    "tpu.region"() ({
      %run_scoped3A = tpu.sem_alloc : memref<!tpu.dma_semaphore, #tpu.memory_space<semaphore_mem>>
      %dma_start3A = arith.constant 0 : i32
      %dma_start3A_23 = arith.constant 0 : i32
      %dma_start3A_24 = tpu.memref_slice %arg4[%add3A, %dma_start3A, %dma_start3A_23] : memref<32x79x128xi32, #tpu.memory_space<hbm>> -> memref<1x79x128xi32, #tpu.memory_space<hbm>>
      %dma_start3A_25 = tpu.memref_squeeze %dma_start3A_24 : memref<1x79x128xi32, #tpu.memory_space<hbm>> -> memref<79x128xi32, #tpu.memory_space<hbm>>
      %dma_start3A_26 = arith.constant 0 : i32
      %dma_start3A_27 = arith.constant 0 : i32
      %dma_start3A_28 = tpu.memref_slice %arg4[%add3A, %dma_start3A_26, %dma_start3A_27] : memref<32x79x128xi32, #tpu.memory_space<hbm>> -> memref<1x79x128xi32, #tpu.memory_space<hbm>>
      %dma_start3A_29 = tpu.memref_squeeze %dma_start3A_28 : memref<1x79x128xi32, #tpu.memory_space<hbm>> -> memref<79x128xi32, #tpu.memory_space<hbm>>
      tpu.enqueue_dma source(%dma_start3A_29 : memref<79x128xi32, #tpu.memory_space<hbm>>) target(%arg7 : memref<79x128xi32, #tpu.memory_space<vmem>>) target_semaphore(%run_scoped3A : memref<!tpu.dma_semaphore, #tpu.memory_space<semaphore_mem>>)
      %dma_wait3A = arith.constant 0 : i32
      %dma_wait3A_30 = arith.constant 0 : i32
      %dma_wait3A_31 = tpu.memref_slice %arg4[%add3A, %dma_wait3A, %dma_wait3A_30] : memref<32x79x128xi32, #tpu.memory_space<hbm>> -> memref<1x79x128xi32, #tpu.memory_space<hbm>>
      %dma_wait3A_32 = tpu.memref_squeeze %dma_wait3A_31 : memref<1x79x128xi32, #tpu.memory_space<hbm>> -> memref<79x128xi32, #tpu.memory_space<hbm>>
      %dma_wait3A_33 = arith.constant 0 : i32
      %dma_wait3A_34 = arith.constant 0 : i32
      %dma_wait3A_35 = tpu.memref_slice %arg4[%add3A, %dma_wait3A_33, %dma_wait3A_34] : memref<32x79x128xi32, #tpu.memory_space<hbm>> -> memref<1x79x128xi32, #tpu.memory_space<hbm>>
      %dma_wait3A_36 = tpu.memref_squeeze %dma_wait3A_35 : memref<1x79x128xi32, #tpu.memory_space<hbm>> -> memref<79x128xi32, #tpu.memory_space<hbm>>
      tpu.wait_dma2 semaphore(%run_scoped3A : memref<!tpu.dma_semaphore, #tpu.memory_space<semaphore_mem>>) src(%dma_wait3A_36 : memref<79x128xi32, #tpu.memory_space<hbm>>) dst(%arg7 : memref<79x128xi32, #tpu.memory_space<vmem>>)
      tpu.yield
    }) : () -> ()
    "tpu.region"() ({
      %run_scoped3A = tpu.sem_alloc : memref<!tpu.dma_semaphore, #tpu.memory_space<semaphore_mem>>
      %dma_start3A = arith.constant 0 : i32
      %dma_start3A_23 = arith.constant 0 : i32
      %dma_start3A_24 = tpu.memref_slice %arg5[%add3A, %dma_start3A, %dma_start3A_23] : memref<32x79x128xi32, #tpu.memory_space<hbm>> -> memref<1x79x128xi32, #tpu.memory_space<hbm>>
      %dma_start3A_25 = tpu.memref_squeeze %dma_start3A_24 : memref<1x79x128xi32, #tpu.memory_space<hbm>> -> memref<79x128xi32, #tpu.memory_space<hbm>>
      %dma_start3A_26 = arith.constant 0 : i32
      %dma_start3A_27 = arith.constant 0 : i32
      %dma_start3A_28 = tpu.memref_slice %arg5[%add3A, %dma_start3A_26, %dma_start3A_27] : memref<32x79x128xi32, #tpu.memory_space<hbm>> -> memref<1x79x128xi32, #tpu.memory_space<hbm>>
      %dma_start3A_29 = tpu.memref_squeeze %dma_start3A_28 : memref<1x79x128xi32, #tpu.memory_space<hbm>> -> memref<79x128xi32, #tpu.memory_space<hbm>>
      tpu.enqueue_dma source(%dma_start3A_29 : memref<79x128xi32, #tpu.memory_space<hbm>>) target(%arg8 : memref<79x128xi32, #tpu.memory_space<vmem>>) target_semaphore(%run_scoped3A : memref<!tpu.dma_semaphore, #tpu.memory_space<semaphore_mem>>)
      %dma_wait3A = arith.constant 0 : i32
      %dma_wait3A_30 = arith.constant 0 : i32
      %dma_wait3A_31 = tpu.memref_slice %arg5[%add3A, %dma_wait3A, %dma_wait3A_30] : memref<32x79x128xi32, #tpu.memory_space<hbm>> -> memref<1x79x128xi32, #tpu.memory_space<hbm>>
      %dma_wait3A_32 = tpu.memref_squeeze %dma_wait3A_31 : memref<1x79x128xi32, #tpu.memory_space<hbm>> -> memref<79x128xi32, #tpu.memory_space<hbm>>
      %dma_wait3A_33 = arith.constant 0 : i32
      %dma_wait3A_34 = arith.constant 0 : i32
      %dma_wait3A_35 = tpu.memref_slice %arg5[%add3A, %dma_wait3A_33, %dma_wait3A_34] : memref<32x79x128xi32, #tpu.memory_space<hbm>> -> memref<1x79x128xi32, #tpu.memory_space<hbm>>
      %dma_wait3A_36 = tpu.memref_squeeze %dma_wait3A_35 : memref<1x79x128xi32, #tpu.memory_space<hbm>> -> memref<79x128xi32, #tpu.memory_space<hbm>>
      tpu.wait_dma2 semaphore(%run_scoped3A : memref<!tpu.dma_semaphore, #tpu.memory_space<semaphore_mem>>) src(%dma_wait3A_36 : memref<79x128xi32, #tpu.memory_space<hbm>>) dst(%arg8 : memref<79x128xi32, #tpu.memory_space<vmem>>)
      tpu.yield
    }) : () -> ()
    %barrier3A = arith.constant 0 : index
    tpu.barrier barrier_id(%barrier3A)
    %scan3A = arith.constant 0 : i32
    %scan3A_8 = arith.constant 0 : i32
    %scan3A_9 = arith.constant 79 : i32
    %scan3A_10 = arith.addi %scan3A_8, %scan3A_9 : i32
    %scan3A_11 = arith.constant 1 : i32
    scf.for %scan3A_23 = %scan3A_8 to %scan3A_10 step %scan3A_11  : i32 {
      %dma_start3A = arith.constant 0 : i32
      %dma_start3A_24 = tpu.memref_slice %arg7[%scan3A_23, %dma_start3A] : memref<79x128xi32, #tpu.memory_space<vmem>> -> memref<1x128xi32, #tpu.memory_space<vmem>>
      %dma_start3A_25 = tpu.memref_squeeze %dma_start3A_24 : memref<1x128xi32, #tpu.memory_space<vmem>> -> memref<128xi32, #tpu.memory_space<vmem>>
      %dma_start3A_26 = arith.constant 0 : i32
      %dma_start3A_27 = arith.constant 0 : i32
      %dma_start3A_28 = tpu.memref_slice %arg2[%dma_start3A_26, %dma_start3A_27] : memref<10000x128xf32, #tpu.memory_space<hbm>> -> memref<10000x128xf32, #tpu.memory_space<hbm>>
      tpu.enqueue_indirect_dma source(%dma_start3A_28 : memref<10000x128xf32, #tpu.memory_space<hbm>>) target(%arg9 : memref<128x128xf32, #tpu.memory_space<vmem>>) offsets(%dma_start3A_25 : memref<128xi32, #tpu.memory_space<vmem>>) semaphore(%arg11 : memref<!tpu.dma_semaphore, #tpu.memory_space<semaphore_mem>>)
      %dma_wait3A = arith.constant 0 : i32
      %dma_wait3A_29 = tpu.memref_slice %arg7[%scan3A_23, %dma_wait3A] : memref<79x128xi32, #tpu.memory_space<vmem>> -> memref<1x128xi32, #tpu.memory_space<vmem>>
      %dma_wait3A_30 = tpu.memref_squeeze %dma_wait3A_29 : memref<1x128xi32, #tpu.memory_space<vmem>> -> memref<128xi32, #tpu.memory_space<vmem>>
      %dma_wait3A_31 = arith.constant 0 : i32
      %dma_wait3A_32 = arith.constant 0 : i32
      %dma_wait3A_33 = tpu.memref_slice %arg2[%dma_wait3A_31, %dma_wait3A_32] : memref<10000x128xf32, #tpu.memory_space<hbm>> -> memref<10000x128xf32, #tpu.memory_space<hbm>>
      tpu.wait_indirect_dma semaphore(%arg11 : memref<!tpu.dma_semaphore, #tpu.memory_space<semaphore_mem>>) src(%dma_wait3A_33 : memref<10000x128xf32, #tpu.memory_space<hbm>>) dst(%arg9 : memref<128x128xf32, #tpu.memory_space<vmem>>)
      "tpu.region"() ({
        %run_scoped3A = tpu.sem_alloc : memref<!tpu.dma_semaphore, #tpu.memory_space<semaphore_mem>>
        %dma_start3A_34 = arith.constant 0 : i32
        %dma_start3A_35 = tpu.memref_slice %arg8[%scan3A_23, %dma_start3A_34] : memref<79x128xi32, #tpu.memory_space<vmem>> -> memref<1x128xi32, #tpu.memory_space<vmem>>
        %dma_start3A_36 = tpu.memref_squeeze %dma_start3A_35 : memref<1x128xi32, #tpu.memory_space<vmem>> -> memref<128xi32, #tpu.memory_space<vmem>>
        %dma_start3A_37 = arith.constant 0 : i32
        %dma_start3A_38 = arith.constant 0 : i32
        %dma_start3A_39 = tpu.memref_slice %arg10[%dma_start3A_37, %dma_start3A_38] : memref<10112x128xf32, #tpu.memory_space<vmem_shared>> -> memref<10112x128xf32, #tpu.memory_space<vmem_shared>>
        tpu.enqueue_indirect_dma source(%arg9 : memref<128x128xf32, #tpu.memory_space<vmem>>) target(%dma_start3A_39 : memref<10112x128xf32, #tpu.memory_space<vmem_shared>>) offsets(%dma_start3A_36 : memref<128xi32, #tpu.memory_space<vmem>>) semaphore(%run_scoped3A : memref<!tpu.dma_semaphore, #tpu.memory_space<semaphore_mem>>) {add = true}
        %dma_wait3A_40 = arith.constant 0 : i32
        %dma_wait3A_41 = tpu.memref_slice %arg8[%scan3A_23, %dma_wait3A_40] : memref<79x128xi32, #tpu.memory_space<vmem>> -> memref<1x128xi32, #tpu.memory_space<vmem>>
        %dma_wait3A_42 = tpu.memref_squeeze %dma_wait3A_41 : memref<1x128xi32, #tpu.memory_space<vmem>> -> memref<128xi32, #tpu.memory_space<vmem>>
        %dma_wait3A_43 = arith.constant 0 : i32
        %dma_wait3A_44 = arith.constant 0 : i32
        %dma_wait3A_45 = tpu.memref_slice %arg10[%dma_wait3A_43, %dma_wait3A_44] : memref<10112x128xf32, #tpu.memory_space<vmem_shared>> -> memref<10112x128xf32, #tpu.memory_space<vmem_shared>>
        tpu.wait_indirect_dma semaphore(%run_scoped3A : memref<!tpu.dma_semaphore, #tpu.memory_space<semaphore_mem>>) src(%arg9 : memref<128x128xf32, #tpu.memory_space<vmem>>) dst(%dma_wait3A_45 : memref<10112x128xf32, #tpu.memory_space<vmem_shared>>)
        tpu.yield
      }) : () -> ()
    }
    %scan3A_12 = arith.constant 79 : i32
    %barrier3A_13 = arith.constant 0 : index
    tpu.barrier barrier_id(%barrier3A_13)
    %mul3A_14 = arith.constant 624 : i32
    %mul3A_15 = arith.muli %arg1, %mul3A_14 : i32
    %mul3A_16 = arith.constant 624 : i32
    %mul3A_17 = arith.muli %arg1, %mul3A_16 : i32
    "tpu.region"() ({
      %run_scoped3A = tpu.sem_alloc : memref<!tpu.dma_semaphore, #tpu.memory_space<semaphore_mem>>
      %dma_start3A = arith.constant 0 : i32
      %dma_start3A_23 = arith.constant 0 : i32
      %dma_start3A_24 = tpu.memref_slice %arg6[%arg0, %dma_start3A, %dma_start3A_23] : memref<2x10000x128xf32, #tpu.memory_space<hbm>> -> memref<1x10000x128xf32, #tpu.memory_space<hbm>>
      %dma_start3A_25 = tpu.memref_squeeze %dma_start3A_24 : memref<1x10000x128xf32, #tpu.memory_space<hbm>> -> memref<10000x128xf32, #tpu.memory_space<hbm>>
      %dma_start3A_26 = arith.constant 0 : i32
      %dma_start3A_27 = tpu.memref_slice %dma_start3A_25[%mul3A_17, %dma_start3A_26] : memref<10000x128xf32, #tpu.memory_space<hbm>> -> memref<624x128xf32, #tpu.memory_space<hbm>>
      %dma_start3A_28 = arith.constant 0 : i32
      %dma_start3A_29 = tpu.memref_slice %arg10[%mul3A_15, %dma_start3A_28] : memref<10112x128xf32, #tpu.memory_space<vmem_shared>> -> memref<624x128xf32, #tpu.memory_space<vmem_shared>>
      tpu.enqueue_dma source(%dma_start3A_29 : memref<624x128xf32, #tpu.memory_space<vmem_shared>>) target(%dma_start3A_27 : memref<624x128xf32, #tpu.memory_space<hbm>>) target_semaphore(%run_scoped3A : memref<!tpu.dma_semaphore, #tpu.memory_space<semaphore_mem>>)
      %dma_wait3A = arith.constant 0 : i32
      %dma_wait3A_30 = arith.constant 0 : i32
      %dma_wait3A_31 = tpu.memref_slice %arg6[%arg0, %dma_wait3A, %dma_wait3A_30] : memref<2x10000x128xf32, #tpu.memory_space<hbm>> -> memref<1x10000x128xf32, #tpu.memory_space<hbm>>
      %dma_wait3A_32 = tpu.memref_squeeze %dma_wait3A_31 : memref<1x10000x128xf32, #tpu.memory_space<hbm>> -> memref<10000x128xf32, #tpu.memory_space<hbm>>
      %dma_wait3A_33 = arith.constant 0 : i32
      %dma_wait3A_34 = tpu.memref_slice %dma_wait3A_32[%mul3A_17, %dma_wait3A_33] : memref<10000x128xf32, #tpu.memory_space<hbm>> -> memref<624x128xf32, #tpu.memory_space<hbm>>
      %dma_wait3A_35 = arith.constant 0 : i32
      %dma_wait3A_36 = tpu.memref_slice %arg10[%mul3A_15, %dma_wait3A_35] : memref<10112x128xf32, #tpu.memory_space<vmem_shared>> -> memref<624x128xf32, #tpu.memory_space<vmem_shared>>
      tpu.wait_dma2 semaphore(%run_scoped3A : memref<!tpu.dma_semaphore, #tpu.memory_space<semaphore_mem>>) src(%dma_wait3A_36 : memref<624x128xf32, #tpu.memory_space<vmem_shared>>) dst(%dma_wait3A_34 : memref<624x128xf32, #tpu.memory_space<hbm>>)
      tpu.yield
    }) : () -> ()
    %eq3A_18 = arith.constant 15 : i32
    %eq3A_19 = arith.cmpi eq, %arg1, %eq3A_18 : i32
    %convert_element_type3A_20 = arith.extui %eq3A_19 : i1 to i32
    %cond3A_21 = arith.constant 0 : i32
    %cond3A_22 = arith.cmpi ne, %convert_element_type3A_20, %cond3A_21 : i32
    scf.if %cond3A_22 {
      "tpu.region"() ({
        %run_scoped3A = tpu.sem_alloc : memref<!tpu.dma_semaphore, #tpu.memory_space<semaphore_mem>>
        %dma_start3A = arith.constant 0 : i32
        %dma_start3A_23 = arith.constant 0 : i32
        %dma_start3A_24 = tpu.memref_slice %arg6[%arg0, %dma_start3A, %dma_start3A_23] : memref<2x10000x128xf32, #tpu.memory_space<hbm>> -> memref<1x10000x128xf32, #tpu.memory_space<hbm>>
        %dma_start3A_25 = tpu.memref_squeeze %dma_start3A_24 : memref<1x10000x128xf32, #tpu.memory_space<hbm>> -> memref<10000x128xf32, #tpu.memory_space<hbm>>
        %dma_start3A_26 = arith.constant 9984 : i32
        %dma_start3A_27 = arith.constant 0 : i32
        %dma_start3A_28 = tpu.memref_slice %dma_start3A_25[%dma_start3A_26, %dma_start3A_27] : memref<10000x128xf32, #tpu.memory_space<hbm>> -> memref<16x128xf32, #tpu.memory_space<hbm>>
        %dma_start3A_29 = arith.constant 9984 : i32
        %dma_start3A_30 = arith.constant 0 : i32
        %dma_start3A_31 = tpu.memref_slice %arg10[%dma_start3A_29, %dma_start3A_30] : memref<10112x128xf32, #tpu.memory_space<vmem_shared>> -> memref<16x128xf32, #tpu.memory_space<vmem_shared>>
        tpu.enqueue_dma source(%dma_start3A_31 : memref<16x128xf32, #tpu.memory_space<vmem_shared>>) target(%dma_start3A_28 : memref<16x128xf32, #tpu.memory_space<hbm>>) target_semaphore(%run_scoped3A : memref<!tpu.dma_semaphore, #tpu.memory_space<semaphore_mem>>)
        %dma_wait3A = arith.constant 0 : i32
        %dma_wait3A_32 = arith.constant 0 : i32
        %dma_wait3A_33 = tpu.memref_slice %arg6[%arg0, %dma_wait3A, %dma_wait3A_32] : memref<2x10000x128xf32, #tpu.memory_space<hbm>> -> memref<1x10000x128xf32, #tpu.memory_space<hbm>>
        %dma_wait3A_34 = tpu.memref_squeeze %dma_wait3A_33 : memref<1x10000x128xf32, #tpu.memory_space<hbm>> -> memref<10000x128xf32, #tpu.memory_space<hbm>>
        %dma_wait3A_35 = arith.constant 9984 : i32
        %dma_wait3A_36 = arith.constant 0 : i32
        %dma_wait3A_37 = tpu.memref_slice %dma_wait3A_34[%dma_wait3A_35, %dma_wait3A_36] : memref<10000x128xf32, #tpu.memory_space<hbm>> -> memref<16x128xf32, #tpu.memory_space<hbm>>
        %dma_wait3A_38 = arith.constant 9984 : i32
        %dma_wait3A_39 = arith.constant 0 : i32
        %dma_wait3A_40 = tpu.memref_slice %arg10[%dma_wait3A_38, %dma_wait3A_39] : memref<10112x128xf32, #tpu.memory_space<vmem_shared>> -> memref<16x128xf32, #tpu.memory_space<vmem_shared>>
        tpu.wait_dma2 semaphore(%run_scoped3A : memref<!tpu.dma_semaphore, #tpu.memory_space<semaphore_mem>>) src(%dma_wait3A_40 : memref<16x128xf32, #tpu.memory_space<vmem_shared>>) dst(%dma_wait3A_37 : memref<16x128xf32, #tpu.memory_space<hbm>>)
        tpu.yield
      }) : () -> ()
    } else {
    }
    return
  }
}

module attributes {stable_mosaic.version = 14 : i64} {
  func.func @_tc_pre_body(%arg0: memref<10000x128xf32, #tpu.memory_space<vmem>>, %arg1: memref<128x128xf32, #tpu.memory_space<vmem>>, %arg2: memref<1x128xf32, #tpu.memory_space<vmem>>, %arg3: memref<1x128xf32, #tpu.memory_space<vmem>>, %arg4: memref<1x128xf32, #tpu.memory_space<vmem>>, %arg5: memref<10000x1xf32, #tpu.memory_space<vmem>>, %arg6: memref<128x128xf32, #tpu.memory_space<vmem>>, %arg7: memref<10000x128xf32, #tpu.memory_space<vmem>>, %arg8: memref<10000x128xf32, #tpu.memory_space<vmem>>) attributes {dimension_semantics = [], scalar_prefetch = 0 : i64, scratch_operands = 0 : i64, tpu.core_type = #tpu.core_type<tc>} {
    %get3A = arith.constant 0 : index
    %get3A_0 = arith.constant 0 : index
    %get3A_1 = vector.load %arg0[%get3A, %get3A_0] : memref<10000x128xf32, #tpu.memory_space<vmem>>, vector<10000x128xf32>
    %get3A_2 = arith.constant 0 : index
    %get3A_3 = arith.constant 0 : index
    %get3A_4 = vector.load %arg1[%get3A_2, %get3A_3] : memref<128x128xf32, #tpu.memory_space<vmem>>, vector<128x128xf32>
    %dot_general3A = arith.constant dense<0.000000e+00> : vector<10000x128xf32>
    %dot_general3A_5 = tpu.matmul %get3A_1, %get3A_4, %dot_general3A {dimension_numbers = #tpu.dot_dimension_numbers<[1], [0], [0], [1], [0, 0, 1, 1], [], []>, transpose_lhs_hint = false} : vector<10000x128xf32>, vector<128x128xf32>, vector<10000x128xf32> -> vector<10000x128xf32>
    %get3A_6 = arith.constant 0 : index
    %get3A_7 = arith.constant 0 : index
    %get3A_8 = vector.load %arg2[%get3A_6, %get3A_7] : memref<1x128xf32, #tpu.memory_space<vmem>>, vector<1x128xf32>
    %add3A = vector.broadcast %get3A_8 : vector<1x128xf32> to vector<10000x128xf32>
    %add3A_9 = arith.addf %dot_general3A_5, %add3A : vector<10000x128xf32>
    %get3A_10 = arith.constant 0 : index
    %get3A_11 = arith.constant 0 : index
    %get3A_12 = vector.load %arg3[%get3A_10, %get3A_11] : memref<1x128xf32, #tpu.memory_space<vmem>>, vector<1x128xf32>
    %get3A_13 = arith.constant 0 : index
    %get3A_14 = arith.constant 0 : index
    %get3A_15 = vector.load %arg4[%get3A_13, %get3A_14] : memref<1x128xf32, #tpu.memory_space<vmem>>, vector<1x128xf32>
    %reduce_sum3A = arith.constant dense<0.000000e+00> : vector<128xf32>
    %reduce_sum3A_16 = vector.multi_reduction <add>, %add3A_9, %reduce_sum3A [0] : vector<10000x128xf32> to vector<128xf32>
    %broadcast_in_dim3A = vector.shape_cast %reduce_sum3A_16 : vector<128xf32> to vector<1x128xf32>
    %div3A = arith.constant 1.000000e+04 : f32
    %div3A_17 = vector.broadcast %div3A : f32 to vector<1x128xf32>
    %div3A_18 = arith.divf %broadcast_in_dim3A, %div3A_17 : vector<1x128xf32>
    %sub3A = vector.broadcast %div3A_18 : vector<1x128xf32> to vector<10000x128xf32>
    %sub3A_19 = arith.subf %add3A_9, %sub3A : vector<10000x128xf32>
    %mul3A = arith.mulf %sub3A_19, %sub3A_19 : vector<10000x128xf32>
    %reduce_sum3A_20 = arith.constant dense<0.000000e+00> : vector<128xf32>
    %reduce_sum3A_21 = vector.multi_reduction <add>, %mul3A, %reduce_sum3A_20 [0] : vector<10000x128xf32> to vector<128xf32>
    %broadcast_in_dim3A_22 = vector.shape_cast %reduce_sum3A_21 : vector<128xf32> to vector<1x128xf32>
    %div3A_23 = arith.constant 1.000000e+04 : f32
    %div3A_24 = vector.broadcast %div3A_23 : f32 to vector<1x128xf32>
    %div3A_25 = arith.divf %broadcast_in_dim3A_22, %div3A_24 : vector<1x128xf32>
    %add3A_26 = arith.constant 9.99999974E-6 : f32
    %add3A_27 = vector.broadcast %add3A_26 : f32 to vector<1x128xf32>
    %add3A_28 = arith.addf %div3A_25, %add3A_27 : vector<1x128xf32>
    %rsqrt3A = math.rsqrt %add3A_28 : vector<1x128xf32>
    %mul3A_29 = vector.broadcast %rsqrt3A : vector<1x128xf32> to vector<10000x128xf32>
    %mul3A_30 = arith.mulf %sub3A_19, %mul3A_29 : vector<10000x128xf32>
    %mul3A_31 = vector.broadcast %get3A_12 : vector<1x128xf32> to vector<10000x128xf32>
    %mul3A_32 = arith.mulf %mul3A_30, %mul3A_31 : vector<10000x128xf32>
    %add3A_33 = vector.broadcast %get3A_15 : vector<1x128xf32> to vector<10000x128xf32>
    %add3A_34 = arith.addf %mul3A_32, %add3A_33 : vector<10000x128xf32>
    %max3A = arith.constant 0.000000e+00 : f32
    %max3A_35 = vector.broadcast %max3A : f32 to vector<10000x128xf32>
    %max3A_36 = arith.maximumf %add3A_34, %max3A_35 : vector<10000x128xf32>
    %swap3A = arith.constant 0 : index
    %swap3A_37 = arith.constant 0 : index
    %swap3A_38 = vector.load %arg7[%swap3A, %swap3A_37] : memref<10000x128xf32, #tpu.memory_space<vmem>>, vector<10000x128xf32>
    tpu.vector_store %arg7[%swap3A, %swap3A_37], %max3A_36 {strides = array<i32>} : memref<10000x128xf32, #tpu.memory_space<vmem>>, vector<10000x128xf32>,
    %get3A_39 = arith.constant 0 : index
    %get3A_40 = arith.constant 0 : index
    %get3A_41 = vector.load %arg5[%get3A_39, %get3A_40] : memref<10000x1xf32, #tpu.memory_space<vmem>>, vector<10000x1xf32>
    %get3A_42 = arith.constant 0 : index
    %get3A_43 = arith.constant 0 : index
    %get3A_44 = vector.load %arg6[%get3A_42, %get3A_43] : memref<128x128xf32, #tpu.memory_space<vmem>>, vector<128x128xf32>
    %dot_general3A_45 = arith.constant dense<0.000000e+00> : vector<10000x128xf32>
    %dot_general3A_46 = tpu.matmul %max3A_36, %get3A_44, %dot_general3A_45 {dimension_numbers = #tpu.dot_dimension_numbers<[1], [0], [0], [1], [0, 0, 1, 1], [], []>, transpose_lhs_hint = false} : vector<10000x128xf32>, vector<128x128xf32>, vector<10000x128xf32> -> vector<10000x128xf32>
    %mul3A_47 = vector.broadcast %get3A_41 : vector<10000x1xf32> to vector<10000x128xf32>
    %mul3A_48 = arith.mulf %mul3A_47, %dot_general3A_46 : vector<10000x128xf32>
    %swap3A_49 = arith.constant 0 : index
    %swap3A_50 = arith.constant 0 : index
    %swap3A_51 = vector.load %arg8[%swap3A_49, %swap3A_50] : memref<10000x128xf32, #tpu.memory_space<vmem>>, vector<10000x128xf32>
    tpu.vector_store %arg8[%swap3A_49, %swap3A_50], %mul3A_48 {strides = array<i32>} : memref<10000x128xf32, #tpu.memory_space<vmem>>, vector<10000x128xf32>,
    return
  }
}

module attributes {stable_mosaic.version = 14 : i64} {
  func.func @_tc_mid_body(%arg0: memref<2x10000x128xf32, #tpu.memory_space<vmem>>, %arg1: memref<10000x1xf32, #tpu.memory_space<vmem>>, %arg2: memref<1x128xf32, #tpu.memory_space<vmem>>, %arg3: memref<1x128xf32, #tpu.memory_space<vmem>>, %arg4: memref<1x128xf32, #tpu.memory_space<vmem>>, %arg5: memref<10000x128xf32, #tpu.memory_space<vmem>>, %arg6: memref<128x128xf32, #tpu.memory_space<vmem>>, %arg7: memref<10000x128xf32, #tpu.memory_space<vmem>>, %arg8: memref<10000x128xf32, #tpu.memory_space<vmem>>) attributes {dimension_semantics = [], scalar_prefetch = 0 : i64, scratch_operands = 0 : i64, tpu.core_type = #tpu.core_type<tc>} {
    %get3A = arith.constant 0 : index
    %get3A_0 = arith.constant 0 : index
    %get3A_1 = vector.load %arg1[%get3A, %get3A_0] : memref<10000x1xf32, #tpu.memory_space<vmem>>, vector<10000x1xf32>
    %get3A_2 = arith.constant 0 : index
    %get3A_3 = arith.constant 0 : index
    %get3A_4 = arith.constant 0 : index
    %get3A_5 = vector.load %arg0[%get3A_2, %get3A_3, %get3A_4] : memref<2x10000x128xf32, #tpu.memory_space<vmem>>, vector<1x10000x128xf32>
    %get3A_6 = vector.shape_cast %get3A_5 : vector<1x10000x128xf32> to vector<10000x128xf32>
    %get3A_7 = arith.constant 1 : index
    %get3A_8 = arith.constant 0 : index
    %get3A_9 = arith.constant 0 : index
    %get3A_10 = vector.load %arg0[%get3A_7, %get3A_8, %get3A_9] : memref<2x10000x128xf32, #tpu.memory_space<vmem>>, vector<1x10000x128xf32>
    %get3A_11 = vector.shape_cast %get3A_10 : vector<1x10000x128xf32> to vector<10000x128xf32>
    %add3A = arith.addf %get3A_6, %get3A_11 : vector<10000x128xf32>
    %mul3A = vector.broadcast %get3A_1 : vector<10000x1xf32> to vector<10000x128xf32>
    %mul3A_12 = arith.mulf %mul3A, %add3A : vector<10000x128xf32>
    %get3A_13 = arith.constant 0 : index
    %get3A_14 = arith.constant 0 : index
    %get3A_15 = vector.load %arg2[%get3A_13, %get3A_14] : memref<1x128xf32, #tpu.memory_space<vmem>>, vector<1x128xf32>
    %add3A_16 = vector.broadcast %get3A_15 : vector<1x128xf32> to vector<10000x128xf32>
    %add3A_17 = arith.addf %mul3A_12, %add3A_16 : vector<10000x128xf32>
    %get3A_18 = arith.constant 0 : index
    %get3A_19 = arith.constant 0 : index
    %get3A_20 = vector.load %arg3[%get3A_18, %get3A_19] : memref<1x128xf32, #tpu.memory_space<vmem>>, vector<1x128xf32>
    %get3A_21 = arith.constant 0 : index
    %get3A_22 = arith.constant 0 : index
    %get3A_23 = vector.load %arg4[%get3A_21, %get3A_22] : memref<1x128xf32, #tpu.memory_space<vmem>>, vector<1x128xf32>
    %reduce_sum3A = arith.constant dense<0.000000e+00> : vector<128xf32>
    %reduce_sum3A_24 = vector.multi_reduction <add>, %add3A_17, %reduce_sum3A [0] : vector<10000x128xf32> to vector<128xf32>
    %broadcast_in_dim3A = vector.shape_cast %reduce_sum3A_24 : vector<128xf32> to vector<1x128xf32>
    %div3A = arith.constant 1.000000e+04 : f32
    %div3A_25 = vector.broadcast %div3A : f32 to vector<1x128xf32>
    %div3A_26 = arith.divf %broadcast_in_dim3A, %div3A_25 : vector<1x128xf32>
    %sub3A = vector.broadcast %div3A_26 : vector<1x128xf32> to vector<10000x128xf32>
    %sub3A_27 = arith.subf %add3A_17, %sub3A : vector<10000x128xf32>
    %mul3A_28 = arith.mulf %sub3A_27, %sub3A_27 : vector<10000x128xf32>
    %reduce_sum3A_29 = arith.constant dense<0.000000e+00> : vector<128xf32>
    %reduce_sum3A_30 = vector.multi_reduction <add>, %mul3A_28, %reduce_sum3A_29 [0] : vector<10000x128xf32> to vector<128xf32>
    %broadcast_in_dim3A_31 = vector.shape_cast %reduce_sum3A_30 : vector<128xf32> to vector<1x128xf32>
    %div3A_32 = arith.constant 1.000000e+04 : f32
    %div3A_33 = vector.broadcast %div3A_32 : f32 to vector<1x128xf32>
    %div3A_34 = arith.divf %broadcast_in_dim3A_31, %div3A_33 : vector<1x128xf32>
    %add3A_35 = arith.constant 9.99999974E-6 : f32
    %add3A_36 = vector.broadcast %add3A_35 : f32 to vector<1x128xf32>
    %add3A_37 = arith.addf %div3A_34, %add3A_36 : vector<1x128xf32>
    %rsqrt3A = math.rsqrt %add3A_37 : vector<1x128xf32>
    %mul3A_38 = vector.broadcast %rsqrt3A : vector<1x128xf32> to vector<10000x128xf32>
    %mul3A_39 = arith.mulf %sub3A_27, %mul3A_38 : vector<10000x128xf32>
    %mul3A_40 = vector.broadcast %get3A_20 : vector<1x128xf32> to vector<10000x128xf32>
    %mul3A_41 = arith.mulf %mul3A_39, %mul3A_40 : vector<10000x128xf32>
    %add3A_42 = vector.broadcast %get3A_23 : vector<1x128xf32> to vector<10000x128xf32>
    %add3A_43 = arith.addf %mul3A_41, %add3A_42 : vector<10000x128xf32>
    %max3A = arith.constant 0.000000e+00 : f32
    %max3A_44 = vector.broadcast %max3A : f32 to vector<10000x128xf32>
    %max3A_45 = arith.maximumf %add3A_43, %max3A_44 : vector<10000x128xf32>
    %get3A_46 = arith.constant 0 : index
    %get3A_47 = arith.constant 0 : index
    %get3A_48 = vector.load %arg5[%get3A_46, %get3A_47] : memref<10000x128xf32, #tpu.memory_space<vmem>>, vector<10000x128xf32>
    %add3A_49 = arith.addf %max3A_45, %get3A_48 : vector<10000x128xf32>
    %swap3A = arith.constant 0 : index
    %swap3A_50 = arith.constant 0 : index
    %swap3A_51 = vector.load %arg7[%swap3A, %swap3A_50] : memref<10000x128xf32, #tpu.memory_space<vmem>>, vector<10000x128xf32>
    tpu.vector_store %arg7[%swap3A, %swap3A_50], %add3A_49 {strides = array<i32>} : memref<10000x128xf32, #tpu.memory_space<vmem>>, vector<10000x128xf32>,
    %get3A_52 = arith.constant 0 : index
    %get3A_53 = arith.constant 0 : index
    %get3A_54 = vector.load %arg1[%get3A_52, %get3A_53] : memref<10000x1xf32, #tpu.memory_space<vmem>>, vector<10000x1xf32>
    %get3A_55 = arith.constant 0 : index
    %get3A_56 = arith.constant 0 : index
    %get3A_57 = vector.load %arg6[%get3A_55, %get3A_56] : memref<128x128xf32, #tpu.memory_space<vmem>>, vector<128x128xf32>
    %dot_general3A = arith.constant dense<0.000000e+00> : vector<10000x128xf32>
    %dot_general3A_58 = tpu.matmul %add3A_49, %get3A_57, %dot_general3A {dimension_numbers = #tpu.dot_dimension_numbers<[1], [0], [0], [1], [0, 0, 1, 1], [], []>, transpose_lhs_hint = false} : vector<10000x128xf32>, vector<128x128xf32>, vector<10000x128xf32> -> vector<10000x128xf32>
    %mul3A_59 = vector.broadcast %get3A_54 : vector<10000x1xf32> to vector<10000x128xf32>
    %mul3A_60 = arith.mulf %mul3A_59, %dot_general3A_58 : vector<10000x128xf32>
    %swap3A_61 = arith.constant 0 : index
    %swap3A_62 = arith.constant 0 : index
    %swap3A_63 = vector.load %arg8[%swap3A_61, %swap3A_62] : memref<10000x128xf32, #tpu.memory_space<vmem>>, vector<10000x128xf32>
    tpu.vector_store %arg8[%swap3A_61, %swap3A_62], %mul3A_60 {strides = array<i32>} : memref<10000x128xf32, #tpu.memory_space<vmem>>, vector<10000x128xf32>,
    return
  }
}

module attributes {stable_mosaic.version = 14 : i64} {
  func.func @_tc_post_body(%arg0: memref<2x10000x128xf32, #tpu.memory_space<vmem>>, %arg1: memref<10000x1xf32, #tpu.memory_space<vmem>>, %arg2: memref<1x128xf32, #tpu.memory_space<vmem>>, %arg3: memref<1x128xf32, #tpu.memory_space<vmem>>, %arg4: memref<1x128xf32, #tpu.memory_space<vmem>>, %arg5: memref<10000x128xf32, #tpu.memory_space<vmem>>, %arg6: memref<128x2xf32, #tpu.memory_space<vmem>>, %arg7: memref<1x2xf32, #tpu.memory_space<vmem>>, %arg8: memref<10000x2xf32, #tpu.memory_space<vmem>>) attributes {dimension_semantics = [], scalar_prefetch = 0 : i64, scratch_operands = 0 : i64, tpu.core_type = #tpu.core_type<tc>} {
    %get3A = arith.constant 0 : index
    %get3A_0 = arith.constant 0 : index
    %get3A_1 = vector.load %arg1[%get3A, %get3A_0] : memref<10000x1xf32, #tpu.memory_space<vmem>>, vector<10000x1xf32>
    %get3A_2 = arith.constant 0 : index
    %get3A_3 = arith.constant 0 : index
    %get3A_4 = arith.constant 0 : index
    %get3A_5 = vector.load %arg0[%get3A_2, %get3A_3, %get3A_4] : memref<2x10000x128xf32, #tpu.memory_space<vmem>>, vector<1x10000x128xf32>
    %get3A_6 = vector.shape_cast %get3A_5 : vector<1x10000x128xf32> to vector<10000x128xf32>
    %get3A_7 = arith.constant 1 : index
    %get3A_8 = arith.constant 0 : index
    %get3A_9 = arith.constant 0 : index
    %get3A_10 = vector.load %arg0[%get3A_7, %get3A_8, %get3A_9] : memref<2x10000x128xf32, #tpu.memory_space<vmem>>, vector<1x10000x128xf32>
    %get3A_11 = vector.shape_cast %get3A_10 : vector<1x10000x128xf32> to vector<10000x128xf32>
    %add3A = arith.addf %get3A_6, %get3A_11 : vector<10000x128xf32>
    %mul3A = vector.broadcast %get3A_1 : vector<10000x1xf32> to vector<10000x128xf32>
    %mul3A_12 = arith.mulf %mul3A, %add3A : vector<10000x128xf32>
    %get3A_13 = arith.constant 0 : index
    %get3A_14 = arith.constant 0 : index
    %get3A_15 = vector.load %arg2[%get3A_13, %get3A_14] : memref<1x128xf32, #tpu.memory_space<vmem>>, vector<1x128xf32>
    %add3A_16 = vector.broadcast %get3A_15 : vector<1x128xf32> to vector<10000x128xf32>
    %add3A_17 = arith.addf %mul3A_12, %add3A_16 : vector<10000x128xf32>
    %get3A_18 = arith.constant 0 : index
    %get3A_19 = arith.constant 0 : index
    %get3A_20 = vector.load %arg3[%get3A_18, %get3A_19] : memref<1x128xf32, #tpu.memory_space<vmem>>, vector<1x128xf32>
    %get3A_21 = arith.constant 0 : index
    %get3A_22 = arith.constant 0 : index
    %get3A_23 = vector.load %arg4[%get3A_21, %get3A_22] : memref<1x128xf32, #tpu.memory_space<vmem>>, vector<1x128xf32>
    %reduce_sum3A = arith.constant dense<0.000000e+00> : vector<128xf32>
    %reduce_sum3A_24 = vector.multi_reduction <add>, %add3A_17, %reduce_sum3A [0] : vector<10000x128xf32> to vector<128xf32>
    %broadcast_in_dim3A = vector.shape_cast %reduce_sum3A_24 : vector<128xf32> to vector<1x128xf32>
    %div3A = arith.constant 1.000000e+04 : f32
    %div3A_25 = vector.broadcast %div3A : f32 to vector<1x128xf32>
    %div3A_26 = arith.divf %broadcast_in_dim3A, %div3A_25 : vector<1x128xf32>
    %sub3A = vector.broadcast %div3A_26 : vector<1x128xf32> to vector<10000x128xf32>
    %sub3A_27 = arith.subf %add3A_17, %sub3A : vector<10000x128xf32>
    %mul3A_28 = arith.mulf %sub3A_27, %sub3A_27 : vector<10000x128xf32>
    %reduce_sum3A_29 = arith.constant dense<0.000000e+00> : vector<128xf32>
    %reduce_sum3A_30 = vector.multi_reduction <add>, %mul3A_28, %reduce_sum3A_29 [0] : vector<10000x128xf32> to vector<128xf32>
    %broadcast_in_dim3A_31 = vector.shape_cast %reduce_sum3A_30 : vector<128xf32> to vector<1x128xf32>
    %div3A_32 = arith.constant 1.000000e+04 : f32
    %div3A_33 = vector.broadcast %div3A_32 : f32 to vector<1x128xf32>
    %div3A_34 = arith.divf %broadcast_in_dim3A_31, %div3A_33 : vector<1x128xf32>
    %add3A_35 = arith.constant 9.99999974E-6 : f32
    %add3A_36 = vector.broadcast %add3A_35 : f32 to vector<1x128xf32>
    %add3A_37 = arith.addf %div3A_34, %add3A_36 : vector<1x128xf32>
    %rsqrt3A = math.rsqrt %add3A_37 : vector<1x128xf32>
    %mul3A_38 = vector.broadcast %rsqrt3A : vector<1x128xf32> to vector<10000x128xf32>
    %mul3A_39 = arith.mulf %sub3A_27, %mul3A_38 : vector<10000x128xf32>
    %mul3A_40 = vector.broadcast %get3A_20 : vector<1x128xf32> to vector<10000x128xf32>
    %mul3A_41 = arith.mulf %mul3A_39, %mul3A_40 : vector<10000x128xf32>
    %add3A_42 = vector.broadcast %get3A_23 : vector<1x128xf32> to vector<10000x128xf32>
    %add3A_43 = arith.addf %mul3A_41, %add3A_42 : vector<10000x128xf32>
    %max3A = arith.constant 0.000000e+00 : f32
    %max3A_44 = vector.broadcast %max3A : f32 to vector<10000x128xf32>
    %max3A_45 = arith.maximumf %add3A_43, %max3A_44 : vector<10000x128xf32>
    %get3A_46 = arith.constant 0 : index
    %get3A_47 = arith.constant 0 : index
    %get3A_48 = vector.load %arg5[%get3A_46, %get3A_47] : memref<10000x128xf32, #tpu.memory_space<vmem>>, vector<10000x128xf32>
    %add3A_49 = arith.addf %max3A_45, %get3A_48 : vector<10000x128xf32>
    %get3A_50 = arith.constant 0 : index
    %get3A_51 = arith.constant 0 : index
    %get3A_52 = vector.load %arg6[%get3A_50, %get3A_51] : memref<128x2xf32, #tpu.memory_space<vmem>>, vector<128x2xf32>
    %dot_general3A = arith.constant dense<0.000000e+00> : vector<10000x2xf32>
    %dot_general3A_53 = tpu.matmul %add3A_49, %get3A_52, %dot_general3A {dimension_numbers = #tpu.dot_dimension_numbers<[1], [0], [0], [1], [0, 0, 1, 1], [], []>, transpose_lhs_hint = false} : vector<10000x128xf32>, vector<128x2xf32>, vector<10000x2xf32> -> vector<10000x2xf32>
    %get3A_54 = arith.constant 0 : index
    %get3A_55 = arith.constant 0 : index
    %get3A_56 = vector.load %arg7[%get3A_54, %get3A_55] : memref<1x2xf32, #tpu.memory_space<vmem>>, vector<1x2xf32>
    %add3A_57 = vector.broadcast %get3A_56 : vector<1x2xf32> to vector<10000x2xf32>
    %add3A_58 = arith.addf %dot_general3A_53, %add3A_57 : vector<10000x2xf32>
    %jit3A = arith.constant -1.000000e+01 : f32
    %jit3A_59 = arith.constant 1.000000e+01 : f32
    %max3A_60 = vector.broadcast %jit3A : f32 to vector<10000x2xf32>
    %max3A_61 = arith.maximumf %max3A_60, %add3A_58 : vector<10000x2xf32>
    %min3A = vector.broadcast %jit3A_59 : f32 to vector<10000x2xf32>
    %min3A_62 = arith.minimumf %min3A, %max3A_61 : vector<10000x2xf32>
    %iota3A = tpu.iota {dimensions = array<i32: 1>} : vector<10000x2xi32>
    %eq3A = arith.constant 1 : i32
    %eq3A_63 = vector.broadcast %eq3A : i32 to vector<10000x2xi32>
    %eq3A_64 = arith.cmpi eq, %iota3A, %eq3A_63 : vector<10000x2xi32>
    %select_n3A = arith.select %eq3A_64, %min3A_62, %add3A_58 : vector<10000x2xi1>, vector<10000x2xf32>
    %swap3A = arith.constant 0 : index
    %swap3A_65 = arith.constant 0 : index
    %swap3A_66 = vector.load %arg8[%swap3A, %swap3A_65] : memref<10000x2xf32, #tpu.memory_space<vmem>>, vector<10000x2xf32>
    tpu.vector_store %arg8[%swap3A, %swap3A_65], %select_n3A {strides = array<i32>} : memref<10000x2xf32, #tpu.memory_space<vmem>>, vector<10000x2xf32>,
    return
  }
}

</mosaic_0001>

<sc_bundles>
// kernel: kernel.12.cloned.1.call-start
scs
__scs_entry_jumppad:
0x0: {  	(pc) =	sbr.rel $0x88, $3  }
0x1: {  	(tag) =	ssettag $0x0;
	lr =	simm.s32 $0x1  }
0x2: {  	[smem:$0x3F93] =	sst lr;
	_ =	strace $0xD0000000  }
0x3: {  	_ = 	snop  }
0x4: {  	_ = 	snop  }
0x5: {  	_ = 	snop  }
0x6: {  	_ = 	snop  }
0x7: {  	_ = 	snop  }
__scs_overlays_trampoline_lowered:
0x8: {  	[smem:$0x3FA2] =	sst s0  }
0x9: {  	[smem:$0x3FA3] =	sst s1  }
0xa: {  	[smem:$0x3FA4] =	sst s2  }
0xb: {  	[smem:$0x3FA5] =	sst s3  }
0xc: {  	[smem:$0x3FA6] =	sst s4  }
0xd: {  	[smem:$0x3FA7] =	sst s5  }
0xe: {  	[smem:$0x3FA8] =	sst s6  }
0xf: {  	[smem:$0x3FA9] =	sst s7  }
0x10: {  	[smem:$0x3FAA] =	sst s8  }
0x11: {  	[smem:$0x3FAB] =	sst s9;
	s0 =	simm.s32 @!p0 $0x0  }
0x12: {  	s1 =	sld [smem:$0x3F91];
	s0 =	simm.s32 @p0 $0x1  }
0x13: {  	[smem:$0x3FAC] =	sst s0;
	s0 =	simm.s32 @!p1 $0x0  }
0x14: {  	s2 =	sld [smem:$0x3F90];
	s0 =	simm.s32 @p1 $0x1  }
0x15: {  	[smem:$0x3FAD] =	sst s0;
	s0 =	simm.s32 @!p2 $0x0  }
0x16: {  	s3 =	sld [smem:$0x3FDB];
	s0 =	simm.s32 @p2 $0x1  }
0x17: {  	s4 =	simm.s32 $0x1BF5;
	[smem:$0x3FAF] =	sst s0  }
0x18: {  	s0 =	sld [smem:$0x3F92];
	_ =	swait.ge [sflag:s4], $0x0  }
0x19: {  	s7 =	sld [smem:$0x3F93]  }
0x1a: {  	s8 =	sadd.s32 $0xFFFFE003, lr  }
0x1b: {  	s9 =	sadd.s32 $0xFFFFFEF7, lr;
	s5 =	simm.s32 $0xFFFFFFFF;
	p2 =	slt.u32 s8, $0xFFFFF086  }
0x1c: {  	p1 =	slt.u32 s9, $0xF7A;
	s5 =	simm.s32 @!p2 $0x0  }
0x1d: {  	s5 =	simm.s32 @p1 $0x1;
	p0 =	seq.s32 s7, s2  }
0x1e: {  	s7 =	smul.u32 @!p0 $0xF7A, s2;
	p2 =	seq.s32 @!p0 s5, $0x0  }
0x1f: {  	s9 =	smul.u32 $0xF7A, s1;
	s8 =	simm.s32 @!p0 $0x1BF5;
	p2 =	por !p2, p0  }
0x20: {  	[sflag:s8] =	ssyncset.s32 @!p0 $0xFFFFF086;
	s6 =	sadd.s32 @!p0 s3, s7;
	s7 =	simm.s32 @!p0 $0x108  }
0x21: {  	s3 =	sadd.s32 s3, s9;
	s6 =	sadd.s32 @!p0 $0x88, s6;
	s7 =	simm.s32 @p2 $0x1082  }
0x22: {  	[simem:s7], [sflag:s8] =	dma.local @!p0 [hbm:s6], $0xF7A  }
0x23: {  	s9 =	sor.u32 $0xD0000000, s2;
	s6 =	simm.s32 $0x108;
	_ =	swait.ge @!p0 [sflag:s8], $0x0  }
0x24: {  	s3 =	sadd.s32 $0x88, s3;
	s6 =	simm.s32 @!p1 $0x1082;
	[sflag:s4] =	ssyncset.s32 $0xFFFFF086  }
0x25: {  	[simem:s6], [sflag:s4] =	dma.local [hbm:s3], $0xF7A  }
0x26: {  	[smem:$0x3F93] =	sst s1;
	(tag) =	ssettag s2;
	_ =	strace s9  }
0x27: {  	s1 =	sld [smem:$0x3FA3]  }
0x28: {  	s2 =	sld [smem:$0x3FA4]  }
0x29: {  	s4 =	sld [smem:$0x3FA6]  }
0x2a: {  	p0 =	seq.s32 s5, $0x0;
	s5 =	sld [smem:$0x3FA7]  }
0x2b: {  	s6 =	sld [smem:$0x3FA8]  }
0x2c: {  	s7 =	sld [smem:$0x3FA9]  }
0x2d: {  	s3 =	simm.s32 $0x108;
	s8 =	sld [smem:$0x3FAA]  }
0x2e: {  	s3 =	simm.s32 @!p0 $0x1082;
	s9 =	sld [smem:$0x3FAB]  }
0x2f: {  	lr =	sadd.s32 s0, s3;
	s0 =	sld [smem:$0x3FA2]  }
0x30: {  	s3 =	sld [smem:$0x3FA5]  }
0x31: {  	[smem:$0x3FAE] =	sst s10  }
0x32: {  	s10 =	sld [smem:$0x3FAC];
	_ =	sdelay $0x3  }
0x33: {  	p0 =	seq.s32 s10, $0x1;
	s10 =	sld [smem:$0x3FAE];
	_ =	sdelay $0x3  }
0x34: {  	[smem:$0x3FAE] =	sst s10  }
0x35: {  	s10 =	sld [smem:$0x3FAD];
	_ =	sdelay $0x3  }
0x36: {  	p1 =	seq.s32 s10, $0x1;
	s10 =	sld [smem:$0x3FAE];
	_ =	sdelay $0x3  }
0x37: {  	[smem:$0x3FAE] =	sst s10  }
0x38: {  	s10 =	sld [smem:$0x3FAF]  }
0x39: {  	_ = 	snop;
	(pc) =	sbr.ind lr, $3  }
0x3a: {  	_ = 	snop  }
0x3b: {  	_ = 	snop  }
0x3c: {  	p2 =	seq.s32 s10, $0x1;
	s10 =	sld [smem:$0x3FAE]  }
0x3d: {  	_ =	shalt  }
0x3e: {  	_ =	shalt  }
0x3f: {  	_ =	shalt  }
0x40: {  	_ =	shalt  }
0x41: {  	_ =	shalt  }
0x42: {  	_ =	shalt  }
0x43: {  	_ =	shalt  }
0x44: {  	_ =	shalt  }
0x45: {  	_ =	shalt  }
0x46: {  	_ =	shalt  }
0x47: {  	_ =	shalt  }
0x48: {  	_ =	shalt  }
0x49: {  	_ =	shalt  }
0x4a: {  	_ =	shalt  }
0x4b: {  	_ =	shalt  }
0x4c: {  	_ =	shalt  }
0x4d: {  	_ =	shalt  }
0x4e: {  	_ =	shalt  }
0x4f: {  	_ =	shalt  }
0x50: {  	_ =	shalt  }
0x51: {  	_ =	shalt  }
0x52: {  	_ =	shalt  }
0x53: {  	_ =	shalt  }
0x54: {  	_ =	shalt  }
0x55: {  	_ =	shalt  }
0x56: {  	_ =	shalt  }
0x57: {  	_ =	shalt  }
0x58: {  	_ =	shalt  }
0x59: {  	_ =	shalt  }
0x5a: {  	_ =	shalt  }
0x5b: {  	_ =	shalt  }
0x5c: {  	_ =	shalt  }
0x5d: {  	_ =	shalt  }
0x5e: {  	_ =	shalt  }
0x5f: {  	_ =	shalt  }
0x60: {  	_ =	shalt  }
0x61: {  	_ =	shalt  }
0x62: {  	_ =	shalt  }
0x63: {  	_ =	shalt  }
0x64: {  	_ =	shalt  }
0x65: {  	_ =	shalt  }
0x66: {  	_ =	shalt  }
0x67: {  	_ =	shalt  }
0x68: {  	_ =	shalt  }
0x69: {  	_ =	shalt  }
0x6a: {  	_ =	shalt  }
0x6b: {  	_ =	shalt  }
0x6c: {  	_ =	shalt  }
0x6d: {  	_ =	shalt  }
0x6e: {  	_ =	shalt  }
0x6f: {  	_ =	shalt  }
0x70: {  	_ =	shalt  }
0x71: {  	_ =	shalt  }
0x72: {  	_ =	shalt  }
0x73: {  	_ =	shalt  }
0x74: {  	_ =	shalt  }
0x75: {  	_ =	shalt  }
0x76: {  	_ =	shalt  }
0x77: {  	_ =	shalt  }
0x78: {  	_ =	shalt  }
0x79: {  	_ =	shalt  }
0x7a: {  	_ =	shalt  }
0x7b: {  	_ =	shalt  }
0x7c: {  	_ =	shalt  }
0x7d: {  	_ =	shalt  }
0x7e: {  	_ =	shalt  }
0x7f: {  	_ =	shalt  }
0x80: {  	_ =	shalt  }
0x81: {  	_ =	shalt  }
0x82: {  	_ =	shalt  }
0x83: {  	_ =	shalt  }
0x84: {  	_ =	shalt  }
0x85: {  	_ =	shalt  }
0x86: {  	_ =	shalt  }
0x87: {  	_ =	shalt  }
.Lfunc_end0:
.L_simem_size_0:
called_computation_lowered:
.L_overlay_start_0:
0x88: {  	s2 =	sld [smem:$0x3FD9]  }
0x89: {  	s3 =	sld [smem:$0x3FFE];
	_ =	sdelay $0x1  }
0x8a: {  	s1 =	srdreg.scid  }
0x8b: {  	s0 =	sand.u32 $0x1, s1  }
0x8c: {  	s16 =	sshll.u32 s0, $0xA;
	s2 =	sadd.s32 s3, s2  }
0x8d: {  	s2 =	sadd.s32 s2, s16  }
0x8e: {  	[smem:$0x3FBA] =	sst s2  }
0x8f: {  	_ = 	snop  }
0x90: {  	(tm) =	ssettm $0x1  }
0x91: {  	s17 =	sld [smem:$0x3FFB];
	_ =	sdelay $0x3  }
0x92: {  	_ =	strace s17  }
0x93: {  	s2 =	sld [smem:$0x3FFC];
	_ =	sdelay $0x3  }
0x94: {  	_ =	strace s2  }
0x95: {  	s2 =	sld [smem:$0x3FFD];
	_ =	sdelay $0x3  }
0x96: {  	_ =	strace s2  }
0x97: {  	_ =	strace $0x8FFFFFFF  }
0x98: {  	s18 =	sld [smem:$0x3FDB];
	_ =	sdelay $0x1  }
0x99: {  	s19 =	simm.s32 $_scs_section_size  }
0x9a: {  	s4 =	simm.s32 $_size__tile_overlayer_lowered;
	s5 =	simm.s32 $_tile_overlayer_lowered  }
0x9b: {  	s22 =	simm.s32 $0x1BFF;
	s21 =	sshll.u32 s5, $0x1;
	s2 =	sadd.s32 s19, s18  }
0x9c: {  	s6 =	simm.s32 $0x0;
	s20 =	sshll.u32 s4, $0x1;
	s4 =	sadd.s32 s21, s2  }
0x9d: {  	[timem:s6], [sflag:s22] =	dma.local [hbm:s4], s20  }
0x9e: {  	_ =	swait.ge [sflag:s22], s20  }
0x9f: {  	s3 =	ssub.s32 $0x0, s20;
	[sflag:s22] =	ssyncset.done $0x0  }
0xa0: {  	[sflag:s22] =	ssyncadd.s32 s3;
	_ =	sdelay $0x1  }
0xa1: {  	s23 =	simm.s32 $0x1B8B  }
0xa2: {  	_ =	swait.ge [sflag:s23], $0x1  }
0xa3: {  	[sflag:s23] =	ssyncset.done $0x0  }
0xa4: {  	s25 =	simm.s32 $0x1B8E;
	s24 =	sld [smem:$0x3FFE];
	[sflag:s23] =	ssyncadd.s32 $0xFFFFFFFF  }
0xa5: {  	s26 =	simm.s32 $execute0_lowered;
	[smem:$0x3FD2] =	sst s25  }
0xa6: {  	s4 =	sshll.u32 s26, $0x1;
	_ =	strace $0x80000046;
	[dreg:$0x1] =	wrdreg $0xFFFFFFFF  }
0xa7: {  	s28 =	simm.s32 $_size_execute0_lowered;
	s2 =	sadd.s32 s2, s4;
	[dreg:$0x0] =	wrdreg $0x0  }
0xa8: {  	s4 =	sshll.u32 s28, $0x1;
	[dreg:$0x2] =	wrdreg s2  }
0xa9: {  	[dreg:$0x3] =	wrdreg s4  }
0xaa: {  	[dreg:$0x4] =	wrdreg $0xC0  }
0xab: {  	_ =	task [dreg:s6], $0x5FFFF  }
0xac: {  	[dreg:$0x1] =	wrdreg $0xFFFFFFFF  }
0xad: {  	[dreg:$0x0] =	wrdreg $0x60  }
0xae: {  	[dreg:$0x2] =	wrdreg s24  }
0xaf: {  	[dreg:$0x3] =	wrdreg $0x68000  }
0xb0: {  	[dreg:$0x4] =	wrdreg $0x9  }
0xb1: {  	_ =	task.clear_ibuf [dreg:s6], $0x5FFFF;
	_ =	strace $0x90000046  }
0xb2: {  	s29 =	simm.s32 $0x9;
	_ =	strace $0x80000048  }
0xb3: {  	_ =	swait.ge [sflag:s29], $0x1  }
0xb4: {  	[sflag:s29] =	ssyncadd.s32 $0xFFFFFFFF  }
0xb5: {  	_ =	strace $0x90000048  }
0xb6: {  	_ =	sfence  }
0xb7: {  	s30 =	sld [smem:$0x0];
	_ =	sdelay $0x2  }
0xb8: {  	s31 =	sshll.u32 s1, $0xD;
	s1 =	sshrl.u32 s1, $0x2  }
0xb9: {  	s3 =	sand.u32 $0x4000, s31;
	s1 =	sadd.s32 s1, s30  }
0xba: {  	s0 =	sor.u32 s3, s0;
	s1 =	sshll.u32 s1, $0x11  }
0xbb: {  	s0 =	sor.u32 s1, s0  }
0xbc: {  	s0 =	sadd.s32 $0x8F2B, s0  }
0xbd: {  	[sflag:s0] =	ssyncadd.remote.s32 $0x1  }
0xbe: {  	_ =	sfence.sel $0xFFFF  }
0xbf: {  	[dreg:$0x0] =	wrdreg $0xFFFFFFFF;
	(pc) =	sbr.abs _section_cstart, $3  }
0xc0: {  	[dreg:$0x1] =	wrdreg $0xFFFFFFFF  }
0xc1: {  	_ =	task.clear_ibuf [dreg:s6], $0x2FFFF;
	_ =	strace $0x9FFFFFFF  }
0xc2: {  	(tm) =	ssettm $0x7FFFFFFF  }
0xc3: {  	_ =	shalt  }
tec
execute0_lowered:
.L_overlay_start_1:
0x0: {  	(tag) =	ssettag $0x1  }
0x1: {  	s0 =	srdreg.scid  }
0x2: {  	s6 =	rddreg [dreg:$0x0];
	s5 =	sand.u32 $0x1, s0;
	s0 =	stileid.u32  }
0x3: {  	s2 =	rddreg [dreg:$0x1];
	s7 =	smul.u32 $0x2780, s0  }
0x4: {  	s3 =	simm.s32 $0x0;
	s17 =	simm.s32 $0x0;
	s9 =	smul.u32 $0x27100, s5  }
0x5: {  	[smem:$0x7FF] =	sst s3;
	s16 =	sadd.s32 $0x138000, s2;
	s10 =	smul.u32 $0x4F000, s0  }
0x6: {  	s1 =	sshll.u32 s5, $0x4;
	s5 =	ssub.s32 $0x2, s5;
	s29 =	smul.u32 $0x4E000, s0  }
0x7: {  	s30 =	sshll.u32 s0, $0x6;
	s13 =	smul.u32 $0x2700, s0;
	p0 =	sne.s32 s0, $0xF  }
0x8: {  	s4 =	sor.u32 s0, s1;
	s1 =	rddreg [dreg:$0x2];
	_ =	strace $0x80000047  }
0x9: {  	s26 =	sshrl.u32 s5, $0x1;
	s16 =	sshrl.u32 @!p0 s16, $0x3;
	s4 =	smul.u32 $0x500, s4  }
0xa: {  	s7 =	sadd.s32 s7, s6;
	s9 =	sadd.s32 s9, s6;
	s11 =	ssub.s32 s5, s26  }
0xb: {  	s28 =	sshrl.u32 s10, $0x2;
	s31 =	sshrl.u32 s29, $0x2;
	s10 =	simm.s32 $0x1  }
0xc: {  	s12 =	sadd.s32 s28, s2;
	s5 =	sadd.s32 $0xD600, s7;
	s15 =	sadd.s32 $0x34E00, s9  }
0xd: {  	s14 =	sadd.s32 s31, s2;
	s8 =	sadd.s32 s4, s6;
	s4 =	sadd.s32 $0xCE00, s6  }
0xe: {  	s6 =	sor.u32 $0x1C01, s30;
	s9 =	sshrl.u32 s12, $0x3;
	s12 =	simm.s32 $0x80  }
0xf: {  	s13 =	sadd.s32 s13, s15;
	s14 =	sshrl.u32 s14, $0x3;
	s15 =	sadd.s32 @!p0 $0x27000, s15  }
0x10: {  	s7 =	sadd.s32 $0x2E00, s8;
	s8 =	smax.u32 s11, $0x1;
	s11 =	simm.s32 $0x2800  }
.LBB2_1:
0x11: {  	[spmem:s9], [sflag:s6] =	dma.local [hbm:s5], $0x2780  }
0x12: {  	_ =	swait.ge [sflag:s10], $0x2780  }
0x13: {  	[sflag:s10] =	ssyncset.done $0x0  }
0x14: {  	[sflag:s10] =	ssyncadd.s32 $0xFFFFD880  }
0x15: {  	[tilespmem:s11], [sflag:$0x1] =	stream.linear.gather [hbm4b:s4+s3], $0x4000, $0x38;
	[tilespmem:$0x1A400] =	vst v63  }
0x16: {  	_ =	swait.ge [sflag:s10], $0x4000  }
0x17: {  	[sflag:s10] =	ssyncset.done $0x0  }
0x18: {  	[sflag:s10] =	ssyncadd.s32 $0xFFFFC000  }
0x19: {  	[tilespmem:s3], [sflag:$0x1] =	stream.linear.gather [hbm4b:s7+s3], $0x2780, $0x38;
	[tilespmem:$0x1A400] =	vst v63  }
0x1a: {  	_ =	swait.ge [sflag:s10], $0x2780  }
0x1b: {  	[sflag:s10] =	ssyncset.done $0x0  }
0x1c: {  	[sflag:s10] =	ssyncadd.s32 $0xFFFFD880  }
0x1d: {  	s18 =	simm.s32 $0x0;
	[bflag:$0x0] =	sbarrier.arrive $0xFFFF  }
0x1e: {  	[spmem:s2] =	stream.indirect.scatter.add.f32 [tilespmem:s11], [sflag:$0x1], $0x80, s18, s12, $0xb8;
	[tilespmem:$0x1A400] =	vst v63  }
0x1f: {  	_ =	swait.ge [sflag:s10], $0x4000  }
0x20: {  	s18 =	simm.s32 $0x200;
	[sflag:s10] =	ssyncset.done $0x0  }
.LBB2_2:
0x21: {  	s19 =	sshra.s32 s18, $0x2;
	[sflag:s10] =	ssyncadd.s32 $0xFFFFC000;
	p1 =	sne.s32 s18, $0x9C00  }
0x22: {  	[spmem:s2] =	stream.indirect.scatter.add.f32 [tilespmem:s11], [sflag:$0x1], $0x80, s19, s12, $0xb8;
	[tilespmem:$0x1A400] =	vst v63  }
.Ltmp0:
0x23: {  	_ = 	snop;
	(pc) =	sbr.rel @p1 .LBB2_2-.Ltmp0, $4  }
0x24: {  	_ = 	snop  }
0x25: {  	s18 =	sadd.s32 $0x200, s18  }
0x26: {  	_ =	swait.ge [sflag:s10], $0x4000  }
0x27: {  	[sflag:s10] =	ssyncset.done $0x0  }
0x28: {  	[sflag:s10] =	ssyncadd.s32 $0xFFFFC000  }
0x29: {  	[bflag:$0x0] =	sbarrier.arrive $0xFFFF  }
0x2a: {  	[hbm:s13], [sflag:s6] =	dma.local [spmem:s14], $0x2700  }
0x2b: {  	s17 =	sadd.s32 $0x1, s17;
	_ =	swait.ge [sflag:s10], $0x2700  }
0x2c: {  	p1 =	sne.s32 s17, s8;
	[sflag:s10] =	ssyncset.done $0x0  }
.Ltmp1:
0x2d: {  	s18 =	simm.s32 @!p0 $0x1;
	[sflag:s10] =	ssyncadd.s32 $0xFFFFD900;
	(pc) =	sbr.rel @p1 .LBB2_1-.Ltmp1, $4  }
0x2e: {  	[hbm:s15], [sflag:s6] =	dma.local @!p0 [spmem:s16], $0x100  }
0x2f: {  	_ =	swait.ge @!p0 [sflag:s18], $0x100  }
0x30: {  	[sflag:s18] =	ssyncset.done @!p0 $0x0  }
0x31: {  	[sflag:s18] =	ssyncadd.s32 @!p0 $0xFFFFFF00  }
0x32: {  	_ =	sfence.sel $0x180000  }
0x33: {  	[bflag:$0x0] =	sbarrier.arrive $0xFFFF  }
0x34: {  	p0 =	sne.s32 s0, $0x0;
	_ =	strace $0x90000047  }
0x35: {  	s0 =	sadd.s32 @!p0 $0x100000, s1;
	[bflag:$0x2] =	sbarrier.arrive $0xFFFF  }
0x36: {  	[sflag:s0] =	ssyncadd.tile.s32 @!p0 $0x1;
	_ =	shalt  }
.Lfunc_end2:
_tile_overlayer_lowered:
.L_overlay_start_2:
0x37: {  	(tag) =	ssettag $0x2  }
0x38: {  	s0 =	rddreg [dreg:$0x0];
	s2 =	stileid.u32  }
0x39: {  	s1 =	rddreg [dreg:$0x1];
	p0 =	sne.s32 s2, $0x0  }
0x3a: {  	s3 =	rddreg [dreg:$0x2];
	[bflag:$0x3] =	sbarrier.arrive $0xFFFF;
	s2 =	simm.s32 @!p0 $0x1C01  }
0x3b: {  	[timem:s3], [sflag:s2] =	dma.local @!p0 [hbm:s0], s1  }
0x3c: {  	s0 =	simm.s32 @!p0 $0x1  }
0x3d: {  	_ =	swait.ge @!p0 [sflag:s0], s1  }
0x3e: {  	s1 =	ssub.s32 @!p0 $0x0, s1;
	[sflag:s0] =	ssyncset.done @!p0 $0x0  }
0x3f: {  	[sflag:s0] =	ssyncadd.s32 @!p0 s1  }
0x40: {  	[bflag:$0x3] =	sbarrier.arrive $0xFFFF  }
0x41: {  	_ =	shalt  }

// kernel: kernel.15.cloned.1.call-start
scs
__scs_entry_jumppad:
0x0: {  	(pc) =	sbr.rel $0x88, $3  }
0x1: {  	(tag) =	ssettag $0x0;
	lr =	simm.s32 $0x1  }
0x2: {  	[smem:$0x3F93] =	sst lr;
	_ =	strace $0xD0000000  }
0x3: {  	_ = 	snop  }
0x4: {  	_ = 	snop  }
0x5: {  	_ = 	snop  }
0x6: {  	_ = 	snop  }
0x7: {  	_ = 	snop  }
__scs_overlays_trampoline_lowered:
0x8: {  	[smem:$0x3FA2] =	sst s0  }
0x9: {  	[smem:$0x3FA3] =	sst s1  }
0xa: {  	[smem:$0x3FA4] =	sst s2  }
0xb: {  	[smem:$0x3FA5] =	sst s3  }
0xc: {  	[smem:$0x3FA6] =	sst s4  }
0xd: {  	[smem:$0x3FA7] =	sst s5  }
0xe: {  	[smem:$0x3FA8] =	sst s6  }
0xf: {  	[smem:$0x3FA9] =	sst s7  }
0x10: {  	[smem:$0x3FAA] =	sst s8  }
0x11: {  	[smem:$0x3FAB] =	sst s9;
	s0 =	simm.s32 @!p0 $0x0  }
0x12: {  	s1 =	sld [smem:$0x3F91];
	s0 =	simm.s32 @p0 $0x1  }
0x13: {  	[smem:$0x3FAC] =	sst s0;
	s0 =	simm.s32 @!p1 $0x0  }
0x14: {  	s2 =	sld [smem:$0x3F90];
	s0 =	simm.s32 @p1 $0x1  }
0x15: {  	[smem:$0x3FAD] =	sst s0;
	s0 =	simm.s32 @!p2 $0x0  }
0x16: {  	s3 =	sld [smem:$0x3FDB];
	s0 =	simm.s32 @p2 $0x1  }
0x17: {  	s4 =	simm.s32 $0x1BF5;
	[smem:$0x3FAF] =	sst s0  }
0x18: {  	s0 =	sld [smem:$0x3F92];
	_ =	swait.ge [sflag:s4], $0x0  }
0x19: {  	s7 =	sld [smem:$0x3F93]  }
0x1a: {  	s8 =	sadd.s32 $0xFFFFE003, lr  }
0x1b: {  	s9 =	sadd.s32 $0xFFFFFEF7, lr;
	s5 =	simm.s32 $0xFFFFFFFF;
	p2 =	slt.u32 s8, $0xFFFFF086  }
0x1c: {  	p1 =	slt.u32 s9, $0xF7A;
	s5 =	simm.s32 @!p2 $0x0  }
0x1d: {  	s5 =	simm.s32 @p1 $0x1;
	p0 =	seq.s32 s7, s2  }
0x1e: {  	s7 =	smul.u32 @!p0 $0xF7A, s2;
	p2 =	seq.s32 @!p0 s5, $0x0  }
0x1f: {  	s9 =	smul.u32 $0xF7A, s1;
	s8 =	simm.s32 @!p0 $0x1BF5;
	p2 =	por !p2, p0  }
0x20: {  	[sflag:s8] =	ssyncset.s32 @!p0 $0xFFFFF086;
	s6 =	sadd.s32 @!p0 s3, s7;
	s7 =	simm.s32 @!p0 $0x108  }
0x21: {  	s3 =	sadd.s32 s3, s9;
	s6 =	sadd.s32 @!p0 $0x88, s6;
	s7 =	simm.s32 @p2 $0x1082  }
0x22: {  	[simem:s7], [sflag:s8] =	dma.local @!p0 [hbm:s6], $0xF7A  }
0x23: {  	s9 =	sor.u32 $0xD0000000, s2;
	s6 =	simm.s32 $0x108;
	_ =	swait.ge @!p0 [sflag:s8], $0x0  }
0x24: {  	s3 =	sadd.s32 $0x88, s3;
	s6 =	simm.s32 @!p1 $0x1082;
	[sflag:s4] =	ssyncset.s32 $0xFFFFF086  }
0x25: {  	[simem:s6], [sflag:s4] =	dma.local [hbm:s3], $0xF7A  }
0x26: {  	[smem:$0x3F93] =	sst s1;
	(tag) =	ssettag s2;
	_ =	strace s9  }
0x27: {  	s1 =	sld [smem:$0x3FA3]  }
0x28: {  	s2 =	sld [smem:$0x3FA4]  }
0x29: {  	s4 =	sld [smem:$0x3FA6]  }
0x2a: {  	p0 =	seq.s32 s5, $0x0;
	s5 =	sld [smem:$0x3FA7]  }
0x2b: {  	s6 =	sld [smem:$0x3FA8]  }
0x2c: {  	s7 =	sld [smem:$0x3FA9]  }
0x2d: {  	s3 =	simm.s32 $0x108;
	s8 =	sld [smem:$0x3FAA]  }
0x2e: {  	s3 =	simm.s32 @!p0 $0x1082;
	s9 =	sld [smem:$0x3FAB]  }
0x2f: {  	lr =	sadd.s32 s0, s3;
	s0 =	sld [smem:$0x3FA2]  }
0x30: {  	s3 =	sld [smem:$0x3FA5]  }
0x31: {  	[smem:$0x3FAE] =	sst s10  }
0x32: {  	s10 =	sld [smem:$0x3FAC];
	_ =	sdelay $0x3  }
0x33: {  	p0 =	seq.s32 s10, $0x1;
	s10 =	sld [smem:$0x3FAE];
	_ =	sdelay $0x3  }
0x34: {  	[smem:$0x3FAE] =	sst s10  }
0x35: {  	s10 =	sld [smem:$0x3FAD];
	_ =	sdelay $0x3  }
0x36: {  	p1 =	seq.s32 s10, $0x1;
	s10 =	sld [smem:$0x3FAE];
	_ =	sdelay $0x3  }
0x37: {  	[smem:$0x3FAE] =	sst s10  }
0x38: {  	s10 =	sld [smem:$0x3FAF]  }
0x39: {  	_ = 	snop;
	(pc) =	sbr.ind lr, $3  }
0x3a: {  	_ = 	snop  }
0x3b: {  	_ = 	snop  }
0x3c: {  	p2 =	seq.s32 s10, $0x1;
	s10 =	sld [smem:$0x3FAE]  }
0x3d: {  	_ =	shalt  }
0x3e: {  	_ =	shalt  }
0x3f: {  	_ =	shalt  }
0x40: {  	_ =	shalt  }
0x41: {  	_ =	shalt  }
0x42: {  	_ =	shalt  }
0x43: {  	_ =	shalt  }
0x44: {  	_ =	shalt  }
0x45: {  	_ =	shalt  }
0x46: {  	_ =	shalt  }
0x47: {  	_ =	shalt  }
0x48: {  	_ =	shalt  }
0x49: {  	_ =	shalt  }
0x4a: {  	_ =	shalt  }
0x4b: {  	_ =	shalt  }
0x4c: {  	_ =	shalt  }
0x4d: {  	_ =	shalt  }
0x4e: {  	_ =	shalt  }
0x4f: {  	_ =	shalt  }
0x50: {  	_ =	shalt  }
0x51: {  	_ =	shalt  }
0x52: {  	_ =	shalt  }
0x53: {  	_ =	shalt  }
0x54: {  	_ =	shalt  }
0x55: {  	_ =	shalt  }
0x56: {  	_ =	shalt  }
0x57: {  	_ =	shalt  }
0x58: {  	_ =	shalt  }
0x59: {  	_ =	shalt  }
0x5a: {  	_ =	shalt  }
0x5b: {  	_ =	shalt  }
0x5c: {  	_ =	shalt  }
0x5d: {  	_ =	shalt  }
0x5e: {  	_ =	shalt  }
0x5f: {  	_ =	shalt  }
0x60: {  	_ =	shalt  }
0x61: {  	_ =	shalt  }
0x62: {  	_ =	shalt  }
0x63: {  	_ =	shalt  }
0x64: {  	_ =	shalt  }
0x65: {  	_ =	shalt  }
0x66: {  	_ =	shalt  }
0x67: {  	_ =	shalt  }
0x68: {  	_ =	shalt  }
0x69: {  	_ =	shalt  }
0x6a: {  	_ =	shalt  }
0x6b: {  	_ =	shalt  }
0x6c: {  	_ =	shalt  }
0x6d: {  	_ =	shalt  }
0x6e: {  	_ =	shalt  }
0x6f: {  	_ =	shalt  }
0x70: {  	_ =	shalt  }
0x71: {  	_ =	shalt  }
0x72: {  	_ =	shalt  }
0x73: {  	_ =	shalt  }
0x74: {  	_ =	shalt  }
0x75: {  	_ =	shalt  }
0x76: {  	_ =	shalt  }
0x77: {  	_ =	shalt  }
0x78: {  	_ =	shalt  }
0x79: {  	_ =	shalt  }
0x7a: {  	_ =	shalt  }
0x7b: {  	_ =	shalt  }
0x7c: {  	_ =	shalt  }
0x7d: {  	_ =	shalt  }
0x7e: {  	_ =	shalt  }
0x7f: {  	_ =	shalt  }
0x80: {  	_ =	shalt  }
0x81: {  	_ =	shalt  }
0x82: {  	_ =	shalt  }
0x83: {  	_ =	shalt  }
0x84: {  	_ =	shalt  }
0x85: {  	_ =	shalt  }
0x86: {  	_ =	shalt  }
0x87: {  	_ =	shalt  }
.Lfunc_end0:
.L_simem_size_0:
called_computation.1_lowered:
.L_overlay_start_0:
0x88: {  	s2 =	sld [smem:$0x3FD9]  }
0x89: {  	s3 =	sld [smem:$0x3FFE];
	_ =	sdelay $0x1  }
0x8a: {  	s1 =	srdreg.scid  }
0x8b: {  	s0 =	sand.u32 $0x1, s1  }
0x8c: {  	s16 =	sshll.u32 s0, $0xA;
	s2 =	sadd.s32 s3, s2  }
0x8d: {  	s2 =	sadd.s32 s2, s16  }
0x8e: {  	[smem:$0x3FBA] =	sst s2  }
0x8f: {  	_ = 	snop  }
0x90: {  	(tm) =	ssettm $0x1  }
0x91: {  	s17 =	sld [smem:$0x3FFB];
	_ =	sdelay $0x3  }
0x92: {  	_ =	strace s17  }
0x93: {  	s2 =	sld [smem:$0x3FFC];
	_ =	sdelay $0x3  }
0x94: {  	_ =	strace s2  }
0x95: {  	s2 =	sld [smem:$0x3FFD];
	_ =	sdelay $0x3  }
0x96: {  	_ =	strace s2  }
0x97: {  	_ =	strace $0x8FFFFFFF  }
0x98: {  	s18 =	sld [smem:$0x3FDB];
	_ =	sdelay $0x1  }
0x99: {  	s19 =	simm.s32 $_scs_section_size  }
0x9a: {  	s4 =	simm.s32 $_size__tile_overlayer_lowered;
	s5 =	simm.s32 $_tile_overlayer_lowered  }
0x9b: {  	s22 =	simm.s32 $0x1BFF;
	s21 =	sshll.u32 s5, $0x1;
	s2 =	sadd.s32 s19, s18  }
0x9c: {  	s6 =	simm.s32 $0x0;
	s20 =	sshll.u32 s4, $0x1;
	s4 =	sadd.s32 s21, s2  }
0x9d: {  	[timem:s6], [sflag:s22] =	dma.local [hbm:s4], s20  }
0x9e: {  	_ =	swait.ge [sflag:s22], s20  }
0x9f: {  	s3 =	ssub.s32 $0x0, s20;
	[sflag:s22] =	ssyncset.done $0x0  }
0xa0: {  	[sflag:s22] =	ssyncadd.s32 s3;
	_ =	sdelay $0x1  }
0xa1: {  	s23 =	simm.s32 $0x1B8B  }
0xa2: {  	_ =	swait.ge [sflag:s23], $0x1  }
0xa3: {  	[sflag:s23] =	ssyncset.done $0x0  }
0xa4: {  	s25 =	simm.s32 $0x1B8E;
	s24 =	sld [smem:$0x3FFE];
	[sflag:s23] =	ssyncadd.s32 $0xFFFFFFFF  }
0xa5: {  	s26 =	simm.s32 $execute0_lowered;
	[smem:$0x3FD2] =	sst s25  }
0xa6: {  	s4 =	sshll.u32 s26, $0x1;
	_ =	strace $0x80000049;
	[dreg:$0x1] =	wrdreg $0xFFFFFFFF  }
0xa7: {  	s28 =	simm.s32 $_size_execute0_lowered;
	s2 =	sadd.s32 s2, s4;
	[dreg:$0x0] =	wrdreg $0x0  }
0xa8: {  	s4 =	sshll.u32 s28, $0x1;
	[dreg:$0x2] =	wrdreg s2  }
0xa9: {  	[dreg:$0x3] =	wrdreg s4  }
0xaa: {  	[dreg:$0x4] =	wrdreg $0xC0  }
0xab: {  	_ =	task [dreg:s6], $0x5FFFF  }
0xac: {  	[dreg:$0x1] =	wrdreg $0xFFFFFFFF  }
0xad: {  	[dreg:$0x0] =	wrdreg $0x60  }
0xae: {  	[dreg:$0x2] =	wrdreg s24  }
0xaf: {  	[dreg:$0x3] =	wrdreg $0x90000  }
0xb0: {  	[dreg:$0x4] =	wrdreg $0x9  }
0xb1: {  	_ =	task.clear_ibuf [dreg:s6], $0x5FFFF;
	_ =	strace $0x90000049  }
0xb2: {  	s29 =	simm.s32 $0x9;
	_ =	strace $0x8000004B  }
0xb3: {  	_ =	swait.ge [sflag:s29], $0x1  }
0xb4: {  	[sflag:s29] =	ssyncadd.s32 $0xFFFFFFFF  }
0xb5: {  	_ =	strace $0x9000004B  }
0xb6: {  	_ =	sfence  }
0xb7: {  	s30 =	sld [smem:$0x0];
	_ =	sdelay $0x2  }
0xb8: {  	s31 =	sshll.u32 s1, $0xD;
	s1 =	sshrl.u32 s1, $0x2  }
0xb9: {  	s3 =	sand.u32 $0x4000, s31;
	s1 =	sadd.s32 s1, s30  }
0xba: {  	s0 =	sor.u32 s3, s0;
	s1 =	sshll.u32 s1, $0x11  }
0xbb: {  	s0 =	sor.u32 s1, s0  }
0xbc: {  	s0 =	sadd.s32 $0x8F2B, s0  }
0xbd: {  	[sflag:s0] =	ssyncadd.remote.s32 $0x1  }
0xbe: {  	_ =	sfence.sel $0xFFFF  }
0xbf: {  	[dreg:$0x0] =	wrdreg $0xFFFFFFFF;
	(pc) =	sbr.abs _section_cstart, $3  }
0xc0: {  	[dreg:$0x1] =	wrdreg $0xFFFFFFFF  }
0xc1: {  	_ =	task.clear_ibuf [dreg:s6], $0x2FFFF;
	_ =	strace $0x9FFFFFFF  }
0xc2: {  	(tm) =	ssettm $0x7FFFFFFF  }
0xc3: {  	_ =	shalt  }
tec
execute0_lowered:
.L_overlay_start_1:
0x0: {  	(tag) =	ssettag $0x1  }
0x1: {  	s0 =	srdreg.scid;
	s10 =	rddreg [dreg:$0x0]  }
0x2: {  	s2 =	rddreg [dreg:$0x1];
	s1 =	stileid.u32  }
0x3: {  	s3 =	simm.s32 $0x0;
	s22 =	simm.s32 $0x2;
	s23 =	simm.s32 $0x2800  }
0x4: {  	s24 =	simm.s32 $0x80;
	s25 =	simm.s32 $0x5000;
	s26 =	simm.s32 $0x1  }
0x5: {  	s28 =	simm.s32 $0x0;
	s7 =	sand.u32 $0x1, s0;
	s11 =	smul.u32 $0x4E000, s1  }
0x6: {  	[smem:$0x7FF] =	sst s3;
	s5 =	sadd.s32 $0xD600, s10;
	s31 =	smul.u32 $0x4F000, s1  }
0x7: {  	s20 =	sadd.s32 $0x138800, s2;
	s12 =	smul.u32 $0x2780, s1;
	p3 =	sne.s32 s1, $0xF  }
0x8: {  	s4 =	sshll.u32 s7, $0x4;
	_ =	strace $0x8000004A;
	s8 =	smul.u32 $0x27100, s7  }
0x9: {  	s9 =	ssub.s32 $0x2, s7;
	p0 =	seq.s32 s7, $0x1;
	s4 =	sor.u32 s1, s4  }
0xa: {  	s29 =	sshrl.u32 s9, $0x1;
	s30 =	sshrl.u32 s11, $0x2;
	s11 =	sshrl.u32 s31, $0x2  }
0xb: {  	p1 =	seq.s32 @!p0 s1, $0x0;
	s16 =	sshll.u32 @p0 s1, $0x6;
	s18 =	sshll.u32 @!p0 s1, $0x6  }
0xc: {  	s6 =	smul.u32 $0x500, s4;
	s4 =	sadd.s32 $0x34E00, s10;
	s14 =	sadd.s32 s8, s10  }
0xd: {  	s15 =	ssub.s32 s9, s29;
	s7 =	sadd.s32 s30, s2;
	s9 =	sadd.s32 $0x138000, s2  }
0xe: {  	s17 =	sadd.s32 s11, s2;
	s11 =	sadd.s32 s5, s12;
	p2 =	por p1, p0  }
0xf: {  	s16 =	sor.u32 @p0 $0x1C02, s16;
	s18 =	sor.u32 @!p0 $0x1C02, s18;
	s14 =	sadd.s32 $0x8D000, s14  }
0x10: {  	s15 =	smax.u32 s15, $0x1;
	p2 =	sne.s32 @!p2 s1, $0xF;
	s17 =	sshrl.u32 @p0 s17, $0x3  }
0x11: {  	s19 =	sshrl.u32 @!p0 s7, $0x3;
	s13 =	sadd.s32 s6, s10;
	s6 =	smul.u32 $0x2700, s1  }
0x12: {  	s10 =	sadd.s32 $0x5BE00, s10;
	p2 =	por @!p0 p2, p1;
	p1 =	por !p1, p0  }
0x13: {  	s12 =	sadd.s32 $0x83000, s13;
	s13 =	sadd.s32 $0x2E00, s13;
	p2 =	por p2, p0  }
0x14: {  	s20 =	sshrl.u32 @!p1 s20, $0x3;
	s8 =	sadd.s32 s4, s6;
	s21 =	sshrl.u32 @!p2 s9, $0x3  }
.LBB2_1:
0x15: {  	[spmem:s17], [sflag:s16] =	dma.local @p0 [hbm:s11], $0x2780  }
0x16: {  	s29 =	simm.s32 @p0 $0x2  }
0x17: {  	_ =	swait.ge @p0 [sflag:s29], $0x2780  }
0x18: {  	[sflag:s29] =	ssyncset.done @p0 $0x0  }
0x19: {  	[sflag:s29] =	ssyncadd.s32 @p0 $0xFFFFD880;
	s29 =	simm.s32 @!p0 $0x2  }
0x1a: {  	[spmem:s19], [sflag:s18] =	dma.local @!p0 [hbm:s8], $0x2700  }
0x1b: {  	_ =	swait.ge @!p0 [sflag:s29], $0x2700  }
0x1c: {  	[sflag:s29] =	ssyncset.done @!p0 $0x0  }
0x1d: {  	[sflag:s29] =	ssyncadd.s32 @!p0 $0xFFFFD900;
	s29 =	simm.s32 @!p1 $0x2  }
0x1e: {  	[spmem:s20], [sflag:s18] =	dma.local @!p1 [hbm:s5], $0x700  }
0x1f: {  	_ =	swait.ge @!p1 [sflag:s29], $0x700  }
0x20: {  	[sflag:s29] =	ssyncset.done @!p1 $0x0  }
0x21: {  	[sflag:s29] =	ssyncadd.s32 @!p1 $0xFFFFF900;
	s29 =	simm.s32 @!p2 $0x2  }
0x22: {  	[spmem:s21], [sflag:s18] =	dma.local @!p2 [hbm:s10], $0x100  }
0x23: {  	_ =	swait.ge @!p2 [sflag:s29], $0x100  }
0x24: {  	[sflag:s29] =	ssyncset.done @!p2 $0x0  }
0x25: {  	[sflag:s29] =	ssyncadd.s32 @!p2 $0xFFFFFF00  }
0x26: {  	[tilespmem:s3], [sflag:$0x2] =	stream.linear.gather [hbm4b:s12+s3], $0x2780, $0x38;
	[tilespmem:$0x1CC00] =	vst v63  }
0x27: {  	_ =	swait.ge [sflag:s22], $0x2780  }
0x28: {  	[sflag:s22] =	ssyncset.done $0x0  }
0x29: {  	[sflag:s22] =	ssyncadd.s32 $0xFFFFD880  }
0x2a: {  	[tilespmem:s23], [sflag:$0x2] =	stream.linear.gather [hbm4b:s13+s3], $0x2780, $0x38;
	[tilespmem:$0x1CC00] =	vst v63  }
0x2b: {  	_ =	swait.ge [sflag:s22], $0x2780  }
0x2c: {  	[sflag:s22] =	ssyncset.done $0x0  }
0x2d: {  	[sflag:s22] =	ssyncadd.s32 $0xFFFFD880  }
0x2e: {  	s29 =	simm.s32 $0x0;
	[bflag:$0x0] =	sbarrier.arrive $0xFFFF  }
0x2f: {  	[tilespmem:s25], [sflag:$0x1] =	stream.indirect.gather [hbm4b:s4+s24], $0x80, s29, s24, $0xb8;
	[tilespmem:$0x1CC00] =	vst v63  }
0x30: {  	_ =	swait.ge [sflag:s26], $0x4000  }
0x31: {  	[sflag:s26] =	ssyncset.done $0x0  }
0x32: {  	s29 =	simm.s32 $0x2800;
	[sflag:s26] =	ssyncadd.s32 $0xFFFFC000  }
0x33: {  	[spmem:s2] =	stream.indirect.scatter.add.f32 [tilespmem:s25], [sflag:$0x2], $0x80, s29, s24, $0xb8;
	[tilespmem:$0x1CC00] =	vst v63  }
0x34: {  	_ =	swait.ge [sflag:s22], $0x4000  }
0x35: {  	s30 =	simm.s32 $0x400;
	s29 =	simm.s32 $0x200;
	[sflag:s22] =	ssyncset.done $0x0  }
.LBB2_2:
0x36: {  	s31 =	sshra.s32 s29, $0x2  }
0x37: {  	[sflag:s22] =	ssyncadd.s32 $0xFFFFC000;
	s29 =	smov.u32 s30;
	s0 =	sadd.s32 $0x200, s30  }
0x38: {  	[tilespmem:s25], [sflag:$0x1] =	stream.indirect.gather [hbm4b:s4+s24], $0x80, s31, s24, $0xb8;
	[tilespmem:$0x1CC00] =	vst v63  }
0x39: {  	p4 =	sne.s32 s30, $0x9C00;
	_ =	swait.ge [sflag:s26], $0x4000  }
.Ltmp0:
0x3a: {  	[sflag:s26] =	ssyncset.done $0x0;
	(pc) =	sbr.rel @p4 .LBB2_2-.Ltmp0, $4  }
0x3b: {  	s30 =	sadd.s32 $0x2800, s31;
	[sflag:s26] =	ssyncadd.s32 $0xFFFFC000  }
0x3c: {  	[spmem:s2] =	stream.indirect.scatter.add.f32 [tilespmem:s25], [sflag:$0x2], $0x80, s30, s24, $0xb8;
	[tilespmem:$0x1CC00] =	vst v63  }
0x3d: {  	_ =	swait.ge [sflag:s22], $0x4000  }
0x3e: {  	s30 =	smov.u32 s0;
	[sflag:s22] =	ssyncset.done $0x0  }
0x3f: {  	s0 =	sshra.s32 s29, $0x2;
	[sflag:s22] =	ssyncadd.s32 $0xFFFFC000  }
0x40: {  	[tilespmem:s25], [sflag:$0x1] =	stream.indirect.gather [hbm4b:s4+s24], $0x80, s0, s24, $0xb8;
	[tilespmem:$0x1CC00] =	vst v63  }
0x41: {  	_ =	swait.ge [sflag:s26], $0x4000  }
0x42: {  	[sflag:s26] =	ssyncset.done $0x0  }
0x43: {  	s0 =	sadd.s32 $0x2800, s0;
	[sflag:s26] =	ssyncadd.s32 $0xFFFFC000  }
0x44: {  	[spmem:s2] =	stream.indirect.scatter.add.f32 [tilespmem:s25], [sflag:$0x2], $0x80, s0, s24, $0xb8;
	[tilespmem:$0x1CC00] =	vst v63  }
0x45: {  	_ =	swait.ge [sflag:s22], $0x4000  }
0x46: {  	[sflag:s22] =	ssyncset.done $0x0  }
0x47: {  	s30 =	sshll.u32 s1, $0x6;
	s31 =	sadd.s32 s6, s14;
	[sflag:s22] =	ssyncadd.s32 $0xFFFFC000  }
0x48: {  	s0 =	sor.u32 $0x1C02, s30;
	s30 =	sshrl.u32 s7, $0x3;
	[bflag:$0x0] =	sbarrier.arrive $0xFFFF  }
0x49: {  	[hbm:s31], [sflag:s0] =	dma.local [spmem:s30], $0x2700  }
0x4a: {  	_ =	swait.ge [sflag:s22], $0x2700  }
0x4b: {  	s29 =	sadd.s32 @!p3 $0x27000, s14;
	s28 =	sadd.s32 $0x1, s28;
	[sflag:s22] =	ssyncset.done $0x0  }
0x4c: {  	p4 =	sne.s32 s28, s15;
	s30 =	sshrl.u32 @!p3 s9, $0x3;
	[sflag:s22] =	ssyncadd.s32 $0xFFFFD900  }
0x4d: {  	[hbm:s29], [sflag:s0] =	dma.local @!p3 [spmem:s30], $0x100  }
.Ltmp1:
0x4e: {  	_ = 	snop;
	(pc) =	sbr.rel @p4 .LBB2_1-.Ltmp1, $4  }
0x4f: {  	s0 =	simm.s32 @!p3 $0x2  }
0x50: {  	_ =	swait.ge @!p3 [sflag:s0], $0x100  }
0x51: {  	[sflag:s0] =	ssyncset.done @!p3 $0x0  }
0x52: {  	[sflag:s0] =	ssyncadd.s32 @!p3 $0xFFFFFF00  }
0x53: {  	_ =	sfence.sel $0x180000  }
0x54: {  	[bflag:$0x0] =	sbarrier.arrive $0xFFFF  }
0x55: {  	_ =	strace $0x9000004A  }
0x56: {  	[bflag:$0x2] =	sbarrier.arrive $0xFFFF  }
0x57: {  	p0 =	sne.s32 s1, $0x0;
	s0 =	rddreg [dreg:$0x2]  }
0x58: {  	s0 =	sadd.s32 @!p0 $0x100000, s0  }
0x59: {  	[sflag:s0] =	ssyncadd.tile.s32 @!p0 $0x1;
	_ =	shalt  }
.Lfunc_end2:
_tile_overlayer_lowered:
.L_overlay_start_2:
0x5a: {  	(tag) =	ssettag $0x2  }
0x5b: {  	s0 =	rddreg [dreg:$0x0];
	s2 =	stileid.u32  }
0x5c: {  	s1 =	rddreg [dreg:$0x1];
	p0 =	sne.s32 s2, $0x0  }
0x5d: {  	s3 =	rddreg [dreg:$0x2];
	[bflag:$0x3] =	sbarrier.arrive $0xFFFF;
	s2 =	simm.s32 @!p0 $0x1C02  }
0x5e: {  	[timem:s3], [sflag:s2] =	dma.local @!p0 [hbm:s0], s1  }
0x5f: {  	s0 =	simm.s32 @!p0 $0x2  }
0x60: {  	_ =	swait.ge @!p0 [sflag:s0], s1  }
0x61: {  	s1 =	ssub.s32 @!p0 $0x0, s1;
	[sflag:s0] =	ssyncset.done @!p0 $0x0  }
0x62: {  	[sflag:s0] =	ssyncadd.s32 @!p0 s1  }
0x63: {  	[bflag:$0x3] =	sbarrier.arrive $0xFFFF  }
0x64: {  	_ =	shalt  }

// kernel: kernel.18.cloned.1.call-start
scs
__scs_entry_jumppad:
0x0: {  	(pc) =	sbr.rel $0x88, $3  }
0x1: {  	(tag) =	ssettag $0x0;
	lr =	simm.s32 $0x1  }
0x2: {  	[smem:$0x3F93] =	sst lr;
	_ =	strace $0xD0000000  }
0x3: {  	_ = 	snop  }
0x4: {  	_ = 	snop  }
0x5: {  	_ = 	snop  }
0x6: {  	_ = 	snop  }
0x7: {  	_ = 	snop  }
__scs_overlays_trampoline_lowered:
0x8: {  	[smem:$0x3FA2] =	sst s0  }
0x9: {  	[smem:$0x3FA3] =	sst s1  }
0xa: {  	[smem:$0x3FA4] =	sst s2  }
0xb: {  	[smem:$0x3FA5] =	sst s3  }
0xc: {  	[smem:$0x3FA6] =	sst s4  }
0xd: {  	[smem:$0x3FA7] =	sst s5  }
0xe: {  	[smem:$0x3FA8] =	sst s6  }
0xf: {  	[smem:$0x3FA9] =	sst s7  }
0x10: {  	[smem:$0x3FAA] =	sst s8  }
0x11: {  	[smem:$0x3FAB] =	sst s9;
	s0 =	simm.s32 @!p0 $0x0  }
0x12: {  	s1 =	sld [smem:$0x3F91];
	s0 =	simm.s32 @p0 $0x1  }
0x13: {  	[smem:$0x3FAC] =	sst s0;
	s0 =	simm.s32 @!p1 $0x0  }
0x14: {  	s2 =	sld [smem:$0x3F90];
	s0 =	simm.s32 @p1 $0x1  }
0x15: {  	[smem:$0x3FAD] =	sst s0;
	s0 =	simm.s32 @!p2 $0x0  }
0x16: {  	s3 =	sld [smem:$0x3FDB];
	s0 =	simm.s32 @p2 $0x1  }
0x17: {  	s4 =	simm.s32 $0x1BF5;
	[smem:$0x3FAF] =	sst s0  }
0x18: {  	s0 =	sld [smem:$0x3F92];
	_ =	swait.ge [sflag:s4], $0x0  }
0x19: {  	s7 =	sld [smem:$0x3F93]  }
0x1a: {  	s8 =	sadd.s32 $0xFFFFE003, lr  }
0x1b: {  	s9 =	sadd.s32 $0xFFFFFEF7, lr;
	s5 =	simm.s32 $0xFFFFFFFF;
	p2 =	slt.u32 s8, $0xFFFFF086  }
0x1c: {  	p1 =	slt.u32 s9, $0xF7A;
	s5 =	simm.s32 @!p2 $0x0  }
0x1d: {  	s5 =	simm.s32 @p1 $0x1;
	p0 =	seq.s32 s7, s2  }
0x1e: {  	s7 =	smul.u32 @!p0 $0xF7A, s2;
	p2 =	seq.s32 @!p0 s5, $0x0  }
0x1f: {  	s9 =	smul.u32 $0xF7A, s1;
	s8 =	simm.s32 @!p0 $0x1BF5;
	p2 =	por !p2, p0  }
0x20: {  	[sflag:s8] =	ssyncset.s32 @!p0 $0xFFFFF086;
	s6 =	sadd.s32 @!p0 s3, s7;
	s7 =	simm.s32 @!p0 $0x108  }
0x21: {  	s3 =	sadd.s32 s3, s9;
	s6 =	sadd.s32 @!p0 $0x88, s6;
	s7 =	simm.s32 @p2 $0x1082  }
0x22: {  	[simem:s7], [sflag:s8] =	dma.local @!p0 [hbm:s6], $0xF7A  }
0x23: {  	s9 =	sor.u32 $0xD0000000, s2;
	s6 =	simm.s32 $0x108;
	_ =	swait.ge @!p0 [sflag:s8], $0x0  }
0x24: {  	s3 =	sadd.s32 $0x88, s3;
	s6 =	simm.s32 @!p1 $0x1082;
	[sflag:s4] =	ssyncset.s32 $0xFFFFF086  }
0x25: {  	[simem:s6], [sflag:s4] =	dma.local [hbm:s3], $0xF7A  }
0x26: {  	[smem:$0x3F93] =	sst s1;
	(tag) =	ssettag s2;
	_ =	strace s9  }
0x27: {  	s1 =	sld [smem:$0x3FA3]  }
0x28: {  	s2 =	sld [smem:$0x3FA4]  }
0x29: {  	s4 =	sld [smem:$0x3FA6]  }
0x2a: {  	p0 =	seq.s32 s5, $0x0;
	s5 =	sld [smem:$0x3FA7]  }
0x2b: {  	s6 =	sld [smem:$0x3FA8]  }
0x2c: {  	s7 =	sld [smem:$0x3FA9]  }
0x2d: {  	s3 =	simm.s32 $0x108;
	s8 =	sld [smem:$0x3FAA]  }
0x2e: {  	s3 =	simm.s32 @!p0 $0x1082;
	s9 =	sld [smem:$0x3FAB]  }
0x2f: {  	lr =	sadd.s32 s0, s3;
	s0 =	sld [smem:$0x3FA2]  }
0x30: {  	s3 =	sld [smem:$0x3FA5]  }
0x31: {  	[smem:$0x3FAE] =	sst s10  }
0x32: {  	s10 =	sld [smem:$0x3FAC];
	_ =	sdelay $0x3  }
0x33: {  	p0 =	seq.s32 s10, $0x1;
	s10 =	sld [smem:$0x3FAE];
	_ =	sdelay $0x3  }
0x34: {  	[smem:$0x3FAE] =	sst s10  }
0x35: {  	s10 =	sld [smem:$0x3FAD];
	_ =	sdelay $0x3  }
0x36: {  	p1 =	seq.s32 s10, $0x1;
	s10 =	sld [smem:$0x3FAE];
	_ =	sdelay $0x3  }
0x37: {  	[smem:$0x3FAE] =	sst s10  }
0x38: {  	s10 =	sld [smem:$0x3FAF]  }
0x39: {  	_ = 	snop;
	(pc) =	sbr.ind lr, $3  }
0x3a: {  	_ = 	snop  }
0x3b: {  	_ = 	snop  }
0x3c: {  	p2 =	seq.s32 s10, $0x1;
	s10 =	sld [smem:$0x3FAE]  }
0x3d: {  	_ =	shalt  }
0x3e: {  	_ =	shalt  }
0x3f: {  	_ =	shalt  }
0x40: {  	_ =	shalt  }
0x41: {  	_ =	shalt  }
0x42: {  	_ =	shalt  }
0x43: {  	_ =	shalt  }
0x44: {  	_ =	shalt  }
0x45: {  	_ =	shalt  }
0x46: {  	_ =	shalt  }
0x47: {  	_ =	shalt  }
0x48: {  	_ =	shalt  }
0x49: {  	_ =	shalt  }
0x4a: {  	_ =	shalt  }
0x4b: {  	_ =	shalt  }
0x4c: {  	_ =	shalt  }
0x4d: {  	_ =	shalt  }
0x4e: {  	_ =	shalt  }
0x4f: {  	_ =	shalt  }
0x50: {  	_ =	shalt  }
0x51: {  	_ =	shalt  }
0x52: {  	_ =	shalt  }
0x53: {  	_ =	shalt  }
0x54: {  	_ =	shalt  }
0x55: {  	_ =	shalt  }
0x56: {  	_ =	shalt  }
0x57: {  	_ =	shalt  }
0x58: {  	_ =	shalt  }
0x59: {  	_ =	shalt  }
0x5a: {  	_ =	shalt  }
0x5b: {  	_ =	shalt  }
0x5c: {  	_ =	shalt  }
0x5d: {  	_ =	shalt  }
0x5e: {  	_ =	shalt  }
0x5f: {  	_ =	shalt  }
0x60: {  	_ =	shalt  }
0x61: {  	_ =	shalt  }
0x62: {  	_ =	shalt  }
0x63: {  	_ =	shalt  }
0x64: {  	_ =	shalt  }
0x65: {  	_ =	shalt  }
0x66: {  	_ =	shalt  }
0x67: {  	_ =	shalt  }
0x68: {  	_ =	shalt  }
0x69: {  	_ =	shalt  }
0x6a: {  	_ =	shalt  }
0x6b: {  	_ =	shalt  }
0x6c: {  	_ =	shalt  }
0x6d: {  	_ =	shalt  }
0x6e: {  	_ =	shalt  }
0x6f: {  	_ =	shalt  }
0x70: {  	_ =	shalt  }
0x71: {  	_ =	shalt  }
0x72: {  	_ =	shalt  }
0x73: {  	_ =	shalt  }
0x74: {  	_ =	shalt  }
0x75: {  	_ =	shalt  }
0x76: {  	_ =	shalt  }
0x77: {  	_ =	shalt  }
0x78: {  	_ =	shalt  }
0x79: {  	_ =	shalt  }
0x7a: {  	_ =	shalt  }
0x7b: {  	_ =	shalt  }
0x7c: {  	_ =	shalt  }
0x7d: {  	_ =	shalt  }
0x7e: {  	_ =	shalt  }
0x7f: {  	_ =	shalt  }
0x80: {  	_ =	shalt  }
0x81: {  	_ =	shalt  }
0x82: {  	_ =	shalt  }
0x83: {  	_ =	shalt  }
0x84: {  	_ =	shalt  }
0x85: {  	_ =	shalt  }
0x86: {  	_ =	shalt  }
0x87: {  	_ =	shalt  }
.Lfunc_end0:
.L_simem_size_0:
called_computation.2_lowered:
.L_overlay_start_0:
0x88: {  	s2 =	sld [smem:$0x3FD9]  }
0x89: {  	s3 =	sld [smem:$0x3FFE];
	_ =	sdelay $0x1  }
0x8a: {  	s1 =	srdreg.scid  }
0x8b: {  	s0 =	sand.u32 $0x1, s1  }
0x8c: {  	s16 =	sshll.u32 s0, $0xA;
	s2 =	sadd.s32 s3, s2  }
0x8d: {  	s2 =	sadd.s32 s2, s16  }
0x8e: {  	[smem:$0x3FBA] =	sst s2  }
0x8f: {  	_ = 	snop  }
0x90: {  	(tm) =	ssettm $0x1  }
0x91: {  	s17 =	sld [smem:$0x3FFB];
	_ =	sdelay $0x3  }
0x92: {  	_ =	strace s17  }
0x93: {  	s2 =	sld [smem:$0x3FFC];
	_ =	sdelay $0x3  }
0x94: {  	_ =	strace s2  }
0x95: {  	s2 =	sld [smem:$0x3FFD];
	_ =	sdelay $0x3  }
0x96: {  	_ =	strace s2  }
0x97: {  	_ =	strace $0x8FFFFFFF  }
0x98: {  	s18 =	sld [smem:$0x3FDB];
	_ =	sdelay $0x1  }
0x99: {  	s19 =	simm.s32 $_scs_section_size  }
0x9a: {  	s4 =	simm.s32 $_size__tile_overlayer_lowered;
	s5 =	simm.s32 $_tile_overlayer_lowered  }
0x9b: {  	s22 =	simm.s32 $0x1BFF;
	s21 =	sshll.u32 s5, $0x1;
	s2 =	sadd.s32 s19, s18  }
0x9c: {  	s6 =	simm.s32 $0x0;
	s20 =	sshll.u32 s4, $0x1;
	s4 =	sadd.s32 s21, s2  }
0x9d: {  	[timem:s6], [sflag:s22] =	dma.local [hbm:s4], s20  }
0x9e: {  	_ =	swait.ge [sflag:s22], s20  }
0x9f: {  	s3 =	ssub.s32 $0x0, s20;
	[sflag:s22] =	ssyncset.done $0x0  }
0xa0: {  	[sflag:s22] =	ssyncadd.s32 s3;
	_ =	sdelay $0x1  }
0xa1: {  	s23 =	simm.s32 $0x1B8B  }
0xa2: {  	_ =	swait.ge [sflag:s23], $0x1  }
0xa3: {  	[sflag:s23] =	ssyncset.done $0x0  }
0xa4: {  	s25 =	simm.s32 $0x1B8E;
	s24 =	sld [smem:$0x3FFE];
	[sflag:s23] =	ssyncadd.s32 $0xFFFFFFFF  }
0xa5: {  	s26 =	simm.s32 $execute0_lowered;
	[smem:$0x3FD2] =	sst s25  }
0xa6: {  	s4 =	sshll.u32 s26, $0x1;
	_ =	strace $0x8000004C;
	[dreg:$0x1] =	wrdreg $0xFFFFFFFF  }
0xa7: {  	s28 =	simm.s32 $_size_execute0_lowered;
	s2 =	sadd.s32 s2, s4;
	[dreg:$0x0] =	wrdreg $0x0  }
0xa8: {  	s4 =	sshll.u32 s28, $0x1;
	[dreg:$0x2] =	wrdreg s2  }
0xa9: {  	[dreg:$0x3] =	wrdreg s4  }
0xaa: {  	[dreg:$0x4] =	wrdreg $0xC0  }
0xab: {  	_ =	task [dreg:s6], $0x5FFFF  }
0xac: {  	[dreg:$0x1] =	wrdreg $0xFFFFFFFF  }
0xad: {  	[dreg:$0x0] =	wrdreg $0x60  }
0xae: {  	[dreg:$0x2] =	wrdreg s24  }
0xaf: {  	[dreg:$0x3] =	wrdreg $0x90000  }
0xb0: {  	[dreg:$0x4] =	wrdreg $0x9  }
0xb1: {  	_ =	task.clear_ibuf [dreg:s6], $0x5FFFF;
	_ =	strace $0x9000004C  }
0xb2: {  	s29 =	simm.s32 $0x9;
	_ =	strace $0x8000004E  }
0xb3: {  	_ =	swait.ge [sflag:s29], $0x1  }
0xb4: {  	[sflag:s29] =	ssyncadd.s32 $0xFFFFFFFF  }
0xb5: {  	_ =	strace $0x9000004E  }
0xb6: {  	_ =	sfence  }
0xb7: {  	s30 =	sld [smem:$0x0];
	_ =	sdelay $0x2  }
0xb8: {  	s31 =	sshll.u32 s1, $0xD;
	s1 =	sshrl.u32 s1, $0x2  }
0xb9: {  	s3 =	sand.u32 $0x4000, s31;
	s1 =	sadd.s32 s1, s30  }
0xba: {  	s0 =	sor.u32 s3, s0;
	s1 =	sshll.u32 s1, $0x11  }
0xbb: {  	s0 =	sor.u32 s1, s0  }
0xbc: {  	s0 =	sadd.s32 $0x8F2B, s0  }
0xbd: {  	[sflag:s0] =	ssyncadd.remote.s32 $0x1  }
0xbe: {  	_ =	sfence.sel $0xFFFF  }
0xbf: {  	[dreg:$0x0] =	wrdreg $0xFFFFFFFF;
	(pc) =	sbr.abs _section_cstart, $3  }
0xc0: {  	[dreg:$0x1] =	wrdreg $0xFFFFFFFF  }
0xc1: {  	_ =	task.clear_ibuf [dreg:s6], $0x2FFFF;
	_ =	strace $0x9FFFFFFF  }
0xc2: {  	(tm) =	ssettm $0x7FFFFFFF  }
0xc3: {  	_ =	shalt  }
tec
execute0_lowered:
.L_overlay_start_1:
0x0: {  	(tag) =	ssettag $0x1  }
0x1: {  	s0 =	srdreg.scid;
	s10 =	rddreg [dreg:$0x0]  }
0x2: {  	s2 =	rddreg [dreg:$0x1];
	s1 =	stileid.u32  }
0x3: {  	s3 =	simm.s32 $0x0;
	s22 =	simm.s32 $0x2;
	s23 =	simm.s32 $0x2800  }
0x4: {  	s24 =	simm.s32 $0x80;
	s25 =	simm.s32 $0x5000;
	s26 =	simm.s32 $0x1  }
0x5: {  	s28 =	simm.s32 $0x0;
	s7 =	sand.u32 $0x1, s0;
	s11 =	smul.u32 $0x4E000, s1  }
0x6: {  	[smem:$0x7FF] =	sst s3;
	s5 =	sadd.s32 $0xD600, s10;
	s31 =	smul.u32 $0x4F000, s1  }
0x7: {  	s20 =	sadd.s32 $0x138800, s2;
	s12 =	smul.u32 $0x2780, s1;
	p3 =	sne.s32 s1, $0xF  }
0x8: {  	s4 =	sshll.u32 s7, $0x4;
	_ =	strace $0x8000004D;
	s8 =	smul.u32 $0x27100, s7  }
0x9: {  	s9 =	ssub.s32 $0x2, s7;
	p0 =	seq.s32 s7, $0x1;
	s4 =	sor.u32 s1, s4  }
0xa: {  	s29 =	sshrl.u32 s9, $0x1;
	s30 =	sshrl.u32 s11, $0x2;
	s11 =	sshrl.u32 s31, $0x2  }
0xb: {  	p1 =	seq.s32 @!p0 s1, $0x0;
	s16 =	sshll.u32 @p0 s1, $0x6;
	s18 =	sshll.u32 @!p0 s1, $0x6  }
0xc: {  	s6 =	smul.u32 $0x500, s4;
	s4 =	sadd.s32 $0x34E00, s10;
	s14 =	sadd.s32 s8, s10  }
0xd: {  	s15 =	ssub.s32 s9, s29;
	s7 =	sadd.s32 s30, s2;
	s9 =	sadd.s32 $0x138000, s2  }
0xe: {  	s17 =	sadd.s32 s11, s2;
	s11 =	sadd.s32 s5, s12;
	p2 =	por p1, p0  }
0xf: {  	s16 =	sor.u32 @p0 $0x1C02, s16;
	s18 =	sor.u32 @!p0 $0x1C02, s18;
	s14 =	sadd.s32 $0x8D000, s14  }
0x10: {  	s15 =	smax.u32 s15, $0x1;
	p2 =	sne.s32 @!p2 s1, $0xF;
	s17 =	sshrl.u32 @p0 s17, $0x3  }
0x11: {  	s19 =	sshrl.u32 @!p0 s7, $0x3;
	s13 =	sadd.s32 s6, s10;
	s6 =	smul.u32 $0x2700, s1  }
0x12: {  	s10 =	sadd.s32 $0x5BE00, s10;
	p2 =	por @!p0 p2, p1;
	p1 =	por !p1, p0  }
0x13: {  	s12 =	sadd.s32 $0x83000, s13;
	s13 =	sadd.s32 $0x2E00, s13;
	p2 =	por p2, p0  }
0x14: {  	s20 =	sshrl.u32 @!p1 s20, $0x3;
	s8 =	sadd.s32 s4, s6;
	s21 =	sshrl.u32 @!p2 s9, $0x3  }
.LBB2_1:
0x15: {  	[spmem:s17], [sflag:s16] =	dma.local @p0 [hbm:s11], $0x2780  }
0x16: {  	s29 =	simm.s32 @p0 $0x2  }
0x17: {  	_ =	swait.ge @p0 [sflag:s29], $0x2780  }
0x18: {  	[sflag:s29] =	ssyncset.done @p0 $0x0  }
0x19: {  	[sflag:s29] =	ssyncadd.s32 @p0 $0xFFFFD880;
	s29 =	simm.s32 @!p0 $0x2  }
0x1a: {  	[spmem:s19], [sflag:s18] =	dma.local @!p0 [hbm:s8], $0x2700  }
0x1b: {  	_ =	swait.ge @!p0 [sflag:s29], $0x2700  }
0x1c: {  	[sflag:s29] =	ssyncset.done @!p0 $0x0  }
0x1d: {  	[sflag:s29] =	ssyncadd.s32 @!p0 $0xFFFFD900;
	s29 =	simm.s32 @!p1 $0x2  }
0x1e: {  	[spmem:s20], [sflag:s18] =	dma.local @!p1 [hbm:s5], $0x700  }
0x1f: {  	_ =	swait.ge @!p1 [sflag:s29], $0x700  }
0x20: {  	[sflag:s29] =	ssyncset.done @!p1 $0x0  }
0x21: {  	[sflag:s29] =	ssyncadd.s32 @!p1 $0xFFFFF900;
	s29 =	simm.s32 @!p2 $0x2  }
0x22: {  	[spmem:s21], [sflag:s18] =	dma.local @!p2 [hbm:s10], $0x100  }
0x23: {  	_ =	swait.ge @!p2 [sflag:s29], $0x100  }
0x24: {  	[sflag:s29] =	ssyncset.done @!p2 $0x0  }
0x25: {  	[sflag:s29] =	ssyncadd.s32 @!p2 $0xFFFFFF00  }
0x26: {  	[tilespmem:s3], [sflag:$0x2] =	stream.linear.gather [hbm4b:s12+s3], $0x2780, $0x38;
	[tilespmem:$0x1CC00] =	vst v63  }
0x27: {  	_ =	swait.ge [sflag:s22], $0x2780  }
0x28: {  	[sflag:s22] =	ssyncset.done $0x0  }
0x29: {  	[sflag:s22] =	ssyncadd.s32 $0xFFFFD880  }
0x2a: {  	[tilespmem:s23], [sflag:$0x2] =	stream.linear.gather [hbm4b:s13+s3], $0x2780, $0x38;
	[tilespmem:$0x1CC00] =	vst v63  }
0x2b: {  	_ =	swait.ge [sflag:s22], $0x2780  }
0x2c: {  	[sflag:s22] =	ssyncset.done $0x0  }
0x2d: {  	[sflag:s22] =	ssyncadd.s32 $0xFFFFD880  }
0x2e: {  	s29 =	simm.s32 $0x0;
	[bflag:$0x0] =	sbarrier.arrive $0xFFFF  }
0x2f: {  	[tilespmem:s25], [sflag:$0x1] =	stream.indirect.gather [hbm4b:s4+s24], $0x80, s29, s24, $0xb8;
	[tilespmem:$0x1CC00] =	vst v63  }
0x30: {  	_ =	swait.ge [sflag:s26], $0x4000  }
0x31: {  	[sflag:s26] =	ssyncset.done $0x0  }
0x32: {  	s29 =	simm.s32 $0x2800;
	[sflag:s26] =	ssyncadd.s32 $0xFFFFC000  }
0x33: {  	[spmem:s2] =	stream.indirect.scatter.add.f32 [tilespmem:s25], [sflag:$0x2], $0x80, s29, s24, $0xb8;
	[tilespmem:$0x1CC00] =	vst v63  }
0x34: {  	_ =	swait.ge [sflag:s22], $0x4000  }
0x35: {  	s30 =	simm.s32 $0x400;
	s29 =	simm.s32 $0x200;
	[sflag:s22] =	ssyncset.done $0x0  }
.LBB2_2:
0x36: {  	s31 =	sshra.s32 s29, $0x2  }
0x37: {  	[sflag:s22] =	ssyncadd.s32 $0xFFFFC000;
	s29 =	smov.u32 s30;
	s0 =	sadd.s32 $0x200, s30  }
0x38: {  	[tilespmem:s25], [sflag:$0x1] =	stream.indirect.gather [hbm4b:s4+s24], $0x80, s31, s24, $0xb8;
	[tilespmem:$0x1CC00] =	vst v63  }
0x39: {  	p4 =	sne.s32 s30, $0x9C00;
	_ =	swait.ge [sflag:s26], $0x4000  }
.Ltmp0:
0x3a: {  	[sflag:s26] =	ssyncset.done $0x0;
	(pc) =	sbr.rel @p4 .LBB2_2-.Ltmp0, $4  }
0x3b: {  	s30 =	sadd.s32 $0x2800, s31;
	[sflag:s26] =	ssyncadd.s32 $0xFFFFC000  }
0x3c: {  	[spmem:s2] =	stream.indirect.scatter.add.f32 [tilespmem:s25], [sflag:$0x2], $0x80, s30, s24, $0xb8;
	[tilespmem:$0x1CC00] =	vst v63  }
0x3d: {  	_ =	swait.ge [sflag:s22], $0x4000  }
0x3e: {  	s30 =	smov.u32 s0;
	[sflag:s22] =	ssyncset.done $0x0  }
0x3f: {  	s0 =	sshra.s32 s29, $0x2;
	[sflag:s22] =	ssyncadd.s32 $0xFFFFC000  }
0x40: {  	[tilespmem:s25], [sflag:$0x1] =	stream.indirect.gather [hbm4b:s4+s24], $0x80, s0, s24, $0xb8;
	[tilespmem:$0x1CC00] =	vst v63  }
0x41: {  	_ =	swait.ge [sflag:s26], $0x4000  }
0x42: {  	[sflag:s26] =	ssyncset.done $0x0  }
0x43: {  	s0 =	sadd.s32 $0x2800, s0;
	[sflag:s26] =	ssyncadd.s32 $0xFFFFC000  }
0x44: {  	[spmem:s2] =	stream.indirect.scatter.add.f32 [tilespmem:s25], [sflag:$0x2], $0x80, s0, s24, $0xb8;
	[tilespmem:$0x1CC00] =	vst v63  }
0x45: {  	_ =	swait.ge [sflag:s22], $0x4000  }
0x46: {  	[sflag:s22] =	ssyncset.done $0x0  }
0x47: {  	s30 =	sshll.u32 s1, $0x6;
	s31 =	sadd.s32 s6, s14;
	[sflag:s22] =	ssyncadd.s32 $0xFFFFC000  }
0x48: {  	s0 =	sor.u32 $0x1C02, s30;
	s30 =	sshrl.u32 s7, $0x3;
	[bflag:$0x0] =	sbarrier.arrive $0xFFFF  }
0x49: {  	[hbm:s31], [sflag:s0] =	dma.local [spmem:s30], $0x2700  }
0x4a: {  	_ =	swait.ge [sflag:s22], $0x2700  }
0x4b: {  	s29 =	sadd.s32 @!p3 $0x27000, s14;
	s28 =	sadd.s32 $0x1, s28;
	[sflag:s22] =	ssyncset.done $0x0  }
0x4c: {  	p4 =	sne.s32 s28, s15;
	s30 =	sshrl.u32 @!p3 s9, $0x3;
	[sflag:s22] =	ssyncadd.s32 $0xFFFFD900  }
0x4d: {  	[hbm:s29], [sflag:s0] =	dma.local @!p3 [spmem:s30], $0x100  }
.Ltmp1:
0x4e: {  	_ = 	snop;
	(pc) =	sbr.rel @p4 .LBB2_1-.Ltmp1, $4  }
0x4f: {  	s0 =	simm.s32 @!p3 $0x2  }
0x50: {  	_ =	swait.ge @!p3 [sflag:s0], $0x100  }
0x51: {  	[sflag:s0] =	ssyncset.done @!p3 $0x0  }
0x52: {  	[sflag:s0] =	ssyncadd.s32 @!p3 $0xFFFFFF00  }
0x53: {  	_ =	sfence.sel $0x180000  }
0x54: {  	[bflag:$0x0] =	sbarrier.arrive $0xFFFF  }
0x55: {  	_ =	strace $0x9000004D  }
0x56: {  	[bflag:$0x2] =	sbarrier.arrive $0xFFFF  }
0x57: {  	p0 =	sne.s32 s1, $0x0;
	s0 =	rddreg [dreg:$0x2]  }
0x58: {  	s0 =	sadd.s32 @!p0 $0x100000, s0  }
0x59: {  	[sflag:s0] =	ssyncadd.tile.s32 @!p0 $0x1;
	_ =	shalt  }
.Lfunc_end2:
_tile_overlayer_lowered:
.L_overlay_start_2:
0x5a: {  	(tag) =	ssettag $0x2  }
0x5b: {  	s0 =	rddreg [dreg:$0x0];
	s2 =	stileid.u32  }
0x5c: {  	s1 =	rddreg [dreg:$0x1];
	p0 =	sne.s32 s2, $0x0  }
0x5d: {  	s3 =	rddreg [dreg:$0x2];
	[bflag:$0x3] =	sbarrier.arrive $0xFFFF;
	s2 =	simm.s32 @!p0 $0x1C02  }
0x5e: {  	[timem:s3], [sflag:s2] =	dma.local @!p0 [hbm:s0], s1  }
0x5f: {  	s0 =	simm.s32 @!p0 $0x2  }
0x60: {  	_ =	swait.ge @!p0 [sflag:s0], s1  }
0x61: {  	s1 =	ssub.s32 @!p0 $0x0, s1;
	[sflag:s0] =	ssyncset.done @!p0 $0x0  }
0x62: {  	[sflag:s0] =	ssyncadd.s32 @!p0 s1  }
0x63: {  	[bflag:$0x3] =	sbarrier.arrive $0xFFFF  }
0x64: {  	_ =	shalt  }

// kernel: kernel.21.cloned.1.call-start
scs
__scs_entry_jumppad:
0x0: {  	(pc) =	sbr.rel $0x88, $3  }
0x1: {  	(tag) =	ssettag $0x0;
	lr =	simm.s32 $0x1  }
0x2: {  	[smem:$0x3F93] =	sst lr;
	_ =	strace $0xD0000000  }
0x3: {  	_ = 	snop  }
0x4: {  	_ = 	snop  }
0x5: {  	_ = 	snop  }
0x6: {  	_ = 	snop  }
0x7: {  	_ = 	snop  }
__scs_overlays_trampoline_lowered:
0x8: {  	[smem:$0x3FA2] =	sst s0  }
0x9: {  	[smem:$0x3FA3] =	sst s1  }
0xa: {  	[smem:$0x3FA4] =	sst s2  }
0xb: {  	[smem:$0x3FA5] =	sst s3  }
0xc: {  	[smem:$0x3FA6] =	sst s4  }
0xd: {  	[smem:$0x3FA7] =	sst s5  }
0xe: {  	[smem:$0x3FA8] =	sst s6  }
0xf: {  	[smem:$0x3FA9] =	sst s7  }
0x10: {  	[smem:$0x3FAA] =	sst s8  }
0x11: {  	[smem:$0x3FAB] =	sst s9;
	s0 =	simm.s32 @!p0 $0x0  }
0x12: {  	s1 =	sld [smem:$0x3F91];
	s0 =	simm.s32 @p0 $0x1  }
0x13: {  	[smem:$0x3FAC] =	sst s0;
	s0 =	simm.s32 @!p1 $0x0  }
0x14: {  	s2 =	sld [smem:$0x3F90];
	s0 =	simm.s32 @p1 $0x1  }
0x15: {  	[smem:$0x3FAD] =	sst s0;
	s0 =	simm.s32 @!p2 $0x0  }
0x16: {  	s3 =	sld [smem:$0x3FDB];
	s0 =	simm.s32 @p2 $0x1  }
0x17: {  	s4 =	simm.s32 $0x1BF5;
	[smem:$0x3FAF] =	sst s0  }
0x18: {  	s0 =	sld [smem:$0x3F92];
	_ =	swait.ge [sflag:s4], $0x0  }
0x19: {  	s7 =	sld [smem:$0x3F93]  }
0x1a: {  	s8 =	sadd.s32 $0xFFFFE003, lr  }
0x1b: {  	s9 =	sadd.s32 $0xFFFFFEF7, lr;
	s5 =	simm.s32 $0xFFFFFFFF;
	p2 =	slt.u32 s8, $0xFFFFF086  }
0x1c: {  	p1 =	slt.u32 s9, $0xF7A;
	s5 =	simm.s32 @!p2 $0x0  }
0x1d: {  	s5 =	simm.s32 @p1 $0x1;
	p0 =	seq.s32 s7, s2  }
0x1e: {  	s7 =	smul.u32 @!p0 $0xF7A, s2;
	p2 =	seq.s32 @!p0 s5, $0x0  }
0x1f: {  	s9 =	smul.u32 $0xF7A, s1;
	s8 =	simm.s32 @!p0 $0x1BF5;
	p2 =	por !p2, p0  }
0x20: {  	[sflag:s8] =	ssyncset.s32 @!p0 $0xFFFFF086;
	s6 =	sadd.s32 @!p0 s3, s7;
	s7 =	simm.s32 @!p0 $0x108  }
0x21: {  	s3 =	sadd.s32 s3, s9;
	s6 =	sadd.s32 @!p0 $0x88, s6;
	s7 =	simm.s32 @p2 $0x1082  }
0x22: {  	[simem:s7], [sflag:s8] =	dma.local @!p0 [hbm:s6], $0xF7A  }
0x23: {  	s9 =	sor.u32 $0xD0000000, s2;
	s6 =	simm.s32 $0x108;
	_ =	swait.ge @!p0 [sflag:s8], $0x0  }
0x24: {  	s3 =	sadd.s32 $0x88, s3;
	s6 =	simm.s32 @!p1 $0x1082;
	[sflag:s4] =	ssyncset.s32 $0xFFFFF086  }
0x25: {  	[simem:s6], [sflag:s4] =	dma.local [hbm:s3], $0xF7A  }
0x26: {  	[smem:$0x3F93] =	sst s1;
	(tag) =	ssettag s2;
	_ =	strace s9  }
0x27: {  	s1 =	sld [smem:$0x3FA3]  }
0x28: {  	s2 =	sld [smem:$0x3FA4]  }
0x29: {  	s4 =	sld [smem:$0x3FA6]  }
0x2a: {  	p0 =	seq.s32 s5, $0x0;
	s5 =	sld [smem:$0x3FA7]  }
0x2b: {  	s6 =	sld [smem:$0x3FA8]  }
0x2c: {  	s7 =	sld [smem:$0x3FA9]  }
0x2d: {  	s3 =	simm.s32 $0x108;
	s8 =	sld [smem:$0x3FAA]  }
0x2e: {  	s3 =	simm.s32 @!p0 $0x1082;
	s9 =	sld [smem:$0x3FAB]  }
0x2f: {  	lr =	sadd.s32 s0, s3;
	s0 =	sld [smem:$0x3FA2]  }
0x30: {  	s3 =	sld [smem:$0x3FA5]  }
0x31: {  	[smem:$0x3FAE] =	sst s10  }
0x32: {  	s10 =	sld [smem:$0x3FAC];
	_ =	sdelay $0x3  }
0x33: {  	p0 =	seq.s32 s10, $0x1;
	s10 =	sld [smem:$0x3FAE];
	_ =	sdelay $0x3  }
0x34: {  	[smem:$0x3FAE] =	sst s10  }
0x35: {  	s10 =	sld [smem:$0x3FAD];
	_ =	sdelay $0x3  }
0x36: {  	p1 =	seq.s32 s10, $0x1;
	s10 =	sld [smem:$0x3FAE];
	_ =	sdelay $0x3  }
0x37: {  	[smem:$0x3FAE] =	sst s10  }
0x38: {  	s10 =	sld [smem:$0x3FAF]  }
0x39: {  	_ = 	snop;
	(pc) =	sbr.ind lr, $3  }
0x3a: {  	_ = 	snop  }
0x3b: {  	_ = 	snop  }
0x3c: {  	p2 =	seq.s32 s10, $0x1;
	s10 =	sld [smem:$0x3FAE]  }
0x3d: {  	_ =	shalt  }
0x3e: {  	_ =	shalt  }
0x3f: {  	_ =	shalt  }
0x40: {  	_ =	shalt  }
0x41: {  	_ =	shalt  }
0x42: {  	_ =	shalt  }
0x43: {  	_ =	shalt  }
0x44: {  	_ =	shalt  }
0x45: {  	_ =	shalt  }
0x46: {  	_ =	shalt  }
0x47: {  	_ =	shalt  }
0x48: {  	_ =	shalt  }
0x49: {  	_ =	shalt  }
0x4a: {  	_ =	shalt  }
0x4b: {  	_ =	shalt  }
0x4c: {  	_ =	shalt  }
0x4d: {  	_ =	shalt  }
0x4e: {  	_ =	shalt  }
0x4f: {  	_ =	shalt  }
0x50: {  	_ =	shalt  }
0x51: {  	_ =	shalt  }
0x52: {  	_ =	shalt  }
0x53: {  	_ =	shalt  }
0x54: {  	_ =	shalt  }
0x55: {  	_ =	shalt  }
0x56: {  	_ =	shalt  }
0x57: {  	_ =	shalt  }
0x58: {  	_ =	shalt  }
0x59: {  	_ =	shalt  }
0x5a: {  	_ =	shalt  }
0x5b: {  	_ =	shalt  }
0x5c: {  	_ =	shalt  }
0x5d: {  	_ =	shalt  }
0x5e: {  	_ =	shalt  }
0x5f: {  	_ =	shalt  }
0x60: {  	_ =	shalt  }
0x61: {  	_ =	shalt  }
0x62: {  	_ =	shalt  }
0x63: {  	_ =	shalt  }
0x64: {  	_ =	shalt  }
0x65: {  	_ =	shalt  }
0x66: {  	_ =	shalt  }
0x67: {  	_ =	shalt  }
0x68: {  	_ =	shalt  }
0x69: {  	_ =	shalt  }
0x6a: {  	_ =	shalt  }
0x6b: {  	_ =	shalt  }
0x6c: {  	_ =	shalt  }
0x6d: {  	_ =	shalt  }
0x6e: {  	_ =	shalt  }
0x6f: {  	_ =	shalt  }
0x70: {  	_ =	shalt  }
0x71: {  	_ =	shalt  }
0x72: {  	_ =	shalt  }
0x73: {  	_ =	shalt  }
0x74: {  	_ =	shalt  }
0x75: {  	_ =	shalt  }
0x76: {  	_ =	shalt  }
0x77: {  	_ =	shalt  }
0x78: {  	_ =	shalt  }
0x79: {  	_ =	shalt  }
0x7a: {  	_ =	shalt  }
0x7b: {  	_ =	shalt  }
0x7c: {  	_ =	shalt  }
0x7d: {  	_ =	shalt  }
0x7e: {  	_ =	shalt  }
0x7f: {  	_ =	shalt  }
0x80: {  	_ =	shalt  }
0x81: {  	_ =	shalt  }
0x82: {  	_ =	shalt  }
0x83: {  	_ =	shalt  }
0x84: {  	_ =	shalt  }
0x85: {  	_ =	shalt  }
0x86: {  	_ =	shalt  }
0x87: {  	_ =	shalt  }
.Lfunc_end0:
.L_simem_size_0:
called_computation.3_lowered:
.L_overlay_start_0:
0x88: {  	s2 =	sld [smem:$0x3FD9]  }
0x89: {  	s3 =	sld [smem:$0x3FFE];
	_ =	sdelay $0x1  }
0x8a: {  	s1 =	srdreg.scid  }
0x8b: {  	s0 =	sand.u32 $0x1, s1  }
0x8c: {  	s16 =	sshll.u32 s0, $0xA;
	s2 =	sadd.s32 s3, s2  }
0x8d: {  	s2 =	sadd.s32 s2, s16  }
0x8e: {  	[smem:$0x3FBA] =	sst s2  }
0x8f: {  	_ = 	snop  }
0x90: {  	(tm) =	ssettm $0x1  }
0x91: {  	s17 =	sld [smem:$0x3FFB];
	_ =	sdelay $0x3  }
0x92: {  	_ =	strace s17  }
0x93: {  	s2 =	sld [smem:$0x3FFC];
	_ =	sdelay $0x3  }
0x94: {  	_ =	strace s2  }
0x95: {  	s2 =	sld [smem:$0x3FFD];
	_ =	sdelay $0x3  }
0x96: {  	_ =	strace s2  }
0x97: {  	_ =	strace $0x8FFFFFFF  }
0x98: {  	s18 =	sld [smem:$0x3FDB];
	_ =	sdelay $0x1  }
0x99: {  	s19 =	simm.s32 $_scs_section_size  }
0x9a: {  	s4 =	simm.s32 $_size__tile_overlayer_lowered;
	s5 =	simm.s32 $_tile_overlayer_lowered  }
0x9b: {  	s22 =	simm.s32 $0x1BFF;
	s21 =	sshll.u32 s5, $0x1;
	s2 =	sadd.s32 s19, s18  }
0x9c: {  	s6 =	simm.s32 $0x0;
	s20 =	sshll.u32 s4, $0x1;
	s4 =	sadd.s32 s21, s2  }
0x9d: {  	[timem:s6], [sflag:s22] =	dma.local [hbm:s4], s20  }
0x9e: {  	_ =	swait.ge [sflag:s22], s20  }
0x9f: {  	s3 =	ssub.s32 $0x0, s20;
	[sflag:s22] =	ssyncset.done $0x0  }
0xa0: {  	[sflag:s22] =	ssyncadd.s32 s3;
	_ =	sdelay $0x1  }
0xa1: {  	s23 =	simm.s32 $0x1B8B  }
0xa2: {  	_ =	swait.ge [sflag:s23], $0x1  }
0xa3: {  	[sflag:s23] =	ssyncset.done $0x0  }
0xa4: {  	s25 =	simm.s32 $0x1B8E;
	s24 =	sld [smem:$0x3FFE];
	[sflag:s23] =	ssyncadd.s32 $0xFFFFFFFF  }
0xa5: {  	s26 =	simm.s32 $execute0_lowered;
	[smem:$0x3FD2] =	sst s25  }
0xa6: {  	s4 =	sshll.u32 s26, $0x1;
	_ =	strace $0x8000004F;
	[dreg:$0x1] =	wrdreg $0xFFFFFFFF  }
0xa7: {  	s28 =	simm.s32 $_size_execute0_lowered;
	s2 =	sadd.s32 s2, s4;
	[dreg:$0x0] =	wrdreg $0x0  }
0xa8: {  	s4 =	sshll.u32 s28, $0x1;
	[dreg:$0x2] =	wrdreg s2  }
0xa9: {  	[dreg:$0x3] =	wrdreg s4  }
0xaa: {  	[dreg:$0x4] =	wrdreg $0xC0  }
0xab: {  	_ =	task [dreg:s6], $0x5FFFF  }
0xac: {  	[dreg:$0x1] =	wrdreg $0xFFFFFFFF  }
0xad: {  	[dreg:$0x0] =	wrdreg $0x60  }
0xae: {  	[dreg:$0x2] =	wrdreg s24  }
0xaf: {  	[dreg:$0x3] =	wrdreg $0x90000  }
0xb0: {  	[dreg:$0x4] =	wrdreg $0x9  }
0xb1: {  	_ =	task.clear_ibuf [dreg:s6], $0x5FFFF;
	_ =	strace $0x9000004F  }
0xb2: {  	s29 =	simm.s32 $0x9;
	_ =	strace $0x80000051  }
0xb3: {  	_ =	swait.ge [sflag:s29], $0x1  }
0xb4: {  	[sflag:s29] =	ssyncadd.s32 $0xFFFFFFFF  }
0xb5: {  	_ =	strace $0x90000051  }
0xb6: {  	_ =	sfence  }
0xb7: {  	s30 =	sld [smem:$0x0];
	_ =	sdelay $0x2  }
0xb8: {  	s31 =	sshll.u32 s1, $0xD;
	s1 =	sshrl.u32 s1, $0x2  }
0xb9: {  	s3 =	sand.u32 $0x4000, s31;
	s1 =	sadd.s32 s1, s30  }
0xba: {  	s0 =	sor.u32 s3, s0;
	s1 =	sshll.u32 s1, $0x11  }
0xbb: {  	s0 =	sor.u32 s1, s0  }
0xbc: {  	s0 =	sadd.s32 $0x8F2B, s0  }
0xbd: {  	[sflag:s0] =	ssyncadd.remote.s32 $0x1  }
0xbe: {  	_ =	sfence.sel $0xFFFF  }
0xbf: {  	[dreg:$0x0] =	wrdreg $0xFFFFFFFF;
	(pc) =	sbr.abs _section_cstart, $3  }
0xc0: {  	[dreg:$0x1] =	wrdreg $0xFFFFFFFF  }
0xc1: {  	_ =	task.clear_ibuf [dreg:s6], $0x2FFFF;
	_ =	strace $0x9FFFFFFF  }
0xc2: {  	(tm) =	ssettm $0x7FFFFFFF  }
0xc3: {  	_ =	shalt  }
tec
execute0_lowered:
.L_overlay_start_1:
0x0: {  	(tag) =	ssettag $0x1  }
0x1: {  	s0 =	srdreg.scid;
	s10 =	rddreg [dreg:$0x0]  }
0x2: {  	s2 =	rddreg [dreg:$0x1];
	s1 =	stileid.u32  }
0x3: {  	s3 =	simm.s32 $0x0;
	s22 =	simm.s32 $0x2;
	s23 =	simm.s32 $0x2800  }
0x4: {  	s24 =	simm.s32 $0x80;
	s25 =	simm.s32 $0x5000;
	s26 =	simm.s32 $0x1  }
0x5: {  	s28 =	simm.s32 $0x0;
	s7 =	sand.u32 $0x1, s0;
	s11 =	smul.u32 $0x4E000, s1  }
0x6: {  	[smem:$0x7FF] =	sst s3;
	s5 =	sadd.s32 $0xD600, s10;
	s31 =	smul.u32 $0x4F000, s1  }
0x7: {  	s20 =	sadd.s32 $0x138800, s2;
	s12 =	smul.u32 $0x2780, s1;
	p3 =	sne.s32 s1, $0xF  }
0x8: {  	s4 =	sshll.u32 s7, $0x4;
	_ =	strace $0x80000050;
	s8 =	smul.u32 $0x27100, s7  }
0x9: {  	s9 =	ssub.s32 $0x2, s7;
	p0 =	seq.s32 s7, $0x1;
	s4 =	sor.u32 s1, s4  }
0xa: {  	s29 =	sshrl.u32 s9, $0x1;
	s30 =	sshrl.u32 s11, $0x2;
	s11 =	sshrl.u32 s31, $0x2  }
0xb: {  	p1 =	seq.s32 @!p0 s1, $0x0;
	s16 =	sshll.u32 @p0 s1, $0x6;
	s18 =	sshll.u32 @!p0 s1, $0x6  }
0xc: {  	s6 =	smul.u32 $0x500, s4;
	s4 =	sadd.s32 $0x34E00, s10;
	s14 =	sadd.s32 s8, s10  }
0xd: {  	s15 =	ssub.s32 s9, s29;
	s7 =	sadd.s32 s30, s2;
	s9 =	sadd.s32 $0x138000, s2  }
0xe: {  	s17 =	sadd.s32 s11, s2;
	s11 =	sadd.s32 s5, s12;
	p2 =	por p1, p0  }
0xf: {  	s16 =	sor.u32 @p0 $0x1C02, s16;
	s18 =	sor.u32 @!p0 $0x1C02, s18;
	s14 =	sadd.s32 $0x8D000, s14  }
0x10: {  	s15 =	smax.u32 s15, $0x1;
	p2 =	sne.s32 @!p2 s1, $0xF;
	s17 =	sshrl.u32 @p0 s17, $0x3  }
0x11: {  	s19 =	sshrl.u32 @!p0 s7, $0x3;
	s13 =	sadd.s32 s6, s10;
	s6 =	smul.u32 $0x2700, s1  }
0x12: {  	s10 =	sadd.s32 $0x5BE00, s10;
	p2 =	por @!p0 p2, p1;
	p1 =	por !p1, p0  }
0x13: {  	s12 =	sadd.s32 $0x83000, s13;
	s13 =	sadd.s32 $0x2E00, s13;
	p2 =	por p2, p0  }
0x14: {  	s20 =	sshrl.u32 @!p1 s20, $0x3;
	s8 =	sadd.s32 s4, s6;
	s21 =	sshrl.u32 @!p2 s9, $0x3  }
.LBB2_1:
0x15: {  	[spmem:s17], [sflag:s16] =	dma.local @p0 [hbm:s11], $0x2780  }
0x16: {  	s29 =	simm.s32 @p0 $0x2  }
0x17: {  	_ =	swait.ge @p0 [sflag:s29], $0x2780  }
0x18: {  	[sflag:s29] =	ssyncset.done @p0 $0x0  }
0x19: {  	[sflag:s29] =	ssyncadd.s32 @p0 $0xFFFFD880;
	s29 =	simm.s32 @!p0 $0x2  }
0x1a: {  	[spmem:s19], [sflag:s18] =	dma.local @!p0 [hbm:s8], $0x2700  }
0x1b: {  	_ =	swait.ge @!p0 [sflag:s29], $0x2700  }
0x1c: {  	[sflag:s29] =	ssyncset.done @!p0 $0x0  }
0x1d: {  	[sflag:s29] =	ssyncadd.s32 @!p0 $0xFFFFD900;
	s29 =	simm.s32 @!p1 $0x2  }
0x1e: {  	[spmem:s20], [sflag:s18] =	dma.local @!p1 [hbm:s5], $0x700  }
0x1f: {  	_ =	swait.ge @!p1 [sflag:s29], $0x700  }
0x20: {  	[sflag:s29] =	ssyncset.done @!p1 $0x0  }
0x21: {  	[sflag:s29] =	ssyncadd.s32 @!p1 $0xFFFFF900;
	s29 =	simm.s32 @!p2 $0x2  }
0x22: {  	[spmem:s21], [sflag:s18] =	dma.local @!p2 [hbm:s10], $0x100  }
0x23: {  	_ =	swait.ge @!p2 [sflag:s29], $0x100  }
0x24: {  	[sflag:s29] =	ssyncset.done @!p2 $0x0  }
0x25: {  	[sflag:s29] =	ssyncadd.s32 @!p2 $0xFFFFFF00  }
0x26: {  	[tilespmem:s3], [sflag:$0x2] =	stream.linear.gather [hbm4b:s12+s3], $0x2780, $0x38;
	[tilespmem:$0x1CC00] =	vst v63  }
0x27: {  	_ =	swait.ge [sflag:s22], $0x2780  }
0x28: {  	[sflag:s22] =	ssyncset.done $0x0  }
0x29: {  	[sflag:s22] =	ssyncadd.s32 $0xFFFFD880  }
0x2a: {  	[tilespmem:s23], [sflag:$0x2] =	stream.linear.gather [hbm4b:s13+s3], $0x2780, $0x38;
	[tilespmem:$0x1CC00] =	vst v63  }
0x2b: {  	_ =	swait.ge [sflag:s22], $0x2780  }
0x2c: {  	[sflag:s22] =	ssyncset.done $0x0  }
0x2d: {  	[sflag:s22] =	ssyncadd.s32 $0xFFFFD880  }
0x2e: {  	s29 =	simm.s32 $0x0;
	[bflag:$0x0] =	sbarrier.arrive $0xFFFF  }
0x2f: {  	[tilespmem:s25], [sflag:$0x1] =	stream.indirect.gather [hbm4b:s4+s24], $0x80, s29, s24, $0xb8;
	[tilespmem:$0x1CC00] =	vst v63  }
0x30: {  	_ =	swait.ge [sflag:s26], $0x4000  }
0x31: {  	[sflag:s26] =	ssyncset.done $0x0  }
0x32: {  	s29 =	simm.s32 $0x2800;
	[sflag:s26] =	ssyncadd.s32 $0xFFFFC000  }
0x33: {  	[spmem:s2] =	stream.indirect.scatter.add.f32 [tilespmem:s25], [sflag:$0x2], $0x80, s29, s24, $0xb8;
	[tilespmem:$0x1CC00] =	vst v63  }
0x34: {  	_ =	swait.ge [sflag:s22], $0x4000  }
0x35: {  	s30 =	simm.s32 $0x400;
	s29 =	simm.s32 $0x200;
	[sflag:s22] =	ssyncset.done $0x0  }
.LBB2_2:
0x36: {  	s31 =	sshra.s32 s29, $0x2  }
0x37: {  	[sflag:s22] =	ssyncadd.s32 $0xFFFFC000;
	s29 =	smov.u32 s30;
	s0 =	sadd.s32 $0x200, s30  }
0x38: {  	[tilespmem:s25], [sflag:$0x1] =	stream.indirect.gather [hbm4b:s4+s24], $0x80, s31, s24, $0xb8;
	[tilespmem:$0x1CC00] =	vst v63  }
0x39: {  	p4 =	sne.s32 s30, $0x9C00;
	_ =	swait.ge [sflag:s26], $0x4000  }
.Ltmp0:
0x3a: {  	[sflag:s26] =	ssyncset.done $0x0;
	(pc) =	sbr.rel @p4 .LBB2_2-.Ltmp0, $4  }
0x3b: {  	s30 =	sadd.s32 $0x2800, s31;
	[sflag:s26] =	ssyncadd.s32 $0xFFFFC000  }
0x3c: {  	[spmem:s2] =	stream.indirect.scatter.add.f32 [tilespmem:s25], [sflag:$0x2], $0x80, s30, s24, $0xb8;
	[tilespmem:$0x1CC00] =	vst v63  }
0x3d: {  	_ =	swait.ge [sflag:s22], $0x4000  }
0x3e: {  	s30 =	smov.u32 s0;
	[sflag:s22] =	ssyncset.done $0x0  }
0x3f: {  	s0 =	sshra.s32 s29, $0x2;
	[sflag:s22] =	ssyncadd.s32 $0xFFFFC000  }
0x40: {  	[tilespmem:s25], [sflag:$0x1] =	stream.indirect.gather [hbm4b:s4+s24], $0x80, s0, s24, $0xb8;
	[tilespmem:$0x1CC00] =	vst v63  }
0x41: {  	_ =	swait.ge [sflag:s26], $0x4000  }
0x42: {  	[sflag:s26] =	ssyncset.done $0x0  }
0x43: {  	s0 =	sadd.s32 $0x2800, s0;
	[sflag:s26] =	ssyncadd.s32 $0xFFFFC000  }
0x44: {  	[spmem:s2] =	stream.indirect.scatter.add.f32 [tilespmem:s25], [sflag:$0x2], $0x80, s0, s24, $0xb8;
	[tilespmem:$0x1CC00] =	vst v63  }
0x45: {  	_ =	swait.ge [sflag:s22], $0x4000  }
0x46: {  	[sflag:s22] =	ssyncset.done $0x0  }
0x47: {  	s30 =	sshll.u32 s1, $0x6;
	s31 =	sadd.s32 s6, s14;
	[sflag:s22] =	ssyncadd.s32 $0xFFFFC000  }
0x48: {  	s0 =	sor.u32 $0x1C02, s30;
	s30 =	sshrl.u32 s7, $0x3;
	[bflag:$0x0] =	sbarrier.arrive $0xFFFF  }
0x49: {  	[hbm:s31], [sflag:s0] =	dma.local [spmem:s30], $0x2700  }
0x4a: {  	_ =	swait.ge [sflag:s22], $0x2700  }
0x4b: {  	s29 =	sadd.s32 @!p3 $0x27000, s14;
	s28 =	sadd.s32 $0x1, s28;
	[sflag:s22] =	ssyncset.done $0x0  }
0x4c: {  	p4 =	sne.s32 s28, s15;
	s30 =	sshrl.u32 @!p3 s9, $0x3;
	[sflag:s22] =	ssyncadd.s32 $0xFFFFD900  }
0x4d: {  	[hbm:s29], [sflag:s0] =	dma.local @!p3 [spmem:s30], $0x100  }
.Ltmp1:
0x4e: {  	_ = 	snop;
	(pc) =	sbr.rel @p4 .LBB2_1-.Ltmp1, $4  }
0x4f: {  	s0 =	simm.s32 @!p3 $0x2  }
0x50: {  	_ =	swait.ge @!p3 [sflag:s0], $0x100  }
0x51: {  	[sflag:s0] =	ssyncset.done @!p3 $0x0  }
0x52: {  	[sflag:s0] =	ssyncadd.s32 @!p3 $0xFFFFFF00  }
0x53: {  	_ =	sfence.sel $0x180000  }
0x54: {  	[bflag:$0x0] =	sbarrier.arrive $0xFFFF  }
0x55: {  	_ =	strace $0x90000050  }
0x56: {  	[bflag:$0x2] =	sbarrier.arrive $0xFFFF  }
0x57: {  	p0 =	sne.s32 s1, $0x0;
	s0 =	rddreg [dreg:$0x2]  }
0x58: {  	s0 =	sadd.s32 @!p0 $0x100000, s0  }
0x59: {  	[sflag:s0] =	ssyncadd.tile.s32 @!p0 $0x1;
	_ =	shalt  }
.Lfunc_end2:
_tile_overlayer_lowered:
.L_overlay_start_2:
0x5a: {  	(tag) =	ssettag $0x2  }
0x5b: {  	s0 =	rddreg [dreg:$0x0];
	s2 =	stileid.u32  }
0x5c: {  	s1 =	rddreg [dreg:$0x1];
	p0 =	sne.s32 s2, $0x0  }
0x5d: {  	s3 =	rddreg [dreg:$0x2];
	[bflag:$0x3] =	sbarrier.arrive $0xFFFF;
	s2 =	simm.s32 @!p0 $0x1C02  }
0x5e: {  	[timem:s3], [sflag:s2] =	dma.local @!p0 [hbm:s0], s1  }
0x5f: {  	s0 =	simm.s32 @!p0 $0x2  }
0x60: {  	_ =	swait.ge @!p0 [sflag:s0], s1  }
0x61: {  	s1 =	ssub.s32 @!p0 $0x0, s1;
	[sflag:s0] =	ssyncset.done @!p0 $0x0  }
0x62: {  	[sflag:s0] =	ssyncadd.s32 @!p0 s1  }
0x63: {  	[bflag:$0x3] =	sbarrier.arrive $0xFFFF  }
0x64: {  	_ =	shalt  }

// kernel: kernel.24.cloned.1.call-start
scs
__scs_entry_jumppad:
0x0: {  	(pc) =	sbr.rel $0x88, $3  }
0x1: {  	(tag) =	ssettag $0x0;
	lr =	simm.s32 $0x1  }
0x2: {  	[smem:$0x3F93] =	sst lr;
	_ =	strace $0xD0000000  }
0x3: {  	_ = 	snop  }
0x4: {  	_ = 	snop  }
0x5: {  	_ = 	snop  }
0x6: {  	_ = 	snop  }
0x7: {  	_ = 	snop  }
__scs_overlays_trampoline_lowered:
0x8: {  	[smem:$0x3FA2] =	sst s0  }
0x9: {  	[smem:$0x3FA3] =	sst s1  }
0xa: {  	[smem:$0x3FA4] =	sst s2  }
0xb: {  	[smem:$0x3FA5] =	sst s3  }
0xc: {  	[smem:$0x3FA6] =	sst s4  }
0xd: {  	[smem:$0x3FA7] =	sst s5  }
0xe: {  	[smem:$0x3FA8] =	sst s6  }
0xf: {  	[smem:$0x3FA9] =	sst s7  }
0x10: {  	[smem:$0x3FAA] =	sst s8  }
0x11: {  	[smem:$0x3FAB] =	sst s9;
	s0 =	simm.s32 @!p0 $0x0  }
0x12: {  	s1 =	sld [smem:$0x3F91];
	s0 =	simm.s32 @p0 $0x1  }
0x13: {  	[smem:$0x3FAC] =	sst s0;
	s0 =	simm.s32 @!p1 $0x0  }
0x14: {  	s2 =	sld [smem:$0x3F90];
	s0 =	simm.s32 @p1 $0x1  }
0x15: {  	[smem:$0x3FAD] =	sst s0;
	s0 =	simm.s32 @!p2 $0x0  }
0x16: {  	s3 =	sld [smem:$0x3FDB];
	s0 =	simm.s32 @p2 $0x1  }
0x17: {  	s4 =	simm.s32 $0x1BF5;
	[smem:$0x3FAF] =	sst s0  }
0x18: {  	s0 =	sld [smem:$0x3F92];
	_ =	swait.ge [sflag:s4], $0x0  }
0x19: {  	s7 =	sld [smem:$0x3F93]  }
0x1a: {  	s8 =	sadd.s32 $0xFFFFE003, lr  }
0x1b: {  	s9 =	sadd.s32 $0xFFFFFEF7, lr;
	s5 =	simm.s32 $0xFFFFFFFF;
	p2 =	slt.u32 s8, $0xFFFFF086  }
0x1c: {  	p1 =	slt.u32 s9, $0xF7A;
	s5 =	simm.s32 @!p2 $0x0  }
0x1d: {  	s5 =	simm.s32 @p1 $0x1;
	p0 =	seq.s32 s7, s2  }
0x1e: {  	s7 =	smul.u32 @!p0 $0xF7A, s2;
	p2 =	seq.s32 @!p0 s5, $0x0  }
0x1f: {  	s9 =	smul.u32 $0xF7A, s1;
	s8 =	simm.s32 @!p0 $0x1BF5;
	p2 =	por !p2, p0  }
0x20: {  	[sflag:s8] =	ssyncset.s32 @!p0 $0xFFFFF086;
	s6 =	sadd.s32 @!p0 s3, s7;
	s7 =	simm.s32 @!p0 $0x108  }
0x21: {  	s3 =	sadd.s32 s3, s9;
	s6 =	sadd.s32 @!p0 $0x88, s6;
	s7 =	simm.s32 @p2 $0x1082  }
0x22: {  	[simem:s7], [sflag:s8] =	dma.local @!p0 [hbm:s6], $0xF7A  }
0x23: {  	s9 =	sor.u32 $0xD0000000, s2;
	s6 =	simm.s32 $0x108;
	_ =	swait.ge @!p0 [sflag:s8], $0x0  }
0x24: {  	s3 =	sadd.s32 $0x88, s3;
	s6 =	simm.s32 @!p1 $0x1082;
	[sflag:s4] =	ssyncset.s32 $0xFFFFF086  }
0x25: {  	[simem:s6], [sflag:s4] =	dma.local [hbm:s3], $0xF7A  }
0x26: {  	[smem:$0x3F93] =	sst s1;
	(tag) =	ssettag s2;
	_ =	strace s9  }
0x27: {  	s1 =	sld [smem:$0x3FA3]  }
0x28: {  	s2 =	sld [smem:$0x3FA4]  }
0x29: {  	s4 =	sld [smem:$0x3FA6]  }
0x2a: {  	p0 =	seq.s32 s5, $0x0;
	s5 =	sld [smem:$0x3FA7]  }
0x2b: {  	s6 =	sld [smem:$0x3FA8]  }
0x2c: {  	s7 =	sld [smem:$0x3FA9]  }
0x2d: {  	s3 =	simm.s32 $0x108;
	s8 =	sld [smem:$0x3FAA]  }
0x2e: {  	s3 =	simm.s32 @!p0 $0x1082;
	s9 =	sld [smem:$0x3FAB]  }
0x2f: {  	lr =	sadd.s32 s0, s3;
	s0 =	sld [smem:$0x3FA2]  }
0x30: {  	s3 =	sld [smem:$0x3FA5]  }
0x31: {  	[smem:$0x3FAE] =	sst s10  }
0x32: {  	s10 =	sld [smem:$0x3FAC];
	_ =	sdelay $0x3  }
0x33: {  	p0 =	seq.s32 s10, $0x1;
	s10 =	sld [smem:$0x3FAE];
	_ =	sdelay $0x3  }
0x34: {  	[smem:$0x3FAE] =	sst s10  }
0x35: {  	s10 =	sld [smem:$0x3FAD];
	_ =	sdelay $0x3  }
0x36: {  	p1 =	seq.s32 s10, $0x1;
	s10 =	sld [smem:$0x3FAE];
	_ =	sdelay $0x3  }
0x37: {  	[smem:$0x3FAE] =	sst s10  }
0x38: {  	s10 =	sld [smem:$0x3FAF]  }
0x39: {  	_ = 	snop;
	(pc) =	sbr.ind lr, $3  }
0x3a: {  	_ = 	snop  }
0x3b: {  	_ = 	snop  }
0x3c: {  	p2 =	seq.s32 s10, $0x1;
	s10 =	sld [smem:$0x3FAE]  }
0x3d: {  	_ =	shalt  }
0x3e: {  	_ =	shalt  }
0x3f: {  	_ =	shalt  }
0x40: {  	_ =	shalt  }
0x41: {  	_ =	shalt  }
0x42: {  	_ =	shalt  }
0x43: {  	_ =	shalt  }
0x44: {  	_ =	shalt  }
0x45: {  	_ =	shalt  }
0x46: {  	_ =	shalt  }
0x47: {  	_ =	shalt  }
0x48: {  	_ =	shalt  }
0x49: {  	_ =	shalt  }
0x4a: {  	_ =	shalt  }
0x4b: {  	_ =	shalt  }
0x4c: {  	_ =	shalt  }
0x4d: {  	_ =	shalt  }
0x4e: {  	_ =	shalt  }
0x4f: {  	_ =	shalt  }
0x50: {  	_ =	shalt  }
0x51: {  	_ =	shalt  }
0x52: {  	_ =	shalt  }
0x53: {  	_ =	shalt  }
0x54: {  	_ =	shalt  }
0x55: {  	_ =	shalt  }
0x56: {  	_ =	shalt  }
0x57: {  	_ =	shalt  }
0x58: {  	_ =	shalt  }
0x59: {  	_ =	shalt  }
0x5a: {  	_ =	shalt  }
0x5b: {  	_ =	shalt  }
0x5c: {  	_ =	shalt  }
0x5d: {  	_ =	shalt  }
0x5e: {  	_ =	shalt  }
0x5f: {  	_ =	shalt  }
0x60: {  	_ =	shalt  }
0x61: {  	_ =	shalt  }
0x62: {  	_ =	shalt  }
0x63: {  	_ =	shalt  }
0x64: {  	_ =	shalt  }
0x65: {  	_ =	shalt  }
0x66: {  	_ =	shalt  }
0x67: {  	_ =	shalt  }
0x68: {  	_ =	shalt  }
0x69: {  	_ =	shalt  }
0x6a: {  	_ =	shalt  }
0x6b: {  	_ =	shalt  }
0x6c: {  	_ =	shalt  }
0x6d: {  	_ =	shalt  }
0x6e: {  	_ =	shalt  }
0x6f: {  	_ =	shalt  }
0x70: {  	_ =	shalt  }
0x71: {  	_ =	shalt  }
0x72: {  	_ =	shalt  }
0x73: {  	_ =	shalt  }
0x74: {  	_ =	shalt  }
0x75: {  	_ =	shalt  }
0x76: {  	_ =	shalt  }
0x77: {  	_ =	shalt  }
0x78: {  	_ =	shalt  }
0x79: {  	_ =	shalt  }
0x7a: {  	_ =	shalt  }
0x7b: {  	_ =	shalt  }
0x7c: {  	_ =	shalt  }
0x7d: {  	_ =	shalt  }
0x7e: {  	_ =	shalt  }
0x7f: {  	_ =	shalt  }
0x80: {  	_ =	shalt  }
0x81: {  	_ =	shalt  }
0x82: {  	_ =	shalt  }
0x83: {  	_ =	shalt  }
0x84: {  	_ =	shalt  }
0x85: {  	_ =	shalt  }
0x86: {  	_ =	shalt  }
0x87: {  	_ =	shalt  }
.Lfunc_end0:
.L_simem_size_0:
called_computation.4_lowered:
.L_overlay_start_0:
0x88: {  	s2 =	sld [smem:$0x3FD9]  }
0x89: {  	s3 =	sld [smem:$0x3FFE];
	_ =	sdelay $0x1  }
0x8a: {  	s1 =	srdreg.scid  }
0x8b: {  	s0 =	sand.u32 $0x1, s1  }
0x8c: {  	s16 =	sshll.u32 s0, $0xA;
	s2 =	sadd.s32 s3, s2  }
0x8d: {  	s2 =	sadd.s32 s2, s16  }
0x8e: {  	[smem:$0x3FBA] =	sst s2  }
0x8f: {  	_ = 	snop  }
0x90: {  	(tm) =	ssettm $0x1  }
0x91: {  	s17 =	sld [smem:$0x3FFB];
	_ =	sdelay $0x3  }
0x92: {  	_ =	strace s17  }
0x93: {  	s2 =	sld [smem:$0x3FFC];
	_ =	sdelay $0x3  }
0x94: {  	_ =	strace s2  }
0x95: {  	s2 =	sld [smem:$0x3FFD];
	_ =	sdelay $0x3  }
0x96: {  	_ =	strace s2  }
0x97: {  	_ =	strace $0x8FFFFFFF  }
0x98: {  	s18 =	sld [smem:$0x3FDB];
	_ =	sdelay $0x1  }
0x99: {  	s19 =	simm.s32 $_scs_section_size  }
0x9a: {  	s4 =	simm.s32 $_size__tile_overlayer_lowered;
	s5 =	simm.s32 $_tile_overlayer_lowered  }
0x9b: {  	s22 =	simm.s32 $0x1BFF;
	s21 =	sshll.u32 s5, $0x1;
	s2 =	sadd.s32 s19, s18  }
0x9c: {  	s6 =	simm.s32 $0x0;
	s20 =	sshll.u32 s4, $0x1;
	s4 =	sadd.s32 s21, s2  }
0x9d: {  	[timem:s6], [sflag:s22] =	dma.local [hbm:s4], s20  }
0x9e: {  	_ =	swait.ge [sflag:s22], s20  }
0x9f: {  	s3 =	ssub.s32 $0x0, s20;
	[sflag:s22] =	ssyncset.done $0x0  }
0xa0: {  	[sflag:s22] =	ssyncadd.s32 s3;
	_ =	sdelay $0x1  }
0xa1: {  	s23 =	simm.s32 $0x1B8B  }
0xa2: {  	_ =	swait.ge [sflag:s23], $0x1  }
0xa3: {  	[sflag:s23] =	ssyncset.done $0x0  }
0xa4: {  	s25 =	simm.s32 $0x1B8E;
	s24 =	sld [smem:$0x3FFE];
	[sflag:s23] =	ssyncadd.s32 $0xFFFFFFFF  }
0xa5: {  	s26 =	simm.s32 $execute0_lowered;
	[smem:$0x3FD2] =	sst s25  }
0xa6: {  	s4 =	sshll.u32 s26, $0x1;
	_ =	strace $0x80000052;
	[dreg:$0x1] =	wrdreg $0xFFFFFFFF  }
0xa7: {  	s28 =	simm.s32 $_size_execute0_lowered;
	s2 =	sadd.s32 s2, s4;
	[dreg:$0x0] =	wrdreg $0x0  }
0xa8: {  	s4 =	sshll.u32 s28, $0x1;
	[dreg:$0x2] =	wrdreg s2  }
0xa9: {  	[dreg:$0x3] =	wrdreg s4  }
0xaa: {  	[dreg:$0x4] =	wrdreg $0xC0  }
0xab: {  	_ =	task [dreg:s6], $0x5FFFF  }
0xac: {  	[dreg:$0x1] =	wrdreg $0xFFFFFFFF  }
0xad: {  	[dreg:$0x0] =	wrdreg $0x60  }
0xae: {  	[dreg:$0x2] =	wrdreg s24  }
0xaf: {  	[dreg:$0x3] =	wrdreg $0x90000  }
0xb0: {  	[dreg:$0x4] =	wrdreg $0x9  }
0xb1: {  	_ =	task.clear_ibuf [dreg:s6], $0x5FFFF;
	_ =	strace $0x90000052  }
0xb2: {  	s29 =	simm.s32 $0x9;
	_ =	strace $0x80000054  }
0xb3: {  	_ =	swait.ge [sflag:s29], $0x1  }
0xb4: {  	[sflag:s29] =	ssyncadd.s32 $0xFFFFFFFF  }
0xb5: {  	_ =	strace $0x90000054  }
0xb6: {  	_ =	sfence  }
0xb7: {  	s30 =	sld [smem:$0x0];
	_ =	sdelay $0x2  }
0xb8: {  	s31 =	sshll.u32 s1, $0xD;
	s1 =	sshrl.u32 s1, $0x2  }
0xb9: {  	s3 =	sand.u32 $0x4000, s31;
	s1 =	sadd.s32 s1, s30  }
0xba: {  	s0 =	sor.u32 s3, s0;
	s1 =	sshll.u32 s1, $0x11  }
0xbb: {  	s0 =	sor.u32 s1, s0  }
0xbc: {  	s0 =	sadd.s32 $0x8F2B, s0  }
0xbd: {  	[sflag:s0] =	ssyncadd.remote.s32 $0x1  }
0xbe: {  	_ =	sfence.sel $0xFFFF  }
0xbf: {  	[dreg:$0x0] =	wrdreg $0xFFFFFFFF;
	(pc) =	sbr.abs _section_cstart, $3  }
0xc0: {  	[dreg:$0x1] =	wrdreg $0xFFFFFFFF  }
0xc1: {  	_ =	task.clear_ibuf [dreg:s6], $0x2FFFF;
	_ =	strace $0x9FFFFFFF  }
0xc2: {  	(tm) =	ssettm $0x7FFFFFFF  }
0xc3: {  	_ =	shalt  }
tec
execute0_lowered:
.L_overlay_start_1:
0x0: {  	(tag) =	ssettag $0x1  }
0x1: {  	s0 =	srdreg.scid;
	s10 =	rddreg [dreg:$0x0]  }
0x2: {  	s2 =	rddreg [dreg:$0x1];
	s1 =	stileid.u32  }
0x3: {  	s3 =	simm.s32 $0x0;
	s22 =	simm.s32 $0x2;
	s23 =	simm.s32 $0x2800  }
0x4: {  	s24 =	simm.s32 $0x80;
	s25 =	simm.s32 $0x5000;
	s26 =	simm.s32 $0x1  }
0x5: {  	s28 =	simm.s32 $0x0;
	s7 =	sand.u32 $0x1, s0;
	s11 =	smul.u32 $0x4E000, s1  }
0x6: {  	[smem:$0x7FF] =	sst s3;
	s5 =	sadd.s32 $0xD600, s10;
	s31 =	smul.u32 $0x4F000, s1  }
0x7: {  	s20 =	sadd.s32 $0x138800, s2;
	s12 =	smul.u32 $0x2780, s1;
	p3 =	sne.s32 s1, $0xF  }
0x8: {  	s4 =	sshll.u32 s7, $0x4;
	_ =	strace $0x80000053;
	s8 =	smul.u32 $0x27100, s7  }
0x9: {  	s9 =	ssub.s32 $0x2, s7;
	p0 =	seq.s32 s7, $0x1;
	s4 =	sor.u32 s1, s4  }
0xa: {  	s29 =	sshrl.u32 s9, $0x1;
	s30 =	sshrl.u32 s11, $0x2;
	s11 =	sshrl.u32 s31, $0x2  }
0xb: {  	p1 =	seq.s32 @!p0 s1, $0x0;
	s16 =	sshll.u32 @p0 s1, $0x6;
	s18 =	sshll.u32 @!p0 s1, $0x6  }
0xc: {  	s6 =	smul.u32 $0x500, s4;
	s4 =	sadd.s32 $0x34E00, s10;
	s14 =	sadd.s32 s8, s10  }
0xd: {  	s15 =	ssub.s32 s9, s29;
	s7 =	sadd.s32 s30, s2;
	s9 =	sadd.s32 $0x138000, s2  }
0xe: {  	s17 =	sadd.s32 s11, s2;
	s11 =	sadd.s32 s5, s12;
	p2 =	por p1, p0  }
0xf: {  	s16 =	sor.u32 @p0 $0x1C02, s16;
	s18 =	sor.u32 @!p0 $0x1C02, s18;
	s14 =	sadd.s32 $0x8D000, s14  }
0x10: {  	s15 =	smax.u32 s15, $0x1;
	p2 =	sne.s32 @!p2 s1, $0xF;
	s17 =	sshrl.u32 @p0 s17, $0x3  }
0x11: {  	s19 =	sshrl.u32 @!p0 s7, $0x3;
	s13 =	sadd.s32 s6, s10;
	s6 =	smul.u32 $0x2700, s1  }
0x12: {  	s10 =	sadd.s32 $0x5BE00, s10;
	p2 =	por @!p0 p2, p1;
	p1 =	por !p1, p0  }
0x13: {  	s12 =	sadd.s32 $0x83000, s13;
	s13 =	sadd.s32 $0x2E00, s13;
	p2 =	por p2, p0  }
0x14: {  	s20 =	sshrl.u32 @!p1 s20, $0x3;
	s8 =	sadd.s32 s4, s6;
	s21 =	sshrl.u32 @!p2 s9, $0x3  }
.LBB2_1:
0x15: {  	[spmem:s17], [sflag:s16] =	dma.local @p0 [hbm:s11], $0x2780  }
0x16: {  	s29 =	simm.s32 @p0 $0x2  }
0x17: {  	_ =	swait.ge @p0 [sflag:s29], $0x2780  }
0x18: {  	[sflag:s29] =	ssyncset.done @p0 $0x0  }
0x19: {  	[sflag:s29] =	ssyncadd.s32 @p0 $0xFFFFD880;
	s29 =	simm.s32 @!p0 $0x2  }
0x1a: {  	[spmem:s19], [sflag:s18] =	dma.local @!p0 [hbm:s8], $0x2700  }
0x1b: {  	_ =	swait.ge @!p0 [sflag:s29], $0x2700  }
0x1c: {  	[sflag:s29] =	ssyncset.done @!p0 $0x0  }
0x1d: {  	[sflag:s29] =	ssyncadd.s32 @!p0 $0xFFFFD900;
	s29 =	simm.s32 @!p1 $0x2  }
0x1e: {  	[spmem:s20], [sflag:s18] =	dma.local @!p1 [hbm:s5], $0x700  }
0x1f: {  	_ =	swait.ge @!p1 [sflag:s29], $0x700  }
0x20: {  	[sflag:s29] =	ssyncset.done @!p1 $0x0  }
0x21: {  	[sflag:s29] =	ssyncadd.s32 @!p1 $0xFFFFF900;
	s29 =	simm.s32 @!p2 $0x2  }
0x22: {  	[spmem:s21], [sflag:s18] =	dma.local @!p2 [hbm:s10], $0x100  }
0x23: {  	_ =	swait.ge @!p2 [sflag:s29], $0x100  }
0x24: {  	[sflag:s29] =	ssyncset.done @!p2 $0x0  }
0x25: {  	[sflag:s29] =	ssyncadd.s32 @!p2 $0xFFFFFF00  }
0x26: {  	[tilespmem:s3], [sflag:$0x2] =	stream.linear.gather [hbm4b:s12+s3], $0x2780, $0x38;
	[tilespmem:$0x1CC00] =	vst v63  }
0x27: {  	_ =	swait.ge [sflag:s22], $0x2780  }
0x28: {  	[sflag:s22] =	ssyncset.done $0x0  }
0x29: {  	[sflag:s22] =	ssyncadd.s32 $0xFFFFD880  }
0x2a: {  	[tilespmem:s23], [sflag:$0x2] =	stream.linear.gather [hbm4b:s13+s3], $0x2780, $0x38;
	[tilespmem:$0x1CC00] =	vst v63  }
0x2b: {  	_ =	swait.ge [sflag:s22], $0x2780  }
0x2c: {  	[sflag:s22] =	ssyncset.done $0x0  }
0x2d: {  	[sflag:s22] =	ssyncadd.s32 $0xFFFFD880  }
0x2e: {  	s29 =	simm.s32 $0x0;
	[bflag:$0x0] =	sbarrier.arrive $0xFFFF  }
0x2f: {  	[tilespmem:s25], [sflag:$0x1] =	stream.indirect.gather [hbm4b:s4+s24], $0x80, s29, s24, $0xb8;
	[tilespmem:$0x1CC00] =	vst v63  }
0x30: {  	_ =	swait.ge [sflag:s26], $0x4000  }
0x31: {  	[sflag:s26] =	ssyncset.done $0x0  }
0x32: {  	s29 =	simm.s32 $0x2800;
	[sflag:s26] =	ssyncadd.s32 $0xFFFFC000  }
0x33: {  	[spmem:s2] =	stream.indirect.scatter.add.f32 [tilespmem:s25], [sflag:$0x2], $0x80, s29, s24, $0xb8;
	[tilespmem:$0x1CC00] =	vst v63  }
0x34: {  	_ =	swait.ge [sflag:s22], $0x4000  }
0x35: {  	s30 =	simm.s32 $0x400;
	s29 =	simm.s32 $0x200;
	[sflag:s22] =	ssyncset.done $0x0  }
.LBB2_2:
0x36: {  	s31 =	sshra.s32 s29, $0x2  }
0x37: {  	[sflag:s22] =	ssyncadd.s32 $0xFFFFC000;
	s29 =	smov.u32 s30;
	s0 =	sadd.s32 $0x200, s30  }
0x38: {  	[tilespmem:s25], [sflag:$0x1] =	stream.indirect.gather [hbm4b:s4+s24], $0x80, s31, s24, $0xb8;
	[tilespmem:$0x1CC00] =	vst v63  }
0x39: {  	p4 =	sne.s32 s30, $0x9C00;
	_ =	swait.ge [sflag:s26], $0x4000  }
.Ltmp0:
0x3a: {  	[sflag:s26] =	ssyncset.done $0x0;
	(pc) =	sbr.rel @p4 .LBB2_2-.Ltmp0, $4  }
0x3b: {  	s30 =	sadd.s32 $0x2800, s31;
	[sflag:s26] =	ssyncadd.s32 $0xFFFFC000  }
0x3c: {  	[spmem:s2] =	stream.indirect.scatter.add.f32 [tilespmem:s25], [sflag:$0x2], $0x80, s30, s24, $0xb8;
	[tilespmem:$0x1CC00] =	vst v63  }
0x3d: {  	_ =	swait.ge [sflag:s22], $0x4000  }
0x3e: {  	s30 =	smov.u32 s0;
	[sflag:s22] =	ssyncset.done $0x0  }
0x3f: {  	s0 =	sshra.s32 s29, $0x2;
	[sflag:s22] =	ssyncadd.s32 $0xFFFFC000  }
0x40: {  	[tilespmem:s25], [sflag:$0x1] =	stream.indirect.gather [hbm4b:s4+s24], $0x80, s0, s24, $0xb8;
	[tilespmem:$0x1CC00] =	vst v63  }
0x41: {  	_ =	swait.ge [sflag:s26], $0x4000  }
0x42: {  	[sflag:s26] =	ssyncset.done $0x0  }
0x43: {  	s0 =	sadd.s32 $0x2800, s0;
	[sflag:s26] =	ssyncadd.s32 $0xFFFFC000  }
0x44: {  	[spmem:s2] =	stream.indirect.scatter.add.f32 [tilespmem:s25], [sflag:$0x2], $0x80, s0, s24, $0xb8;
	[tilespmem:$0x1CC00] =	vst v63  }
0x45: {  	_ =	swait.ge [sflag:s22], $0x4000  }
0x46: {  	[sflag:s22] =	ssyncset.done $0x0  }
0x47: {  	s30 =	sshll.u32 s1, $0x6;
	s31 =	sadd.s32 s6, s14;
	[sflag:s22] =	ssyncadd.s32 $0xFFFFC000  }
0x48: {  	s0 =	sor.u32 $0x1C02, s30;
	s30 =	sshrl.u32 s7, $0x3;
	[bflag:$0x0] =	sbarrier.arrive $0xFFFF  }
0x49: {  	[hbm:s31], [sflag:s0] =	dma.local [spmem:s30], $0x2700  }
0x4a: {  	_ =	swait.ge [sflag:s22], $0x2700  }
0x4b: {  	s29 =	sadd.s32 @!p3 $0x27000, s14;
	s28 =	sadd.s32 $0x1, s28;
	[sflag:s22] =	ssyncset.done $0x0  }
0x4c: {  	p4 =	sne.s32 s28, s15;
	s30 =	sshrl.u32 @!p3 s9, $0x3;
	[sflag:s22] =	ssyncadd.s32 $0xFFFFD900  }
0x4d: {  	[hbm:s29], [sflag:s0] =	dma.local @!p3 [spmem:s30], $0x100  }
.Ltmp1:
0x4e: {  	_ = 	snop;
	(pc) =	sbr.rel @p4 .LBB2_1-.Ltmp1, $4  }
0x4f: {  	s0 =	simm.s32 @!p3 $0x2  }
0x50: {  	_ =	swait.ge @!p3 [sflag:s0], $0x100  }
0x51: {  	[sflag:s0] =	ssyncset.done @!p3 $0x0  }
0x52: {  	[sflag:s0] =	ssyncadd.s32 @!p3 $0xFFFFFF00  }
0x53: {  	_ =	sfence.sel $0x180000  }
0x54: {  	[bflag:$0x0] =	sbarrier.arrive $0xFFFF  }
0x55: {  	_ =	strace $0x90000053  }
0x56: {  	[bflag:$0x2] =	sbarrier.arrive $0xFFFF  }
0x57: {  	p0 =	sne.s32 s1, $0x0;
	s0 =	rddreg [dreg:$0x2]  }
0x58: {  	s0 =	sadd.s32 @!p0 $0x100000, s0  }
0x59: {  	[sflag:s0] =	ssyncadd.tile.s32 @!p0 $0x1;
	_ =	shalt  }
.Lfunc_end2:
_tile_overlayer_lowered:
.L_overlay_start_2:
0x5a: {  	(tag) =	ssettag $0x2  }
0x5b: {  	s0 =	rddreg [dreg:$0x0];
	s2 =	stileid.u32  }
0x5c: {  	s1 =	rddreg [dreg:$0x1];
	p0 =	sne.s32 s2, $0x0  }
0x5d: {  	s3 =	rddreg [dreg:$0x2];
	[bflag:$0x3] =	sbarrier.arrive $0xFFFF;
	s2 =	simm.s32 @!p0 $0x1C02  }
0x5e: {  	[timem:s3], [sflag:s2] =	dma.local @!p0 [hbm:s0], s1  }
0x5f: {  	s0 =	simm.s32 @!p0 $0x2  }
0x60: {  	_ =	swait.ge @!p0 [sflag:s0], s1  }
0x61: {  	s1 =	ssub.s32 @!p0 $0x0, s1;
	[sflag:s0] =	ssyncset.done @!p0 $0x0  }
0x62: {  	[sflag:s0] =	ssyncadd.s32 @!p0 s1  }
0x63: {  	[bflag:$0x3] =	sbarrier.arrive $0xFFFF  }
0x64: {  	_ =	shalt  }

</sc_bundles>
